<compile_context>
chip_gen: v7x
topology: tpu7x:2x2x1
jax: 0.10.2.dev20260603
libtpu: 0.0.44.dev20260713+nightly
codegen_flags: <defaults>
</compile_context>

<pallas_src>
import jax
import jax.numpy as jnp
from jax import lax
from jax.experimental import pallas as pl
from jax.experimental.pallas import tpu as pltpu
from jax.experimental.pallas import tpu_sc as plsc

B, L, D = 4096, 200, 32
NBINS = 10
NSLOT = NBINS + 1
NC, NS, LANES = 2, 16, 16
NW = NC * NS
ROWS_PER_W = B // NW
BLK = ROWS_PER_W * L
NGROUPS = 13
WOFF = LANES
GCHUNKS = ((0, 128), (128, 80))


def _sc_embedder(t_hbm, idx_hbm, wx_hbm, ww_hbm, out_hbm,
                 t_all, idx_all, ww_v, emb_v, sbin_v, res_v, cnt_v,
                 zero_v, shared, sem_g, sem_s, sem_o):
    wid = lax.axis_index("s") * NC + lax.axis_index("c")
    wtile = lax.axis_index("s")
    base = wid * BLK
    sbase = wtile * NSLOT

    def gather_descs(i, buf):
        ds = []
        for off, sz in GCHUNKS:
            idxsl = idx_all.at[pl.ds(i * L + off, sz)]
            ds.append(pltpu.make_async_copy(
                wx_hbm.at[idxsl], emb_v[buf].at[pl.ds(off, sz)], sem_g[buf]))
            ds.append(pltpu.make_async_copy(
                ww_hbm.at[idxsl], ww_v[buf].at[pl.ds(WOFF + off, sz)],
                sem_g[buf]))
        return ds

    def scatter_descs(buf):
        return [
            pltpu.make_async_copy(
                emb_v[buf].at[pl.ds(0, 128)],
                shared.at[sbin_v[buf].at[0]], sem_s),
            pltpu.make_async_copy(
                emb_v[buf].at[pl.ds(128, 128)],
                shared.at[sbin_v[buf].at[1]], sem_s),
        ]

    def out_desc(i, buf):
        return pltpu.make_async_copy(
            res_v[buf].at[pl.ds(0, NBINS)],
            out_hbm.at[pl.ds((wid * ROWS_PER_W + i) * NBINS, NBINS)],
            sem_o[buf])

    def compute(i, buf):
        cnt = cnt_v[buf]
        cnt[...] = jnp.zeros((LANES,), jnp.float32)
        wait_gathers = gather_descs(i, buf)
        for dsc in wait_gathers:
            dsc.wait()
        ones = jnp.ones((LANES,), jnp.float32)
        tb = i * L
        woff16 = jnp.zeros((LANES,), jnp.int32) + wtile * NSLOT
        for g in range(NGROUPS):
            toks = lax.iota(jnp.int32, LANES) + g * LANES
            t16 = t_all[pl.ds(tb + g * LANES, LANES)]
            bins = t16.astype(jnp.int32)
            mask = t16 < 10.0
            if (g + 1) * LANES > L:
                mask = mask & (toks < L)
                bins = jnp.where(toks < L, bins, NBINS)
            plsc.addupdate_scatter(cnt, [bins + 1], ones, mask=mask)
            r, c = divmod(g * LANES, 128)
            sbin_v[buf][r, pl.ds(c, LANES)] = bins + woff16
            wsl = ww_v[buf].at[pl.ds(WOFF + g * LANES, LANES)]
            wsl[...] = jnp.exp(wsl[...])
        for c in (80, 96, 112):
            sbin_v[buf][1, pl.ds(c, LANES)] = woff16 + NBINS

        @plsc.parallel_loop(0, L, unroll=8)
        def _scale_body(tok):
            w = plsc.load_gather(
                ww_v[buf], [jnp.zeros((LANES,), jnp.int32) + (tok + WOFF)])
            emb_v[buf][tok, pl.ds(0, LANES)] = (
                emb_v[buf][tok, pl.ds(0, LANES)] * w)
            emb_v[buf][tok, pl.ds(LANES, LANES)] = (
                emb_v[buf][tok, pl.ds(LANES, LANES)] * w)

        for dsc in scatter_descs(buf):
            dsc.start(add=True)
            dsc.wait()
        pltpu.sync_copy(shared.at[pl.ds(sbase, NBINS)],
                        res_v[buf].at[pl.ds(0, NBINS)])
        pltpu.sync_copy(zero_v, shared.at[pl.ds(sbase, NSLOT)])

        @plsc.parallel_loop(0, NBINS)
        def _div_body(bn):
            c0 = plsc.load_gather(cnt, [jnp.zeros((LANES,), jnp.int32) + bn + 1])
            denom = c0 + 1e-6
            for h in range(2):
                res_v[buf][bn, pl.ds(h * LANES, LANES)] = (
                    res_v[buf][bn, pl.ds(h * LANES, LANES)] / denom)
        out_desc(i, buf).start()

    idx_all[pl.ds(BLK - 8, LANES)] = jnp.zeros((LANES,), jnp.int32)
    pltpu.sync_copy(t_hbm.at[pl.ds(base, BLK)], t_all.at[pl.ds(0, BLK)])
    pltpu.sync_copy(idx_hbm.at[pl.ds(base, BLK)], idx_all.at[pl.ds(0, BLK)])
    zf = jnp.zeros((LANES,), jnp.float32)
    for r in range(NSLOT):
        zero_v[r, pl.ds(0, LANES)] = zf
        zero_v[r, pl.ds(LANES, LANES)] = zf
    pltpu.sync_copy(zero_v, shared.at[pl.ds(sbase, NSLOT)])

    for dsc in gather_descs(0, 0):
        dsc.start()

    def pair_body(p, carry):
        i0 = 2 * p
        i1 = i0 + 1

        @pl.when(p > 0)
        def _():
            out_desc(i0 - 2, 0).wait()
        compute(i0, 0)
        for dsc in gather_descs(i1, 1):
            dsc.start()

        @pl.when(p < ROWS_PER_W // 2 - 1)
        def _():
            for dsc in gather_descs(i0 + 2, 0):
                dsc.start()

        @pl.when(p > 0)
        def _():
            out_desc(i1 - 2, 1).wait()
        compute(i1, 1)
        return carry

    lax.fori_loop(0, ROWS_PER_W // 2, pair_body, 0)
    out_desc(ROWS_PER_W - 2, 0).wait()
    out_desc(ROWS_PER_W - 1, 1).wait()


def _build():
    mesh = plsc.VectorSubcoreMesh(core_axis_name="c", subcore_axis_name="s")
    return pl.kernel(
        _sc_embedder,
        out_type=jax.ShapeDtypeStruct((B * NBINS, D), jnp.float32),
        mesh=mesh,
        scratch_types=[
            pltpu.VMEM((BLK + 8,), jnp.float32),
            pltpu.VMEM((BLK + 8,), jnp.int32),
            [pltpu.VMEM((256 + WOFF,), jnp.float32)] * 2,
            [pltpu.VMEM((256, D), jnp.float32)] * 2,
            [pltpu.VMEM((2, 128), jnp.int32)] * 2,
            [pltpu.VMEM((NBINS, D), jnp.float32)] * 2,
            [pltpu.VMEM((LANES,), jnp.float32)] * 2,
            pltpu.VMEM((NSLOT, D), jnp.float32),
            pltpu.VMEM_SHARED((NS * NSLOT, D), jnp.float32),
            [pltpu.SemaphoreType.DMA] * 2,
            pltpu.SemaphoreType.DMA,
            [pltpu.SemaphoreType.DMA] * 2,
        ],
        compiler_params=pltpu.CompilerParams(needs_layout_passes=False,
                                             use_tc_tiling_on_sc=False),
    )


def kernel(X, Wx, Ww):
    T = X[:, :, 0].reshape(-1)
    idx = X[:, :, 1].astype(jnp.int32).reshape(-1)
    fn = _build()
    out = fn(T, idx, Wx, Ww.reshape(-1))
    return out.reshape(B, NBINS, D)

# --- scband reference (transcript-rebuilt; emitter-appended) ---
"""Pipeline reference for scband-embedder-20959440405113 (READ-ONLY COPY).

The authoritative reference and input builder live on the scoring server;
editing this copy changes nothing except your own understanding.
"""

import jax, jax.numpy as jnp
import numpy as np

N_TOKENS = 1000000
LATENT_DIM = 32
DT = 1.0
B, L = 4096, 200
T_MAX_GEN = 10.0


def setup_inputs(seed: int = 0) -> dict:
    key = jax.random.key(seed)
    k1, k2, k3, k4 = jax.random.split(key, 4)
    # channel 0: event times in [0, 10], with exact max pinned so t_max is deterministic
    T = jax.random.uniform(k1, (B, L), jnp.float32, 0.0, T_MAX_GEN)
    T = T.at[0, 0].set(T_MAX_GEN)
    # channel 1: token ids in [0, n_tokens] stored as float (0 == padding idx)
    idx = jax.random.randint(k2, (B, L), 0, N_TOKENS + 1).astype(jnp.float32)
    X = jnp.stack([T, idx], axis=2)
    # embedX weights: truncnorm(-t, t) approximated by clipped scaled normal; padding row zeroed
    t = 1.0 / float(N_TOKENS + 1) ** 0.5
    Wx = jnp.clip(jax.random.normal(k3, (N_TOKENS + 1, LATENT_DIM), jnp.float32) * t, -t, t)
    Wx = Wx.at[0].set(0.0)
    t2 = 1.0 / float(N_TOKENS + 1) ** 0.5
    Ww = jnp.clip(jax.random.normal(k4, (N_TOKENS + 1, 1), jnp.float32) * t2, -t2, t2)
    Ww = Ww.at[0].set(0.0)
    return {"X": X, "Wx": Wx, "Ww": Ww}


def reference(X, Wx, Ww):
    # Embedder.forward (weighted=True)
    T = X[:, :, 0]
    idx = X[:, :, 1].astype(jnp.int32)
    t_max = T_MAX_GEN
    n = T.shape[1]
    T = T[:, :n]
    idx = idx[:, :n]
    embedded = Wx[idx]                      # F.embedding(X, weights, padding_idx=0)
    w = jnp.exp(Ww[idx])                    # embedW lookup + exp
    outs = []
    for t in np.arange(0.0, t_max, DT, dtype=np.float32):
        t_idx = ((t <= T) & (T < t + 1)).astype(jnp.float32)[:, :, None]
        counts = jnp.sum(t_idx, axis=1, keepdims=True)
        w_t = t_idx * w
        X_t = w_t * embedded
        X_t_avg = jnp.sum(X_t, axis=1, keepdims=True) / (counts + 1e-06)
        outs.append(X_t_avg)
    return jnp.concatenate(outs, axis=1)

if __name__ == "__main__":
    import jax
    _d = setup_inputs()
    print(jax.jit(kernel)(*tuple(_d.values())))

</pallas_src>

<mosaic_0001>
#map = affine_map<(d0, d1) -> (0)>
#map1 = affine_map<(d0, d1) -> (0, 0)>
module attributes {stable_mosaic.version = 14 : i64} {
  func.func @_sc_embedder(%arg0: i32, %arg1: i32, %arg2: memref<819200xf32, #tpu.memory_space<hbm>>, %arg3: memref<819200xi32, #tpu.memory_space<hbm>>, %arg4: memref<1000001x32xf32, #tpu.memory_space<hbm>>, %arg5: memref<1000001xf32, #tpu.memory_space<hbm>>, %arg6: memref<40960x32xf32, #tpu.memory_space<hbm>>, %arg7: memref<25608xf32, #tpu.memory_space<vmem>>, %arg8: memref<25608xi32, #tpu.memory_space<vmem>>, %arg9: memref<272xf32, #tpu.memory_space<vmem>>, %arg10: memref<272xf32, #tpu.memory_space<vmem>>, %arg11: memref<256x32xf32, #tpu.memory_space<vmem>>, %arg12: memref<256x32xf32, #tpu.memory_space<vmem>>, %arg13: memref<2x128xi32, #tpu.memory_space<vmem>>, %arg14: memref<2x128xi32, #tpu.memory_space<vmem>>, %arg15: memref<10x32xf32, #tpu.memory_space<vmem>>, %arg16: memref<10x32xf32, #tpu.memory_space<vmem>>, %arg17: memref<16xf32, #tpu.memory_space<vmem>>, %arg18: memref<16xf32, #tpu.memory_space<vmem>>, %arg19: memref<11x32xf32, #tpu.memory_space<vmem>>, %arg20: memref<176x32xf32, #tpu.memory_space<vmem_shared>>, %arg21: memref<!tpu.dma_semaphore, #tpu.memory_space<semaphore_mem>>, %arg22: memref<!tpu.dma_semaphore, #tpu.memory_space<semaphore_mem>>, %arg23: memref<!tpu.dma_semaphore, #tpu.memory_space<semaphore_mem>>, %arg24: memref<!tpu.dma_semaphore, #tpu.memory_space<semaphore_mem>>, %arg25: memref<!tpu.dma_semaphore, #tpu.memory_space<semaphore_mem>>) attributes {dimension_semantics = [#tpu.dimension_semantics<core_parallel>, #tpu.dimension_semantics<subcore_parallel>], iteration_bounds = array<i64: 2, 16>, scalar_prefetch = 0 : i64, scratch_operands = 19 : i64, tpu.core_type = #tpu.core_type<sc_vector_subcore>, window_params = [{transform_indices = #map}, {transform_indices = #map}, {transform_indices = #map1}, {transform_indices = #map}, {transform_indices = #map1}]} {
    %mul3A = arith.constant 2 : i32
    %mul3A_0 = arith.muli %arg1, %mul3A : i32
    %add3A = arith.addi %mul3A_0, %arg0 : i32
    %mul3A_1 = arith.constant 25600 : i32
    %mul3A_2 = arith.muli %add3A, %mul3A_1 : i32
    %mul3A_3 = arith.constant 11 : i32
    %mul3A_4 = arith.muli %arg1, %mul3A_3 : i32
    %broadcast_in_dim3A = arith.constant 0 : i32
    %broadcast_in_dim3A_5 = vector.broadcast %broadcast_in_dim3A : i32 to vector<16xi32>
    %swap3A = arith.constant 25592 : index
    %swap3A_6 = tpu.vector_load %arg8[%swap3A] {strides = array<i32>} : memref<25608xi32, #tpu.memory_space<vmem>>, vector<16xi32>,
    tpu.vector_store %arg8[%swap3A], %broadcast_in_dim3A_5 {strides = array<i32>} : memref<25608xi32, #tpu.memory_space<vmem>>, vector<16xi32>,
    "tpu.region"() ({
      %run_scoped3A = tpu.sem_alloc : memref<!tpu.dma_semaphore, #tpu.memory_space<semaphore_mem>>
      %dma_start3A_160 = arith.constant 0 : i32
      %dma_start3A_161 = tpu.memref_slice %arg7[%dma_start3A_160] : memref<25608xf32, #tpu.memory_space<vmem>> -> memref<25600xf32, #tpu.memory_space<vmem>>
      %dma_start3A_162 = tpu.memref_slice %arg2[%mul3A_2] : memref<819200xf32, #tpu.memory_space<hbm>> -> memref<25600xf32, #tpu.memory_space<hbm>>
      %dma_start3A_163 = arith.constant 0 : i32
      %dma_start3A_164 = tpu.memref_slice %arg7[%dma_start3A_163] : memref<25608xf32, #tpu.memory_space<vmem>> -> memref<25600xf32, #tpu.memory_space<vmem>>
      %dma_start3A_165 = tpu.memref_slice %arg2[%mul3A_2] : memref<819200xf32, #tpu.memory_space<hbm>> -> memref<25600xf32, #tpu.memory_space<hbm>>
      tpu.enqueue_dma source(%dma_start3A_165 : memref<25600xf32, #tpu.memory_space<hbm>>) target(%dma_start3A_164 : memref<25600xf32, #tpu.memory_space<vmem>>) target_semaphore(%run_scoped3A : memref<!tpu.dma_semaphore, #tpu.memory_space<semaphore_mem>>)
      %dma_wait3A_166 = arith.constant 0 : i32
      %dma_wait3A_167 = tpu.memref_slice %arg7[%dma_wait3A_166] : memref<25608xf32, #tpu.memory_space<vmem>> -> memref<25600xf32, #tpu.memory_space<vmem>>
      %dma_wait3A_168 = tpu.memref_slice %arg2[%mul3A_2] : memref<819200xf32, #tpu.memory_space<hbm>> -> memref<25600xf32, #tpu.memory_space<hbm>>
      %dma_wait3A_169 = arith.constant 0 : i32
      %dma_wait3A_170 = tpu.memref_slice %arg7[%dma_wait3A_169] : memref<25608xf32, #tpu.memory_space<vmem>> -> memref<25600xf32, #tpu.memory_space<vmem>>
      %dma_wait3A_171 = tpu.memref_slice %arg2[%mul3A_2] : memref<819200xf32, #tpu.memory_space<hbm>> -> memref<25600xf32, #tpu.memory_space<hbm>>
      tpu.wait_dma2 semaphore(%run_scoped3A : memref<!tpu.dma_semaphore, #tpu.memory_space<semaphore_mem>>) src(%dma_wait3A_171 : memref<25600xf32, #tpu.memory_space<hbm>>) dst(%dma_wait3A_170 : memref<25600xf32, #tpu.memory_space<vmem>>)
      tpu.yield
    }) : () -> ()
    "tpu.region"() ({
      %run_scoped3A = tpu.sem_alloc : memref<!tpu.dma_semaphore, #tpu.memory_space<semaphore_mem>>
      %dma_start3A_160 = arith.constant 0 : i32
      %dma_start3A_161 = tpu.memref_slice %arg8[%dma_start3A_160] : memref<25608xi32, #tpu.memory_space<vmem>> -> memref<25600xi32, #tpu.memory_space<vmem>>
      %dma_start3A_162 = tpu.memref_slice %arg3[%mul3A_2] : memref<819200xi32, #tpu.memory_space<hbm>> -> memref<25600xi32, #tpu.memory_space<hbm>>
      %dma_start3A_163 = arith.constant 0 : i32
      %dma_start3A_164 = tpu.memref_slice %arg8[%dma_start3A_163] : memref<25608xi32, #tpu.memory_space<vmem>> -> memref<25600xi32, #tpu.memory_space<vmem>>
      %dma_start3A_165 = tpu.memref_slice %arg3[%mul3A_2] : memref<819200xi32, #tpu.memory_space<hbm>> -> memref<25600xi32, #tpu.memory_space<hbm>>
      tpu.enqueue_dma source(%dma_start3A_165 : memref<25600xi32, #tpu.memory_space<hbm>>) target(%dma_start3A_164 : memref<25600xi32, #tpu.memory_space<vmem>>) target_semaphore(%run_scoped3A : memref<!tpu.dma_semaphore, #tpu.memory_space<semaphore_mem>>)
      %dma_wait3A_166 = arith.constant 0 : i32
      %dma_wait3A_167 = tpu.memref_slice %arg8[%dma_wait3A_166] : memref<25608xi32, #tpu.memory_space<vmem>> -> memref<25600xi32, #tpu.memory_space<vmem>>
      %dma_wait3A_168 = tpu.memref_slice %arg3[%mul3A_2] : memref<819200xi32, #tpu.memory_space<hbm>> -> memref<25600xi32, #tpu.memory_space<hbm>>
      %dma_wait3A_169 = arith.constant 0 : i32
      %dma_wait3A_170 = tpu.memref_slice %arg8[%dma_wait3A_169] : memref<25608xi32, #tpu.memory_space<vmem>> -> memref<25600xi32, #tpu.memory_space<vmem>>
      %dma_wait3A_171 = tpu.memref_slice %arg3[%mul3A_2] : memref<819200xi32, #tpu.memory_space<hbm>> -> memref<25600xi32, #tpu.memory_space<hbm>>
      tpu.wait_dma2 semaphore(%run_scoped3A : memref<!tpu.dma_semaphore, #tpu.memory_space<semaphore_mem>>) src(%dma_wait3A_171 : memref<25600xi32, #tpu.memory_space<hbm>>) dst(%dma_wait3A_170 : memref<25600xi32, #tpu.memory_space<vmem>>)
      tpu.yield
    }) : () -> ()
    %broadcast_in_dim3A_7 = arith.constant 0.000000e+00 : f32
    %broadcast_in_dim3A_8 = vector.broadcast %broadcast_in_dim3A_7 : f32 to vector<16xf32>
    %swap3A_9 = arith.constant 0 : i32
    %swap3A_10 = arith.index_cast %swap3A_9 : i32 to index
    %swap3A_11 = arith.constant 0 : index
    %swap3A_12 = tpu.vector_load %arg19[%swap3A_10, %swap3A_11] {strides = array<i32>} : memref<11x32xf32, #tpu.memory_space<vmem>>, vector<16xf32>,
    tpu.vector_store %arg19[%swap3A_10, %swap3A_11], %broadcast_in_dim3A_8 {strides = array<i32>} : memref<11x32xf32, #tpu.memory_space<vmem>>, vector<16xf32>,
    %swap3A_13 = arith.constant 0 : i32
    %swap3A_14 = arith.index_cast %swap3A_13 : i32 to index
    %swap3A_15 = arith.constant 16 : index
    %swap3A_16 = tpu.vector_load %arg19[%swap3A_14, %swap3A_15] {strides = array<i32>} : memref<11x32xf32, #tpu.memory_space<vmem>>, vector<16xf32>,
    tpu.vector_store %arg19[%swap3A_14, %swap3A_15], %broadcast_in_dim3A_8 {strides = array<i32>} : memref<11x32xf32, #tpu.memory_space<vmem>>, vector<16xf32>,
    %swap3A_17 = arith.constant 1 : i32
    %swap3A_18 = arith.index_cast %swap3A_17 : i32 to index
    %swap3A_19 = arith.constant 0 : index
    %swap3A_20 = tpu.vector_load %arg19[%swap3A_18, %swap3A_19] {strides = array<i32>} : memref<11x32xf32, #tpu.memory_space<vmem>>, vector<16xf32>,
    tpu.vector_store %arg19[%swap3A_18, %swap3A_19], %broadcast_in_dim3A_8 {strides = array<i32>} : memref<11x32xf32, #tpu.memory_space<vmem>>, vector<16xf32>,
    %swap3A_21 = arith.constant 1 : i32
    %swap3A_22 = arith.index_cast %swap3A_21 : i32 to index
    %swap3A_23 = arith.constant 16 : index
    %swap3A_24 = tpu.vector_load %arg19[%swap3A_22, %swap3A_23] {strides = array<i32>} : memref<11x32xf32, #tpu.memory_space<vmem>>, vector<16xf32>,
    tpu.vector_store %arg19[%swap3A_22, %swap3A_23], %broadcast_in_dim3A_8 {strides = array<i32>} : memref<11x32xf32, #tpu.memory_space<vmem>>, vector<16xf32>,
    %swap3A_25 = arith.constant 2 : i32
    %swap3A_26 = arith.index_cast %swap3A_25 : i32 to index
    %swap3A_27 = arith.constant 0 : index
    %swap3A_28 = tpu.vector_load %arg19[%swap3A_26, %swap3A_27] {strides = array<i32>} : memref<11x32xf32, #tpu.memory_space<vmem>>, vector<16xf32>,
    tpu.vector_store %arg19[%swap3A_26, %swap3A_27], %broadcast_in_dim3A_8 {strides = array<i32>} : memref<11x32xf32, #tpu.memory_space<vmem>>, vector<16xf32>,
    %swap3A_29 = arith.constant 2 : i32
    %swap3A_30 = arith.index_cast %swap3A_29 : i32 to index
    %swap3A_31 = arith.constant 16 : index
    %swap3A_32 = tpu.vector_load %arg19[%swap3A_30, %swap3A_31] {strides = array<i32>} : memref<11x32xf32, #tpu.memory_space<vmem>>, vector<16xf32>,
    tpu.vector_store %arg19[%swap3A_30, %swap3A_31], %broadcast_in_dim3A_8 {strides = array<i32>} : memref<11x32xf32, #tpu.memory_space<vmem>>, vector<16xf32>,
    %swap3A_33 = arith.constant 3 : i32
    %swap3A_34 = arith.index_cast %swap3A_33 : i32 to index
    %swap3A_35 = arith.constant 0 : index
    %swap3A_36 = tpu.vector_load %arg19[%swap3A_34, %swap3A_35] {strides = array<i32>} : memref<11x32xf32, #tpu.memory_space<vmem>>, vector<16xf32>,
    tpu.vector_store %arg19[%swap3A_34, %swap3A_35], %broadcast_in_dim3A_8 {strides = array<i32>} : memref<11x32xf32, #tpu.memory_space<vmem>>, vector<16xf32>,
    %swap3A_37 = arith.constant 3 : i32
    %swap3A_38 = arith.index_cast %swap3A_37 : i32 to index
    %swap3A_39 = arith.constant 16 : index
    %swap3A_40 = tpu.vector_load %arg19[%swap3A_38, %swap3A_39] {strides = array<i32>} : memref<11x32xf32, #tpu.memory_space<vmem>>, vector<16xf32>,
    tpu.vector_store %arg19[%swap3A_38, %swap3A_39], %broadcast_in_dim3A_8 {strides = array<i32>} : memref<11x32xf32, #tpu.memory_space<vmem>>, vector<16xf32>,
    %swap3A_41 = arith.constant 4 : i32
    %swap3A_42 = arith.index_cast %swap3A_41 : i32 to index
    %swap3A_43 = arith.constant 0 : index
    %swap3A_44 = tpu.vector_load %arg19[%swap3A_42, %swap3A_43] {strides = array<i32>} : memref<11x32xf32, #tpu.memory_space<vmem>>, vector<16xf32>,
    tpu.vector_store %arg19[%swap3A_42, %swap3A_43], %broadcast_in_dim3A_8 {strides = array<i32>} : memref<11x32xf32, #tpu.memory_space<vmem>>, vector<16xf32>,
    %swap3A_45 = arith.constant 4 : i32
    %swap3A_46 = arith.index_cast %swap3A_45 : i32 to index
    %swap3A_47 = arith.constant 16 : index
    %swap3A_48 = tpu.vector_load %arg19[%swap3A_46, %swap3A_47] {strides = array<i32>} : memref<11x32xf32, #tpu.memory_space<vmem>>, vector<16xf32>,
    tpu.vector_store %arg19[%swap3A_46, %swap3A_47], %broadcast_in_dim3A_8 {strides = array<i32>} : memref<11x32xf32, #tpu.memory_space<vmem>>, vector<16xf32>,
    %swap3A_49 = arith.constant 5 : i32
    %swap3A_50 = arith.index_cast %swap3A_49 : i32 to index
    %swap3A_51 = arith.constant 0 : index
    %swap3A_52 = tpu.vector_load %arg19[%swap3A_50, %swap3A_51] {strides = array<i32>} : memref<11x32xf32, #tpu.memory_space<vmem>>, vector<16xf32>,
    tpu.vector_store %arg19[%swap3A_50, %swap3A_51], %broadcast_in_dim3A_8 {strides = array<i32>} : memref<11x32xf32, #tpu.memory_space<vmem>>, vector<16xf32>,
    %swap3A_53 = arith.constant 5 : i32
    %swap3A_54 = arith.index_cast %swap3A_53 : i32 to index
    %swap3A_55 = arith.constant 16 : index
    %swap3A_56 = tpu.vector_load %arg19[%swap3A_54, %swap3A_55] {strides = array<i32>} : memref<11x32xf32, #tpu.memory_space<vmem>>, vector<16xf32>,
    tpu.vector_store %arg19[%swap3A_54, %swap3A_55], %broadcast_in_dim3A_8 {strides = array<i32>} : memref<11x32xf32, #tpu.memory_space<vmem>>, vector<16xf32>,
    %swap3A_57 = arith.constant 6 : i32
    %swap3A_58 = arith.index_cast %swap3A_57 : i32 to index
    %swap3A_59 = arith.constant 0 : index
    %swap3A_60 = tpu.vector_load %arg19[%swap3A_58, %swap3A_59] {strides = array<i32>} : memref<11x32xf32, #tpu.memory_space<vmem>>, vector<16xf32>,
    tpu.vector_store %arg19[%swap3A_58, %swap3A_59], %broadcast_in_dim3A_8 {strides = array<i32>} : memref<11x32xf32, #tpu.memory_space<vmem>>, vector<16xf32>,
    %swap3A_61 = arith.constant 6 : i32
    %swap3A_62 = arith.index_cast %swap3A_61 : i32 to index
    %swap3A_63 = arith.constant 16 : index
    %swap3A_64 = tpu.vector_load %arg19[%swap3A_62, %swap3A_63] {strides = array<i32>} : memref<11x32xf32, #tpu.memory_space<vmem>>, vector<16xf32>,
    tpu.vector_store %arg19[%swap3A_62, %swap3A_63], %broadcast_in_dim3A_8 {strides = array<i32>} : memref<11x32xf32, #tpu.memory_space<vmem>>, vector<16xf32>,
    %swap3A_65 = arith.constant 7 : i32
    %swap3A_66 = arith.index_cast %swap3A_65 : i32 to index
    %swap3A_67 = arith.constant 0 : index
    %swap3A_68 = tpu.vector_load %arg19[%swap3A_66, %swap3A_67] {strides = array<i32>} : memref<11x32xf32, #tpu.memory_space<vmem>>, vector<16xf32>,
    tpu.vector_store %arg19[%swap3A_66, %swap3A_67], %broadcast_in_dim3A_8 {strides = array<i32>} : memref<11x32xf32, #tpu.memory_space<vmem>>, vector<16xf32>,
    %swap3A_69 = arith.constant 7 : i32
    %swap3A_70 = arith.index_cast %swap3A_69 : i32 to index
    %swap3A_71 = arith.constant 16 : index
    %swap3A_72 = tpu.vector_load %arg19[%swap3A_70, %swap3A_71] {strides = array<i32>} : memref<11x32xf32, #tpu.memory_space<vmem>>, vector<16xf32>,
    tpu.vector_store %arg19[%swap3A_70, %swap3A_71], %broadcast_in_dim3A_8 {strides = array<i32>} : memref<11x32xf32, #tpu.memory_space<vmem>>, vector<16xf32>,
    %swap3A_73 = arith.constant 8 : i32
    %swap3A_74 = arith.index_cast %swap3A_73 : i32 to index
    %swap3A_75 = arith.constant 0 : index
    %swap3A_76 = tpu.vector_load %arg19[%swap3A_74, %swap3A_75] {strides = array<i32>} : memref<11x32xf32, #tpu.memory_space<vmem>>, vector<16xf32>,
    tpu.vector_store %arg19[%swap3A_74, %swap3A_75], %broadcast_in_dim3A_8 {strides = array<i32>} : memref<11x32xf32, #tpu.memory_space<vmem>>, vector<16xf32>,
    %swap3A_77 = arith.constant 8 : i32
    %swap3A_78 = arith.index_cast %swap3A_77 : i32 to index
    %swap3A_79 = arith.constant 16 : index
    %swap3A_80 = tpu.vector_load %arg19[%swap3A_78, %swap3A_79] {strides = array<i32>} : memref<11x32xf32, #tpu.memory_space<vmem>>, vector<16xf32>,
    tpu.vector_store %arg19[%swap3A_78, %swap3A_79], %broadcast_in_dim3A_8 {strides = array<i32>} : memref<11x32xf32, #tpu.memory_space<vmem>>, vector<16xf32>,
    %swap3A_81 = arith.constant 9 : i32
    %swap3A_82 = arith.index_cast %swap3A_81 : i32 to index
    %swap3A_83 = arith.constant 0 : index
    %swap3A_84 = tpu.vector_load %arg19[%swap3A_82, %swap3A_83] {strides = array<i32>} : memref<11x32xf32, #tpu.memory_space<vmem>>, vector<16xf32>,
    tpu.vector_store %arg19[%swap3A_82, %swap3A_83], %broadcast_in_dim3A_8 {strides = array<i32>} : memref<11x32xf32, #tpu.memory_space<vmem>>, vector<16xf32>,
    %swap3A_85 = arith.constant 9 : i32
    %swap3A_86 = arith.index_cast %swap3A_85 : i32 to index
    %swap3A_87 = arith.constant 16 : index
    %swap3A_88 = tpu.vector_load %arg19[%swap3A_86, %swap3A_87] {strides = array<i32>} : memref<11x32xf32, #tpu.memory_space<vmem>>, vector<16xf32>,
    tpu.vector_store %arg19[%swap3A_86, %swap3A_87], %broadcast_in_dim3A_8 {strides = array<i32>} : memref<11x32xf32, #tpu.memory_space<vmem>>, vector<16xf32>,
    %swap3A_89 = arith.constant 10 : i32
    %swap3A_90 = arith.index_cast %swap3A_89 : i32 to index
    %swap3A_91 = arith.constant 0 : index
    %swap3A_92 = tpu.vector_load %arg19[%swap3A_90, %swap3A_91] {strides = array<i32>} : memref<11x32xf32, #tpu.memory_space<vmem>>, vector<16xf32>,
    tpu.vector_store %arg19[%swap3A_90, %swap3A_91], %broadcast_in_dim3A_8 {strides = array<i32>} : memref<11x32xf32, #tpu.memory_space<vmem>>, vector<16xf32>,
    %swap3A_93 = arith.constant 10 : i32
    %swap3A_94 = arith.index_cast %swap3A_93 : i32 to index
    %swap3A_95 = arith.constant 16 : index
    %swap3A_96 = tpu.vector_load %arg19[%swap3A_94, %swap3A_95] {strides = array<i32>} : memref<11x32xf32, #tpu.memory_space<vmem>>, vector<16xf32>,
    tpu.vector_store %arg19[%swap3A_94, %swap3A_95], %broadcast_in_dim3A_8 {strides = array<i32>} : memref<11x32xf32, #tpu.memory_space<vmem>>, vector<16xf32>,
    "tpu.region"() ({
      %run_scoped3A = tpu.sem_alloc : memref<!tpu.dma_semaphore, #tpu.memory_space<semaphore_mem>>
      %dma_start3A_160 = arith.constant 0 : i32
      %dma_start3A_161 = tpu.memref_slice %arg20[%mul3A_4, %dma_start3A_160] : memref<176x32xf32, #tpu.memory_space<vmem_shared>> -> memref<11x32xf32, #tpu.memory_space<vmem_shared>>
      %dma_start3A_162 = arith.constant 0 : i32
      %dma_start3A_163 = tpu.memref_slice %arg20[%mul3A_4, %dma_start3A_162] : memref<176x32xf32, #tpu.memory_space<vmem_shared>> -> memref<11x32xf32, #tpu.memory_space<vmem_shared>>
      tpu.enqueue_dma source(%arg19 : memref<11x32xf32, #tpu.memory_space<vmem>>) target(%dma_start3A_163 : memref<11x32xf32, #tpu.memory_space<vmem_shared>>) target_semaphore(%run_scoped3A : memref<!tpu.dma_semaphore, #tpu.memory_space<semaphore_mem>>)
      %dma_wait3A_164 = arith.constant 0 : i32
      %dma_wait3A_165 = tpu.memref_slice %arg20[%mul3A_4, %dma_wait3A_164] : memref<176x32xf32, #tpu.memory_space<vmem_shared>> -> memref<11x32xf32, #tpu.memory_space<vmem_shared>>
      %dma_wait3A_166 = arith.constant 0 : i32
      %dma_wait3A_167 = tpu.memref_slice %arg20[%mul3A_4, %dma_wait3A_166] : memref<176x32xf32, #tpu.memory_space<vmem_shared>> -> memref<11x32xf32, #tpu.memory_space<vmem_shared>>
      tpu.wait_dma2 semaphore(%run_scoped3A : memref<!tpu.dma_semaphore, #tpu.memory_space<semaphore_mem>>) src(%arg19 : memref<11x32xf32, #tpu.memory_space<vmem>>) dst(%dma_wait3A_167 : memref<11x32xf32, #tpu.memory_space<vmem_shared>>)
      tpu.yield
    }) : () -> ()
    %dma_start3A = arith.constant 0 : i32
    %dma_start3A_97 = arith.constant 0 : i32
    %dma_start3A_98 = tpu.memref_slice %arg11[%dma_start3A, %dma_start3A_97] : memref<256x32xf32, #tpu.memory_space<vmem>> -> memref<128x32xf32, #tpu.memory_space<vmem>>
    %dma_start3A_99 = arith.constant 0 : i32
    %dma_start3A_100 = tpu.memref_slice %arg8[%dma_start3A_99] : memref<25608xi32, #tpu.memory_space<vmem>> -> memref<128xi32, #tpu.memory_space<vmem>>
    %dma_start3A_101 = arith.constant 0 : i32
    %dma_start3A_102 = arith.constant 0 : i32
    %dma_start3A_103 = tpu.memref_slice %arg4[%dma_start3A_101, %dma_start3A_102] : memref<1000001x32xf32, #tpu.memory_space<hbm>> -> memref<1000001x32xf32, #tpu.memory_space<hbm>>
    tpu.enqueue_indirect_dma source(%dma_start3A_103 : memref<1000001x32xf32, #tpu.memory_space<hbm>>) target(%dma_start3A_98 : memref<128x32xf32, #tpu.memory_space<vmem>>) offsets(%dma_start3A_100 : memref<128xi32, #tpu.memory_space<vmem>>) semaphore(%arg21 : memref<!tpu.dma_semaphore, #tpu.memory_space<semaphore_mem>>)
    %dma_start3A_104 = arith.constant 16 : i32
    %dma_start3A_105 = tpu.memref_slice %arg9[%dma_start3A_104] : memref<272xf32, #tpu.memory_space<vmem>> -> memref<128xf32, #tpu.memory_space<vmem>>
    %dma_start3A_106 = arith.constant 0 : i32
    %dma_start3A_107 = tpu.memref_slice %arg8[%dma_start3A_106] : memref<25608xi32, #tpu.memory_space<vmem>> -> memref<128xi32, #tpu.memory_space<vmem>>
    %dma_start3A_108 = arith.constant 0 : i32
    %dma_start3A_109 = tpu.memref_slice %arg5[%dma_start3A_108] : memref<1000001xf32, #tpu.memory_space<hbm>> -> memref<1000001xf32, #tpu.memory_space<hbm>>
    tpu.enqueue_indirect_dma source(%dma_start3A_109 : memref<1000001xf32, #tpu.memory_space<hbm>>) target(%dma_start3A_105 : memref<128xf32, #tpu.memory_space<vmem>>) offsets(%dma_start3A_107 : memref<128xi32, #tpu.memory_space<vmem>>) semaphore(%arg21 : memref<!tpu.dma_semaphore, #tpu.memory_space<semaphore_mem>>)
    %dma_start3A_110 = arith.constant 128 : i32
    %dma_start3A_111 = arith.constant 0 : i32
    %dma_start3A_112 = tpu.memref_slice %arg11[%dma_start3A_110, %dma_start3A_111] : memref<256x32xf32, #tpu.memory_space<vmem>> -> memref<80x32xf32, #tpu.memory_space<vmem>>
    %dma_start3A_113 = arith.constant 128 : i32
    %dma_start3A_114 = tpu.memref_slice %arg8[%dma_start3A_113] : memref<25608xi32, #tpu.memory_space<vmem>> -> memref<80xi32, #tpu.memory_space<vmem>>
    %dma_start3A_115 = arith.constant 0 : i32
    %dma_start3A_116 = arith.constant 0 : i32
    %dma_start3A_117 = tpu.memref_slice %arg4[%dma_start3A_115, %dma_start3A_116] : memref<1000001x32xf32, #tpu.memory_space<hbm>> -> memref<1000001x32xf32, #tpu.memory_space<hbm>>
    tpu.enqueue_indirect_dma source(%dma_start3A_117 : memref<1000001x32xf32, #tpu.memory_space<hbm>>) target(%dma_start3A_112 : memref<80x32xf32, #tpu.memory_space<vmem>>) offsets(%dma_start3A_114 : memref<80xi32, #tpu.memory_space<vmem>>) semaphore(%arg21 : memref<!tpu.dma_semaphore, #tpu.memory_space<semaphore_mem>>)
    %dma_start3A_118 = arith.constant 144 : i32
    %dma_start3A_119 = tpu.memref_slice %arg9[%dma_start3A_118] : memref<272xf32, #tpu.memory_space<vmem>> -> memref<80xf32, #tpu.memory_space<vmem>>
    %dma_start3A_120 = arith.constant 128 : i32
    %dma_start3A_121 = tpu.memref_slice %arg8[%dma_start3A_120] : memref<25608xi32, #tpu.memory_space<vmem>> -> memref<80xi32, #tpu.memory_space<vmem>>
    %dma_start3A_122 = arith.constant 0 : i32
    %dma_start3A_123 = tpu.memref_slice %arg5[%dma_start3A_122] : memref<1000001xf32, #tpu.memory_space<hbm>> -> memref<1000001xf32, #tpu.memory_space<hbm>>
    tpu.enqueue_indirect_dma source(%dma_start3A_123 : memref<1000001xf32, #tpu.memory_space<hbm>>) target(%dma_start3A_119 : memref<80xf32, #tpu.memory_space<vmem>>) offsets(%dma_start3A_121 : memref<80xi32, #tpu.memory_space<vmem>>) semaphore(%arg21 : memref<!tpu.dma_semaphore, #tpu.memory_space<semaphore_mem>>)
    %scan3A = arith.constant 0 : i32
    %scan3A_124 = arith.constant 0 : i32
    %scan3A_125 = arith.constant 64 : i32
    %scan3A_126 = arith.addi %scan3A_124, %scan3A_125 : i32
    %scan3A_127 = arith.constant 1 : i32
    scf.for %scan3A_160 = %scan3A_124 to %scan3A_126 step %scan3A_127  : i32 {
      %mul3A_161 = arith.constant 2 : i32
      %mul3A_162 = arith.muli %mul3A_161, %scan3A_160 : i32
      %add3A_163 = arith.constant 1 : i32
      %add3A_164 = arith.addi %mul3A_162, %add3A_163 : i32
      %gt3A = arith.constant 0 : i32
      %gt3A_165 = arith.cmpi sgt, %scan3A_160, %gt3A : i32
      %convert_element_type3A = arith.extui %gt3A_165 : i1 to i32
      %cond3A = arith.constant 0 : i32
      %cond3A_166 = arith.cmpi ne, %convert_element_type3A, %cond3A : i32
      scf.if %cond3A_166 {
        %sub3A = arith.constant 2 : i32
        %sub3A_1127 = arith.subi %mul3A_162, %sub3A : i32
        %mul3A_1128 = arith.constant 128 : i32
        %mul3A_1129 = arith.muli %add3A, %mul3A_1128 : i32
        %add3A_1130 = arith.addi %mul3A_1129, %sub3A_1127 : i32
        %mul3A_1131 = arith.constant 10 : i32
        %mul3A_1132 = arith.muli %add3A_1130, %mul3A_1131 : i32
        %dma_wait3A_1133 = arith.constant 0 : i32
        %dma_wait3A_1134 = arith.constant 0 : i32
        %dma_wait3A_1135 = tpu.memref_slice %arg15[%dma_wait3A_1133, %dma_wait3A_1134] : memref<10x32xf32, #tpu.memory_space<vmem>> -> memref<10x32xf32, #tpu.memory_space<vmem>>
        %dma_wait3A_1136 = arith.constant 0 : i32
        %dma_wait3A_1137 = tpu.memref_slice %arg6[%mul3A_1132, %dma_wait3A_1136] : memref<40960x32xf32, #tpu.memory_space<hbm>> -> memref<10x32xf32, #tpu.memory_space<hbm>>
        %dma_wait3A_1138 = arith.constant 0 : i32
        %dma_wait3A_1139 = tpu.memref_slice %arg6[%mul3A_1132, %dma_wait3A_1138] : memref<40960x32xf32, #tpu.memory_space<hbm>> -> memref<10x32xf32, #tpu.memory_space<hbm>>
        %dma_wait3A_1140 = arith.constant 0 : i32
        %dma_wait3A_1141 = arith.constant 0 : i32
        %dma_wait3A_1142 = tpu.memref_slice %arg15[%dma_wait3A_1140, %dma_wait3A_1141] : memref<10x32xf32, #tpu.memory_space<vmem>> -> memref<10x32xf32, #tpu.memory_space<vmem>>
        tpu.wait_dma2 semaphore(%arg24 : memref<!tpu.dma_semaphore, #tpu.memory_space<semaphore_mem>>) src(%dma_wait3A_1142 : memref<10x32xf32, #tpu.memory_space<vmem>>) dst(%dma_wait3A_1139 : memref<10x32xf32, #tpu.memory_space<hbm>>)
      } else {
      }
      %broadcast_in_dim3A_167 = arith.constant 0.000000e+00 : f32
      %broadcast_in_dim3A_168 = vector.broadcast %broadcast_in_dim3A_167 : f32 to vector<16xf32>
      %swap3A_169 = arith.constant 0 : index
      %swap3A_170 = tpu.vector_load %arg17[%swap3A_169] {strides = array<i32>} : memref<16xf32, #tpu.memory_space<vmem>>, vector<16xf32>,
      tpu.vector_store %arg17[%swap3A_169], %broadcast_in_dim3A_168 {strides = array<i32>} : memref<16xf32, #tpu.memory_space<vmem>>, vector<16xf32>,
      %mul3A_171 = arith.constant 200 : i32
      %mul3A_172 = arith.muli %mul3A_162, %mul3A_171 : i32
      %add3A_173 = arith.constant 0 : i32
      %add3A_174 = arith.addi %mul3A_172, %add3A_173 : i32
      %mul3A_175 = arith.constant 200 : i32
      %mul3A_176 = arith.muli %mul3A_162, %mul3A_175 : i32
      %add3A_177 = arith.constant 128 : i32
      %add3A_178 = arith.addi %mul3A_176, %add3A_177 : i32
      %dma_wait3A_179 = arith.constant 0 : i32
      %dma_wait3A_180 = arith.constant 0 : i32
      %dma_wait3A_181 = tpu.memref_slice %arg11[%dma_wait3A_179, %dma_wait3A_180] : memref<256x32xf32, #tpu.memory_space<vmem>> -> memref<128x32xf32, #tpu.memory_space<vmem>>
      %dma_wait3A_182 = tpu.memref_slice %arg8[%add3A_174] : memref<25608xi32, #tpu.memory_space<vmem>> -> memref<128xi32, #tpu.memory_space<vmem>>
      %dma_wait3A_183 = arith.constant 0 : i32
      %dma_wait3A_184 = arith.constant 0 : i32
      %dma_wait3A_185 = tpu.memref_slice %arg4[%dma_wait3A_183, %dma_wait3A_184] : memref<1000001x32xf32, #tpu.memory_space<hbm>> -> memref<1000001x32xf32, #tpu.memory_space<hbm>>
      tpu.wait_indirect_dma semaphore(%arg21 : memref<!tpu.dma_semaphore, #tpu.memory_space<semaphore_mem>>) src(%dma_wait3A_185 : memref<1000001x32xf32, #tpu.memory_space<hbm>>) dst(%dma_wait3A_181 : memref<128x32xf32, #tpu.memory_space<vmem>>)
      %dma_wait3A_186 = arith.constant 16 : i32
      %dma_wait3A_187 = tpu.memref_slice %arg9[%dma_wait3A_186] : memref<272xf32, #tpu.memory_space<vmem>> -> memref<128xf32, #tpu.memory_space<vmem>>
      %dma_wait3A_188 = tpu.memref_slice %arg8[%add3A_174] : memref<25608xi32, #tpu.memory_space<vmem>> -> memref<128xi32, #tpu.memory_space<vmem>>
      %dma_wait3A_189 = arith.constant 0 : i32
      %dma_wait3A_190 = tpu.memref_slice %arg5[%dma_wait3A_189] : memref<1000001xf32, #tpu.memory_space<hbm>> -> memref<1000001xf32, #tpu.memory_space<hbm>>
      tpu.wait_indirect_dma semaphore(%arg21 : memref<!tpu.dma_semaphore, #tpu.memory_space<semaphore_mem>>) src(%dma_wait3A_190 : memref<1000001xf32, #tpu.memory_space<hbm>>) dst(%dma_wait3A_187 : memref<128xf32, #tpu.memory_space<vmem>>)
      %dma_wait3A_191 = arith.constant 128 : i32
      %dma_wait3A_192 = arith.constant 0 : i32
      %dma_wait3A_193 = tpu.memref_slice %arg11[%dma_wait3A_191, %dma_wait3A_192] : memref<256x32xf32, #tpu.memory_space<vmem>> -> memref<80x32xf32, #tpu.memory_space<vmem>>
      %dma_wait3A_194 = tpu.memref_slice %arg8[%add3A_178] : memref<25608xi32, #tpu.memory_space<vmem>> -> memref<80xi32, #tpu.memory_space<vmem>>
      %dma_wait3A_195 = arith.constant 0 : i32
      %dma_wait3A_196 = arith.constant 0 : i32
      %dma_wait3A_197 = tpu.memref_slice %arg4[%dma_wait3A_195, %dma_wait3A_196] : memref<1000001x32xf32, #tpu.memory_space<hbm>> -> memref<1000001x32xf32, #tpu.memory_space<hbm>>
      tpu.wait_indirect_dma semaphore(%arg21 : memref<!tpu.dma_semaphore, #tpu.memory_space<semaphore_mem>>) src(%dma_wait3A_197 : memref<1000001x32xf32, #tpu.memory_space<hbm>>) dst(%dma_wait3A_193 : memref<80x32xf32, #tpu.memory_space<vmem>>)
      %dma_wait3A_198 = arith.constant 144 : i32
      %dma_wait3A_199 = tpu.memref_slice %arg9[%dma_wait3A_198] : memref<272xf32, #tpu.memory_space<vmem>> -> memref<80xf32, #tpu.memory_space<vmem>>
      %dma_wait3A_200 = tpu.memref_slice %arg8[%add3A_178] : memref<25608xi32, #tpu.memory_space<vmem>> -> memref<80xi32, #tpu.memory_space<vmem>>
      %dma_wait3A_201 = arith.constant 0 : i32
      %dma_wait3A_202 = tpu.memref_slice %arg5[%dma_wait3A_201] : memref<1000001xf32, #tpu.memory_space<hbm>> -> memref<1000001xf32, #tpu.memory_space<hbm>>
      tpu.wait_indirect_dma semaphore(%arg21 : memref<!tpu.dma_semaphore, #tpu.memory_space<semaphore_mem>>) src(%dma_wait3A_202 : memref<1000001xf32, #tpu.memory_space<hbm>>) dst(%dma_wait3A_199 : memref<80xf32, #tpu.memory_space<vmem>>)
      %broadcast_in_dim3A_203 = arith.constant 1.000000e+00 : f32
      %broadcast_in_dim3A_204 = vector.broadcast %broadcast_in_dim3A_203 : f32 to vector<16xf32>
      %mul3A_205 = arith.constant 200 : i32
      %mul3A_206 = arith.muli %mul3A_162, %mul3A_205 : i32
      %broadcast_in_dim3A_207 = arith.constant 0 : i32
      %broadcast_in_dim3A_208 = vector.broadcast %broadcast_in_dim3A_207 : i32 to vector<16xi32>
      %mul3A_209 = arith.constant 11 : i32
      %mul3A_210 = arith.muli %arg1, %mul3A_209 : i32
      %add3A_211 = vector.broadcast %mul3A_210 : i32 to vector<16xi32>
      %add3A_212 = arith.addi %broadcast_in_dim3A_208, %add3A_211 : vector<16xi32>
      %iota3A = tpu.iota {dimensions = array<i32: 0>} : vector<16xi32>
      %add3A_213 = arith.constant 0 : i32
      %add3A_214 = vector.broadcast %add3A_213 : i32 to vector<16xi32>
      %add3A_215 = arith.addi %iota3A, %add3A_214 : vector<16xi32>
      %add3A_216 = arith.constant 0 : i32
      %add3A_217 = arith.addi %mul3A_206, %add3A_216 : i32
      %get3A = arith.index_cast %add3A_217 : i32 to index
      %get3A_218 = tpu.vector_load %arg7[%get3A] {strides = array<i32>} : memref<25608xf32, #tpu.memory_space<vmem>>, vector<16xf32>,
      %convert_element_type3A_219 = arith.fptosi %get3A_218 : vector<16xf32> to vector<16xi32>
      %lt3A = arith.constant 1.000000e+01 : f32
      %lt3A_220 = vector.broadcast %lt3A : f32 to vector<16xf32>
      %lt3A_221 = arith.cmpf olt, %get3A_218, %lt3A_220 : vector<16xf32>
      %add3A_222 = arith.constant 1 : i32
      %add3A_223 = vector.broadcast %add3A_222 : i32 to vector<16xi32>
      %add3A_224 = arith.addi %convert_element_type3A_219, %add3A_223 : vector<16xi32>
      tpu.vector_store_idx %arg17[%add3A_224], %broadcast_in_dim3A_204 masked %lt3A_221 {add = true} : memref<16xf32, #tpu.memory_space<vmem>>[vector<16xi32>], vector<16xf32>, vector<16xi1>
      %add3A_225 = arith.addi %convert_element_type3A_219, %add3A_212 : vector<16xi32>
      %swap3A_226 = arith.constant 0 : i32
      %swap3A_227 = arith.index_cast %swap3A_226 : i32 to index
      %swap3A_228 = arith.constant 0 : index
      %swap3A_229 = tpu.vector_load %arg13[%swap3A_227, %swap3A_228] {strides = array<i32>} : memref<2x128xi32, #tpu.memory_space<vmem>>, vector<16xi32>,
      tpu.vector_store %arg13[%swap3A_227, %swap3A_228], %add3A_225 {strides = array<i32>} : memref<2x128xi32, #tpu.memory_space<vmem>>, vector<16xi32>,
      %get3A_230 = arith.constant 16 : index
      %get3A_231 = tpu.vector_load %arg9[%get3A_230] {strides = array<i32>} : memref<272xf32, #tpu.memory_space<vmem>>, vector<16xf32>,
      %exp3A = math.exp %get3A_231 : vector<16xf32>
      %swap3A_232 = arith.constant 16 : index
      %swap3A_233 = tpu.vector_load %arg9[%swap3A_232] {strides = array<i32>} : memref<272xf32, #tpu.memory_space<vmem>>, vector<16xf32>,
      tpu.vector_store %arg9[%swap3A_232], %exp3A {strides = array<i32>} : memref<272xf32, #tpu.memory_space<vmem>>, vector<16xf32>,
      %iota3A_234 = tpu.iota {dimensions = array<i32: 0>} : vector<16xi32>
      %add3A_235 = arith.constant 16 : i32
      %add3A_236 = vector.broadcast %add3A_235 : i32 to vector<16xi32>
      %add3A_237 = arith.addi %iota3A_234, %add3A_236 : vector<16xi32>
      %add3A_238 = arith.constant 16 : i32
      %add3A_239 = arith.addi %mul3A_206, %add3A_238 : i32
      %get3A_240 = arith.index_cast %add3A_239 : i32 to index
      %get3A_241 = tpu.vector_load %arg7[%get3A_240] {strides = array<i32>} : memref<25608xf32, #tpu.memory_space<vmem>>, vector<16xf32>,
      %convert_element_type3A_242 = arith.fptosi %get3A_241 : vector<16xf32> to vector<16xi32>
      %lt3A_243 = arith.constant 1.000000e+01 : f32
      %lt3A_244 = vector.broadcast %lt3A_243 : f32 to vector<16xf32>
      %lt3A_245 = arith.cmpf olt, %get3A_241, %lt3A_244 : vector<16xf32>
      %add3A_246 = arith.constant 1 : i32
      %add3A_247 = vector.broadcast %add3A_246 : i32 to vector<16xi32>
      %add3A_248 = arith.addi %convert_element_type3A_242, %add3A_247 : vector<16xi32>
      tpu.vector_store_idx %arg17[%add3A_248], %broadcast_in_dim3A_204 masked %lt3A_245 {add = true} : memref<16xf32, #tpu.memory_space<vmem>>[vector<16xi32>], vector<16xf32>, vector<16xi1>
      %add3A_249 = arith.addi %convert_element_type3A_242, %add3A_212 : vector<16xi32>
      %swap3A_250 = arith.constant 0 : i32
      %swap3A_251 = arith.index_cast %swap3A_250 : i32 to index
      %swap3A_252 = arith.constant 16 : index
      %swap3A_253 = tpu.vector_load %arg13[%swap3A_251, %swap3A_252] {strides = array<i32>} : memref<2x128xi32, #tpu.memory_space<vmem>>, vector<16xi32>,
      tpu.vector_store %arg13[%swap3A_251, %swap3A_252], %add3A_249 {strides = array<i32>} : memref<2x128xi32, #tpu.memory_space<vmem>>, vector<16xi32>,
      %get3A_254 = arith.constant 32 : index
      %get3A_255 = tpu.vector_load %arg9[%get3A_254] {strides = array<i32>} : memref<272xf32, #tpu.memory_space<vmem>>, vector<16xf32>,
      %exp3A_256 = math.exp %get3A_255 : vector<16xf32>
      %swap3A_257 = arith.constant 32 : index
      %swap3A_258 = tpu.vector_load %arg9[%swap3A_257] {strides = array<i32>} : memref<272xf32, #tpu.memory_space<vmem>>, vector<16xf32>,
      tpu.vector_store %arg9[%swap3A_257], %exp3A_256 {strides = array<i32>} : memref<272xf32, #tpu.memory_space<vmem>>, vector<16xf32>,
      %iota3A_259 = tpu.iota {dimensions = array<i32: 0>} : vector<16xi32>
      %add3A_260 = arith.constant 32 : i32
      %add3A_261 = vector.broadcast %add3A_260 : i32 to vector<16xi32>
      %add3A_262 = arith.addi %iota3A_259, %add3A_261 : vector<16xi32>
      %add3A_263 = arith.constant 32 : i32
      %add3A_264 = arith.addi %mul3A_206, %add3A_263 : i32
      %get3A_265 = arith.index_cast %add3A_264 : i32 to index
      %get3A_266 = tpu.vector_load %arg7[%get3A_265] {strides = array<i32>} : memref<25608xf32, #tpu.memory_space<vmem>>, vector<16xf32>,
      %convert_element_type3A_267 = arith.fptosi %get3A_266 : vector<16xf32> to vector<16xi32>
      %lt3A_268 = arith.constant 1.000000e+01 : f32
      %lt3A_269 = vector.broadcast %lt3A_268 : f32 to vector<16xf32>
      %lt3A_270 = arith.cmpf olt, %get3A_266, %lt3A_269 : vector<16xf32>
      %add3A_271 = arith.constant 1 : i32
      %add3A_272 = vector.broadcast %add3A_271 : i32 to vector<16xi32>
      %add3A_273 = arith.addi %convert_element_type3A_267, %add3A_272 : vector<16xi32>
      tpu.vector_store_idx %arg17[%add3A_273], %broadcast_in_dim3A_204 masked %lt3A_270 {add = true} : memref<16xf32, #tpu.memory_space<vmem>>[vector<16xi32>], vector<16xf32>, vector<16xi1>
      %add3A_274 = arith.addi %convert_element_type3A_267, %add3A_212 : vector<16xi32>
      %swap3A_275 = arith.constant 0 : i32
      %swap3A_276 = arith.index_cast %swap3A_275 : i32 to index
      %swap3A_277 = arith.constant 32 : index
      %swap3A_278 = tpu.vector_load %arg13[%swap3A_276, %swap3A_277] {strides = array<i32>} : memref<2x128xi32, #tpu.memory_space<vmem>>, vector<16xi32>,
      tpu.vector_store %arg13[%swap3A_276, %swap3A_277], %add3A_274 {strides = array<i32>} : memref<2x128xi32, #tpu.memory_space<vmem>>, vector<16xi32>,
      %get3A_279 = arith.constant 48 : index
      %get3A_280 = tpu.vector_load %arg9[%get3A_279] {strides = array<i32>} : memref<272xf32, #tpu.memory_space<vmem>>, vector<16xf32>,
      %exp3A_281 = math.exp %get3A_280 : vector<16xf32>
      %swap3A_282 = arith.constant 48 : index
      %swap3A_283 = tpu.vector_load %arg9[%swap3A_282] {strides = array<i32>} : memref<272xf32, #tpu.memory_space<vmem>>, vector<16xf32>,
      tpu.vector_store %arg9[%swap3A_282], %exp3A_281 {strides = array<i32>} : memref<272xf32, #tpu.memory_space<vmem>>, vector<16xf32>,
      %iota3A_284 = tpu.iota {dimensions = array<i32: 0>} : vector<16xi32>
      %add3A_285 = arith.constant 48 : i32
      %add3A_286 = vector.broadcast %add3A_285 : i32 to vector<16xi32>
      %add3A_287 = arith.addi %iota3A_284, %add3A_286 : vector<16xi32>
      %add3A_288 = arith.constant 48 : i32
      %add3A_289 = arith.addi %mul3A_206, %add3A_288 : i32
      %get3A_290 = arith.index_cast %add3A_289 : i32 to index
      %get3A_291 = tpu.vector_load %arg7[%get3A_290] {strides = array<i32>} : memref<25608xf32, #tpu.memory_space<vmem>>, vector<16xf32>,
      %convert_element_type3A_292 = arith.fptosi %get3A_291 : vector<16xf32> to vector<16xi32>
      %lt3A_293 = arith.constant 1.000000e+01 : f32
      %lt3A_294 = vector.broadcast %lt3A_293 : f32 to vector<16xf32>
      %lt3A_295 = arith.cmpf olt, %get3A_291, %lt3A_294 : vector<16xf32>
      %add3A_296 = arith.constant 1 : i32
      %add3A_297 = vector.broadcast %add3A_296 : i32 to vector<16xi32>
      %add3A_298 = arith.addi %convert_element_type3A_292, %add3A_297 : vector<16xi32>
      tpu.vector_store_idx %arg17[%add3A_298], %broadcast_in_dim3A_204 masked %lt3A_295 {add = true} : memref<16xf32, #tpu.memory_space<vmem>>[vector<16xi32>], vector<16xf32>, vector<16xi1>
      %add3A_299 = arith.addi %convert_element_type3A_292, %add3A_212 : vector<16xi32>
      %swap3A_300 = arith.constant 0 : i32
      %swap3A_301 = arith.index_cast %swap3A_300 : i32 to index
      %swap3A_302 = arith.constant 48 : index
      %swap3A_303 = tpu.vector_load %arg13[%swap3A_301, %swap3A_302] {strides = array<i32>} : memref<2x128xi32, #tpu.memory_space<vmem>>, vector<16xi32>,
      tpu.vector_store %arg13[%swap3A_301, %swap3A_302], %add3A_299 {strides = array<i32>} : memref<2x128xi32, #tpu.memory_space<vmem>>, vector<16xi32>,
      %get3A_304 = arith.constant 64 : index
      %get3A_305 = tpu.vector_load %arg9[%get3A_304] {strides = array<i32>} : memref<272xf32, #tpu.memory_space<vmem>>, vector<16xf32>,
      %exp3A_306 = math.exp %get3A_305 : vector<16xf32>
      %swap3A_307 = arith.constant 64 : index
      %swap3A_308 = tpu.vector_load %arg9[%swap3A_307] {strides = array<i32>} : memref<272xf32, #tpu.memory_space<vmem>>, vector<16xf32>,
      tpu.vector_store %arg9[%swap3A_307], %exp3A_306 {strides = array<i32>} : memref<272xf32, #tpu.memory_space<vmem>>, vector<16xf32>,
      %iota3A_309 = tpu.iota {dimensions = array<i32: 0>} : vector<16xi32>
      %add3A_310 = arith.constant 64 : i32
      %add3A_311 = vector.broadcast %add3A_310 : i32 to vector<16xi32>
      %add3A_312 = arith.addi %iota3A_309, %add3A_311 : vector<16xi32>
      %add3A_313 = arith.constant 64 : i32
      %add3A_314 = arith.addi %mul3A_206, %add3A_313 : i32
      %get3A_315 = arith.index_cast %add3A_314 : i32 to index
      %get3A_316 = tpu.vector_load %arg7[%get3A_315] {strides = array<i32>} : memref<25608xf32, #tpu.memory_space<vmem>>, vector<16xf32>,
      %convert_element_type3A_317 = arith.fptosi %get3A_316 : vector<16xf32> to vector<16xi32>
      %lt3A_318 = arith.constant 1.000000e+01 : f32
      %lt3A_319 = vector.broadcast %lt3A_318 : f32 to vector<16xf32>
      %lt3A_320 = arith.cmpf olt, %get3A_316, %lt3A_319 : vector<16xf32>
      %add3A_321 = arith.constant 1 : i32
      %add3A_322 = vector.broadcast %add3A_321 : i32 to vector<16xi32>
      %add3A_323 = arith.addi %convert_element_type3A_317, %add3A_322 : vector<16xi32>
      tpu.vector_store_idx %arg17[%add3A_323], %broadcast_in_dim3A_204 masked %lt3A_320 {add = true} : memref<16xf32, #tpu.memory_space<vmem>>[vector<16xi32>], vector<16xf32>, vector<16xi1>
      %add3A_324 = arith.addi %convert_element_type3A_317, %add3A_212 : vector<16xi32>
      %swap3A_325 = arith.constant 0 : i32
      %swap3A_326 = arith.index_cast %swap3A_325 : i32 to index
      %swap3A_327 = arith.constant 64 : index
      %swap3A_328 = tpu.vector_load %arg13[%swap3A_326, %swap3A_327] {strides = array<i32>} : memref<2x128xi32, #tpu.memory_space<vmem>>, vector<16xi32>,
      tpu.vector_store %arg13[%swap3A_326, %swap3A_327], %add3A_324 {strides = array<i32>} : memref<2x128xi32, #tpu.memory_space<vmem>>, vector<16xi32>,
      %get3A_329 = arith.constant 80 : index
      %get3A_330 = tpu.vector_load %arg9[%get3A_329] {strides = array<i32>} : memref<272xf32, #tpu.memory_space<vmem>>, vector<16xf32>,
      %exp3A_331 = math.exp %get3A_330 : vector<16xf32>
      %swap3A_332 = arith.constant 80 : index
      %swap3A_333 = tpu.vector_load %arg9[%swap3A_332] {strides = array<i32>} : memref<272xf32, #tpu.memory_space<vmem>>, vector<16xf32>,
      tpu.vector_store %arg9[%swap3A_332], %exp3A_331 {strides = array<i32>} : memref<272xf32, #tpu.memory_space<vmem>>, vector<16xf32>,
      %iota3A_334 = tpu.iota {dimensions = array<i32: 0>} : vector<16xi32>
      %add3A_335 = arith.constant 80 : i32
      %add3A_336 = vector.broadcast %add3A_335 : i32 to vector<16xi32>
      %add3A_337 = arith.addi %iota3A_334, %add3A_336 : vector<16xi32>
      %add3A_338 = arith.constant 80 : i32
      %add3A_339 = arith.addi %mul3A_206, %add3A_338 : i32
      %get3A_340 = arith.index_cast %add3A_339 : i32 to index
      %get3A_341 = tpu.vector_load %arg7[%get3A_340] {strides = array<i32>} : memref<25608xf32, #tpu.memory_space<vmem>>, vector<16xf32>,
      %convert_element_type3A_342 = arith.fptosi %get3A_341 : vector<16xf32> to vector<16xi32>
      %lt3A_343 = arith.constant 1.000000e+01 : f32
      %lt3A_344 = vector.broadcast %lt3A_343 : f32 to vector<16xf32>
      %lt3A_345 = arith.cmpf olt, %get3A_341, %lt3A_344 : vector<16xf32>
      %add3A_346 = arith.constant 1 : i32
      %add3A_347 = vector.broadcast %add3A_346 : i32 to vector<16xi32>
      %add3A_348 = arith.addi %convert_element_type3A_342, %add3A_347 : vector<16xi32>
      tpu.vector_store_idx %arg17[%add3A_348], %broadcast_in_dim3A_204 masked %lt3A_345 {add = true} : memref<16xf32, #tpu.memory_space<vmem>>[vector<16xi32>], vector<16xf32>, vector<16xi1>
      %add3A_349 = arith.addi %convert_element_type3A_342, %add3A_212 : vector<16xi32>
      %swap3A_350 = arith.constant 0 : i32
      %swap3A_351 = arith.index_cast %swap3A_350 : i32 to index
      %swap3A_352 = arith.constant 80 : index
      %swap3A_353 = tpu.vector_load %arg13[%swap3A_351, %swap3A_352] {strides = array<i32>} : memref<2x128xi32, #tpu.memory_space<vmem>>, vector<16xi32>,
      tpu.vector_store %arg13[%swap3A_351, %swap3A_352], %add3A_349 {strides = array<i32>} : memref<2x128xi32, #tpu.memory_space<vmem>>, vector<16xi32>,
      %get3A_354 = arith.constant 96 : index
      %get3A_355 = tpu.vector_load %arg9[%get3A_354] {strides = array<i32>} : memref<272xf32, #tpu.memory_space<vmem>>, vector<16xf32>,
      %exp3A_356 = math.exp %get3A_355 : vector<16xf32>
      %swap3A_357 = arith.constant 96 : index
      %swap3A_358 = tpu.vector_load %arg9[%swap3A_357] {strides = array<i32>} : memref<272xf32, #tpu.memory_space<vmem>>, vector<16xf32>,
      tpu.vector_store %arg9[%swap3A_357], %exp3A_356 {strides = array<i32>} : memref<272xf32, #tpu.memory_space<vmem>>, vector<16xf32>,
      %iota3A_359 = tpu.iota {dimensions = array<i32: 0>} : vector<16xi32>
      %add3A_360 = arith.constant 96 : i32
      %add3A_361 = vector.broadcast %add3A_360 : i32 to vector<16xi32>
      %add3A_362 = arith.addi %iota3A_359, %add3A_361 : vector<16xi32>
      %add3A_363 = arith.constant 96 : i32
      %add3A_364 = arith.addi %mul3A_206, %add3A_363 : i32
      %get3A_365 = arith.index_cast %add3A_364 : i32 to index
      %get3A_366 = tpu.vector_load %arg7[%get3A_365] {strides = array<i32>} : memref<25608xf32, #tpu.memory_space<vmem>>, vector<16xf32>,
      %convert_element_type3A_367 = arith.fptosi %get3A_366 : vector<16xf32> to vector<16xi32>
      %lt3A_368 = arith.constant 1.000000e+01 : f32
      %lt3A_369 = vector.broadcast %lt3A_368 : f32 to vector<16xf32>
      %lt3A_370 = arith.cmpf olt, %get3A_366, %lt3A_369 : vector<16xf32>
      %add3A_371 = arith.constant 1 : i32
      %add3A_372 = vector.broadcast %add3A_371 : i32 to vector<16xi32>
      %add3A_373 = arith.addi %convert_element_type3A_367, %add3A_372 : vector<16xi32>
      tpu.vector_store_idx %arg17[%add3A_373], %broadcast_in_dim3A_204 masked %lt3A_370 {add = true} : memref<16xf32, #tpu.memory_space<vmem>>[vector<16xi32>], vector<16xf32>, vector<16xi1>
      %add3A_374 = arith.addi %convert_element_type3A_367, %add3A_212 : vector<16xi32>
      %swap3A_375 = arith.constant 0 : i32
      %swap3A_376 = arith.index_cast %swap3A_375 : i32 to index
      %swap3A_377 = arith.constant 96 : index
      %swap3A_378 = tpu.vector_load %arg13[%swap3A_376, %swap3A_377] {strides = array<i32>} : memref<2x128xi32, #tpu.memory_space<vmem>>, vector<16xi32>,
      tpu.vector_store %arg13[%swap3A_376, %swap3A_377], %add3A_374 {strides = array<i32>} : memref<2x128xi32, #tpu.memory_space<vmem>>, vector<16xi32>,
      %get3A_379 = arith.constant 112 : index
      %get3A_380 = tpu.vector_load %arg9[%get3A_379] {strides = array<i32>} : memref<272xf32, #tpu.memory_space<vmem>>, vector<16xf32>,
      %exp3A_381 = math.exp %get3A_380 : vector<16xf32>
      %swap3A_382 = arith.constant 112 : index
      %swap3A_383 = tpu.vector_load %arg9[%swap3A_382] {strides = array<i32>} : memref<272xf32, #tpu.memory_space<vmem>>, vector<16xf32>,
      tpu.vector_store %arg9[%swap3A_382], %exp3A_381 {strides = array<i32>} : memref<272xf32, #tpu.memory_space<vmem>>, vector<16xf32>,
      %iota3A_384 = tpu.iota {dimensions = array<i32: 0>} : vector<16xi32>
      %add3A_385 = arith.constant 112 : i32
      %add3A_386 = vector.broadcast %add3A_385 : i32 to vector<16xi32>
      %add3A_387 = arith.addi %iota3A_384, %add3A_386 : vector<16xi32>
      %add3A_388 = arith.constant 112 : i32
      %add3A_389 = arith.addi %mul3A_206, %add3A_388 : i32
      %get3A_390 = arith.index_cast %add3A_389 : i32 to index
      %get3A_391 = tpu.vector_load %arg7[%get3A_390] {strides = array<i32>} : memref<25608xf32, #tpu.memory_space<vmem>>, vector<16xf32>,
      %convert_element_type3A_392 = arith.fptosi %get3A_391 : vector<16xf32> to vector<16xi32>
      %lt3A_393 = arith.constant 1.000000e+01 : f32
      %lt3A_394 = vector.broadcast %lt3A_393 : f32 to vector<16xf32>
      %lt3A_395 = arith.cmpf olt, %get3A_391, %lt3A_394 : vector<16xf32>
      %add3A_396 = arith.constant 1 : i32
      %add3A_397 = vector.broadcast %add3A_396 : i32 to vector<16xi32>
      %add3A_398 = arith.addi %convert_element_type3A_392, %add3A_397 : vector<16xi32>
      tpu.vector_store_idx %arg17[%add3A_398], %broadcast_in_dim3A_204 masked %lt3A_395 {add = true} : memref<16xf32, #tpu.memory_space<vmem>>[vector<16xi32>], vector<16xf32>, vector<16xi1>
      %add3A_399 = arith.addi %convert_element_type3A_392, %add3A_212 : vector<16xi32>
      %swap3A_400 = arith.constant 0 : i32
      %swap3A_401 = arith.index_cast %swap3A_400 : i32 to index
      %swap3A_402 = arith.constant 112 : index
      %swap3A_403 = tpu.vector_load %arg13[%swap3A_401, %swap3A_402] {strides = array<i32>} : memref<2x128xi32, #tpu.memory_space<vmem>>, vector<16xi32>,
      tpu.vector_store %arg13[%swap3A_401, %swap3A_402], %add3A_399 {strides = array<i32>} : memref<2x128xi32, #tpu.memory_space<vmem>>, vector<16xi32>,
      %get3A_404 = arith.constant 128 : index
      %get3A_405 = tpu.vector_load %arg9[%get3A_404] {strides = array<i32>} : memref<272xf32, #tpu.memory_space<vmem>>, vector<16xf32>,
      %exp3A_406 = math.exp %get3A_405 : vector<16xf32>
      %swap3A_407 = arith.constant 128 : index
      %swap3A_408 = tpu.vector_load %arg9[%swap3A_407] {strides = array<i32>} : memref<272xf32, #tpu.memory_space<vmem>>, vector<16xf32>,
      tpu.vector_store %arg9[%swap3A_407], %exp3A_406 {strides = array<i32>} : memref<272xf32, #tpu.memory_space<vmem>>, vector<16xf32>,
      %iota3A_409 = tpu.iota {dimensions = array<i32: 0>} : vector<16xi32>
      %add3A_410 = arith.constant 128 : i32
      %add3A_411 = vector.broadcast %add3A_410 : i32 to vector<16xi32>
      %add3A_412 = arith.addi %iota3A_409, %add3A_411 : vector<16xi32>
      %add3A_413 = arith.constant 128 : i32
      %add3A_414 = arith.addi %mul3A_206, %add3A_413 : i32
      %get3A_415 = arith.index_cast %add3A_414 : i32 to index
      %get3A_416 = tpu.vector_load %arg7[%get3A_415] {strides = array<i32>} : memref<25608xf32, #tpu.memory_space<vmem>>, vector<16xf32>,
      %convert_element_type3A_417 = arith.fptosi %get3A_416 : vector<16xf32> to vector<16xi32>
      %lt3A_418 = arith.constant 1.000000e+01 : f32
      %lt3A_419 = vector.broadcast %lt3A_418 : f32 to vector<16xf32>
      %lt3A_420 = arith.cmpf olt, %get3A_416, %lt3A_419 : vector<16xf32>
      %add3A_421 = arith.constant 1 : i32
      %add3A_422 = vector.broadcast %add3A_421 : i32 to vector<16xi32>
      %add3A_423 = arith.addi %convert_element_type3A_417, %add3A_422 : vector<16xi32>
      tpu.vector_store_idx %arg17[%add3A_423], %broadcast_in_dim3A_204 masked %lt3A_420 {add = true} : memref<16xf32, #tpu.memory_space<vmem>>[vector<16xi32>], vector<16xf32>, vector<16xi1>
      %add3A_424 = arith.addi %convert_element_type3A_417, %add3A_212 : vector<16xi32>
      %swap3A_425 = arith.constant 1 : i32
      %swap3A_426 = arith.index_cast %swap3A_425 : i32 to index
      %swap3A_427 = arith.constant 0 : index
      %swap3A_428 = tpu.vector_load %arg13[%swap3A_426, %swap3A_427] {strides = array<i32>} : memref<2x128xi32, #tpu.memory_space<vmem>>, vector<16xi32>,
      tpu.vector_store %arg13[%swap3A_426, %swap3A_427], %add3A_424 {strides = array<i32>} : memref<2x128xi32, #tpu.memory_space<vmem>>, vector<16xi32>,
      %get3A_429 = arith.constant 144 : index
      %get3A_430 = tpu.vector_load %arg9[%get3A_429] {strides = array<i32>} : memref<272xf32, #tpu.memory_space<vmem>>, vector<16xf32>,
      %exp3A_431 = math.exp %get3A_430 : vector<16xf32>
      %swap3A_432 = arith.constant 144 : index
      %swap3A_433 = tpu.vector_load %arg9[%swap3A_432] {strides = array<i32>} : memref<272xf32, #tpu.memory_space<vmem>>, vector<16xf32>,
      tpu.vector_store %arg9[%swap3A_432], %exp3A_431 {strides = array<i32>} : memref<272xf32, #tpu.memory_space<vmem>>, vector<16xf32>,
      %iota3A_434 = tpu.iota {dimensions = array<i32: 0>} : vector<16xi32>
      %add3A_435 = arith.constant 144 : i32
      %add3A_436 = vector.broadcast %add3A_435 : i32 to vector<16xi32>
      %add3A_437 = arith.addi %iota3A_434, %add3A_436 : vector<16xi32>
      %add3A_438 = arith.constant 144 : i32
      %add3A_439 = arith.addi %mul3A_206, %add3A_438 : i32
      %get3A_440 = arith.index_cast %add3A_439 : i32 to index
      %get3A_441 = tpu.vector_load %arg7[%get3A_440] {strides = array<i32>} : memref<25608xf32, #tpu.memory_space<vmem>>, vector<16xf32>,
      %convert_element_type3A_442 = arith.fptosi %get3A_441 : vector<16xf32> to vector<16xi32>
      %lt3A_443 = arith.constant 1.000000e+01 : f32
      %lt3A_444 = vector.broadcast %lt3A_443 : f32 to vector<16xf32>
      %lt3A_445 = arith.cmpf olt, %get3A_441, %lt3A_444 : vector<16xf32>
      %add3A_446 = arith.constant 1 : i32
      %add3A_447 = vector.broadcast %add3A_446 : i32 to vector<16xi32>
      %add3A_448 = arith.addi %convert_element_type3A_442, %add3A_447 : vector<16xi32>
      tpu.vector_store_idx %arg17[%add3A_448], %broadcast_in_dim3A_204 masked %lt3A_445 {add = true} : memref<16xf32, #tpu.memory_space<vmem>>[vector<16xi32>], vector<16xf32>, vector<16xi1>
      %add3A_449 = arith.addi %convert_element_type3A_442, %add3A_212 : vector<16xi32>
      %swap3A_450 = arith.constant 1 : i32
      %swap3A_451 = arith.index_cast %swap3A_450 : i32 to index
      %swap3A_452 = arith.constant 16 : index
      %swap3A_453 = tpu.vector_load %arg13[%swap3A_451, %swap3A_452] {strides = array<i32>} : memref<2x128xi32, #tpu.memory_space<vmem>>, vector<16xi32>,
      tpu.vector_store %arg13[%swap3A_451, %swap3A_452], %add3A_449 {strides = array<i32>} : memref<2x128xi32, #tpu.memory_space<vmem>>, vector<16xi32>,
      %get3A_454 = arith.constant 160 : index
      %get3A_455 = tpu.vector_load %arg9[%get3A_454] {strides = array<i32>} : memref<272xf32, #tpu.memory_space<vmem>>, vector<16xf32>,
      %exp3A_456 = math.exp %get3A_455 : vector<16xf32>
      %swap3A_457 = arith.constant 160 : index
      %swap3A_458 = tpu.vector_load %arg9[%swap3A_457] {strides = array<i32>} : memref<272xf32, #tpu.memory_space<vmem>>, vector<16xf32>,
      tpu.vector_store %arg9[%swap3A_457], %exp3A_456 {strides = array<i32>} : memref<272xf32, #tpu.memory_space<vmem>>, vector<16xf32>,
      %iota3A_459 = tpu.iota {dimensions = array<i32: 0>} : vector<16xi32>
      %add3A_460 = arith.constant 160 : i32
      %add3A_461 = vector.broadcast %add3A_460 : i32 to vector<16xi32>
      %add3A_462 = arith.addi %iota3A_459, %add3A_461 : vector<16xi32>
      %add3A_463 = arith.constant 160 : i32
      %add3A_464 = arith.addi %mul3A_206, %add3A_463 : i32
      %get3A_465 = arith.index_cast %add3A_464 : i32 to index
      %get3A_466 = tpu.vector_load %arg7[%get3A_465] {strides = array<i32>} : memref<25608xf32, #tpu.memory_space<vmem>>, vector<16xf32>,
      %convert_element_type3A_467 = arith.fptosi %get3A_466 : vector<16xf32> to vector<16xi32>
      %lt3A_468 = arith.constant 1.000000e+01 : f32
      %lt3A_469 = vector.broadcast %lt3A_468 : f32 to vector<16xf32>
      %lt3A_470 = arith.cmpf olt, %get3A_466, %lt3A_469 : vector<16xf32>
      %add3A_471 = arith.constant 1 : i32
      %add3A_472 = vector.broadcast %add3A_471 : i32 to vector<16xi32>
      %add3A_473 = arith.addi %convert_element_type3A_467, %add3A_472 : vector<16xi32>
      tpu.vector_store_idx %arg17[%add3A_473], %broadcast_in_dim3A_204 masked %lt3A_470 {add = true} : memref<16xf32, #tpu.memory_space<vmem>>[vector<16xi32>], vector<16xf32>, vector<16xi1>
      %add3A_474 = arith.addi %convert_element_type3A_467, %add3A_212 : vector<16xi32>
      %swap3A_475 = arith.constant 1 : i32
      %swap3A_476 = arith.index_cast %swap3A_475 : i32 to index
      %swap3A_477 = arith.constant 32 : index
      %swap3A_478 = tpu.vector_load %arg13[%swap3A_476, %swap3A_477] {strides = array<i32>} : memref<2x128xi32, #tpu.memory_space<vmem>>, vector<16xi32>,
      tpu.vector_store %arg13[%swap3A_476, %swap3A_477], %add3A_474 {strides = array<i32>} : memref<2x128xi32, #tpu.memory_space<vmem>>, vector<16xi32>,
      %get3A_479 = arith.constant 176 : index
      %get3A_480 = tpu.vector_load %arg9[%get3A_479] {strides = array<i32>} : memref<272xf32, #tpu.memory_space<vmem>>, vector<16xf32>,
      %exp3A_481 = math.exp %get3A_480 : vector<16xf32>
      %swap3A_482 = arith.constant 176 : index
      %swap3A_483 = tpu.vector_load %arg9[%swap3A_482] {strides = array<i32>} : memref<272xf32, #tpu.memory_space<vmem>>, vector<16xf32>,
      tpu.vector_store %arg9[%swap3A_482], %exp3A_481 {strides = array<i32>} : memref<272xf32, #tpu.memory_space<vmem>>, vector<16xf32>,
      %iota3A_484 = tpu.iota {dimensions = array<i32: 0>} : vector<16xi32>
      %add3A_485 = arith.constant 176 : i32
      %add3A_486 = vector.broadcast %add3A_485 : i32 to vector<16xi32>
      %add3A_487 = arith.addi %iota3A_484, %add3A_486 : vector<16xi32>
      %add3A_488 = arith.constant 176 : i32
      %add3A_489 = arith.addi %mul3A_206, %add3A_488 : i32
      %get3A_490 = arith.index_cast %add3A_489 : i32 to index
      %get3A_491 = tpu.vector_load %arg7[%get3A_490] {strides = array<i32>} : memref<25608xf32, #tpu.memory_space<vmem>>, vector<16xf32>,
      %convert_element_type3A_492 = arith.fptosi %get3A_491 : vector<16xf32> to vector<16xi32>
      %lt3A_493 = arith.constant 1.000000e+01 : f32
      %lt3A_494 = vector.broadcast %lt3A_493 : f32 to vector<16xf32>
      %lt3A_495 = arith.cmpf olt, %get3A_491, %lt3A_494 : vector<16xf32>
      %add3A_496 = arith.constant 1 : i32
      %add3A_497 = vector.broadcast %add3A_496 : i32 to vector<16xi32>
      %add3A_498 = arith.addi %convert_element_type3A_492, %add3A_497 : vector<16xi32>
      tpu.vector_store_idx %arg17[%add3A_498], %broadcast_in_dim3A_204 masked %lt3A_495 {add = true} : memref<16xf32, #tpu.memory_space<vmem>>[vector<16xi32>], vector<16xf32>, vector<16xi1>
      %add3A_499 = arith.addi %convert_element_type3A_492, %add3A_212 : vector<16xi32>
      %swap3A_500 = arith.constant 1 : i32
      %swap3A_501 = arith.index_cast %swap3A_500 : i32 to index
      %swap3A_502 = arith.constant 48 : index
      %swap3A_503 = tpu.vector_load %arg13[%swap3A_501, %swap3A_502] {strides = array<i32>} : memref<2x128xi32, #tpu.memory_space<vmem>>, vector<16xi32>,
      tpu.vector_store %arg13[%swap3A_501, %swap3A_502], %add3A_499 {strides = array<i32>} : memref<2x128xi32, #tpu.memory_space<vmem>>, vector<16xi32>,
      %get3A_504 = arith.constant 192 : index
      %get3A_505 = tpu.vector_load %arg9[%get3A_504] {strides = array<i32>} : memref<272xf32, #tpu.memory_space<vmem>>, vector<16xf32>,
      %exp3A_506 = math.exp %get3A_505 : vector<16xf32>
      %swap3A_507 = arith.constant 192 : index
      %swap3A_508 = tpu.vector_load %arg9[%swap3A_507] {strides = array<i32>} : memref<272xf32, #tpu.memory_space<vmem>>, vector<16xf32>,
      tpu.vector_store %arg9[%swap3A_507], %exp3A_506 {strides = array<i32>} : memref<272xf32, #tpu.memory_space<vmem>>, vector<16xf32>,
      %iota3A_509 = tpu.iota {dimensions = array<i32: 0>} : vector<16xi32>
      %add3A_510 = arith.constant 192 : i32
      %add3A_511 = vector.broadcast %add3A_510 : i32 to vector<16xi32>
      %add3A_512 = arith.addi %iota3A_509, %add3A_511 : vector<16xi32>
      %add3A_513 = arith.constant 192 : i32
      %add3A_514 = arith.addi %mul3A_206, %add3A_513 : i32
      %get3A_515 = arith.index_cast %add3A_514 : i32 to index
      %get3A_516 = tpu.vector_load %arg7[%get3A_515] {strides = array<i32>} : memref<25608xf32, #tpu.memory_space<vmem>>, vector<16xf32>,
      %convert_element_type3A_517 = arith.fptosi %get3A_516 : vector<16xf32> to vector<16xi32>
      %lt3A_518 = arith.constant 1.000000e+01 : f32
      %lt3A_519 = vector.broadcast %lt3A_518 : f32 to vector<16xf32>
      %lt3A_520 = arith.cmpf olt, %get3A_516, %lt3A_519 : vector<16xf32>
      %lt3A_521 = arith.constant 200 : i32
      %lt3A_522 = vector.broadcast %lt3A_521 : i32 to vector<16xi32>
      %lt3A_523 = arith.cmpi slt, %add3A_512, %lt3A_522 : vector<16xi32>
      %and3A = arith.andi %lt3A_520, %lt3A_523 : vector<16xi1>
      %lt3A_524 = arith.constant 200 : i32
      %lt3A_525 = vector.broadcast %lt3A_524 : i32 to vector<16xi32>
      %lt3A_526 = arith.cmpi slt, %add3A_512, %lt3A_525 : vector<16xi32>
      %jit3A = arith.constant 10 : i32
      %broadcast_in_dim3A_527 = vector.broadcast %jit3A : i32 to vector<16xi32>
      %select_n3A = arith.select %lt3A_526, %convert_element_type3A_517, %broadcast_in_dim3A_527 : vector<16xi1>, vector<16xi32>
      %add3A_528 = arith.constant 1 : i32
      %add3A_529 = vector.broadcast %add3A_528 : i32 to vector<16xi32>
      %add3A_530 = arith.addi %select_n3A, %add3A_529 : vector<16xi32>
      tpu.vector_store_idx %arg17[%add3A_530], %broadcast_in_dim3A_204 masked %and3A {add = true} : memref<16xf32, #tpu.memory_space<vmem>>[vector<16xi32>], vector<16xf32>, vector<16xi1>
      %add3A_531 = arith.addi %select_n3A, %add3A_212 : vector<16xi32>
      %swap3A_532 = arith.constant 1 : i32
      %swap3A_533 = arith.index_cast %swap3A_532 : i32 to index
      %swap3A_534 = arith.constant 64 : index
      %swap3A_535 = tpu.vector_load %arg13[%swap3A_533, %swap3A_534] {strides = array<i32>} : memref<2x128xi32, #tpu.memory_space<vmem>>, vector<16xi32>,
      tpu.vector_store %arg13[%swap3A_533, %swap3A_534], %add3A_531 {strides = array<i32>} : memref<2x128xi32, #tpu.memory_space<vmem>>, vector<16xi32>,
      %get3A_536 = arith.constant 208 : index
      %get3A_537 = tpu.vector_load %arg9[%get3A_536] {strides = array<i32>} : memref<272xf32, #tpu.memory_space<vmem>>, vector<16xf32>,
      %exp3A_538 = math.exp %get3A_537 : vector<16xf32>
      %swap3A_539 = arith.constant 208 : index
      %swap3A_540 = tpu.vector_load %arg9[%swap3A_539] {strides = array<i32>} : memref<272xf32, #tpu.memory_space<vmem>>, vector<16xf32>,
      tpu.vector_store %arg9[%swap3A_539], %exp3A_538 {strides = array<i32>} : memref<272xf32, #tpu.memory_space<vmem>>, vector<16xf32>,
      %add3A_541 = arith.constant 10 : i32
      %add3A_542 = vector.broadcast %add3A_541 : i32 to vector<16xi32>
      %add3A_543 = arith.addi %add3A_212, %add3A_542 : vector<16xi32>
      %swap3A_544 = arith.constant 1 : i32
      %swap3A_545 = arith.index_cast %swap3A_544 : i32 to index
      %swap3A_546 = arith.constant 80 : index
      %swap3A_547 = tpu.vector_load %arg13[%swap3A_545, %swap3A_546] {strides = array<i32>} : memref<2x128xi32, #tpu.memory_space<vmem>>, vector<16xi32>,
      tpu.vector_store %arg13[%swap3A_545, %swap3A_546], %add3A_543 {strides = array<i32>} : memref<2x128xi32, #tpu.memory_space<vmem>>, vector<16xi32>,
      %add3A_548 = arith.constant 10 : i32
      %add3A_549 = vector.broadcast %add3A_548 : i32 to vector<16xi32>
      %add3A_550 = arith.addi %add3A_212, %add3A_549 : vector<16xi32>
      %swap3A_551 = arith.constant 1 : i32
      %swap3A_552 = arith.index_cast %swap3A_551 : i32 to index
      %swap3A_553 = arith.constant 96 : index
      %swap3A_554 = tpu.vector_load %arg13[%swap3A_552, %swap3A_553] {strides = array<i32>} : memref<2x128xi32, #tpu.memory_space<vmem>>, vector<16xi32>,
      tpu.vector_store %arg13[%swap3A_552, %swap3A_553], %add3A_550 {strides = array<i32>} : memref<2x128xi32, #tpu.memory_space<vmem>>, vector<16xi32>,
      %add3A_555 = arith.constant 10 : i32
      %add3A_556 = vector.broadcast %add3A_555 : i32 to vector<16xi32>
      %add3A_557 = arith.addi %add3A_212, %add3A_556 : vector<16xi32>
      %swap3A_558 = arith.constant 1 : i32
      %swap3A_559 = arith.index_cast %swap3A_558 : i32 to index
      %swap3A_560 = arith.constant 112 : index
      %swap3A_561 = tpu.vector_load %arg13[%swap3A_559, %swap3A_560] {strides = array<i32>} : memref<2x128xi32, #tpu.memory_space<vmem>>, vector<16xi32>,
      tpu.vector_store %arg13[%swap3A_559, %swap3A_560], %add3A_557 {strides = array<i32>} : memref<2x128xi32, #tpu.memory_space<vmem>>, vector<16xi32>,
      %parallel_loop3A = arith.constant 0 : i32
      %parallel_loop3A_562 = arith.constant 200 : i32
      %parallel_loop3A_563 = arith.constant 1 : i32
      scf.for %parallel_loop3A_1127 = %parallel_loop3A to %parallel_loop3A_562 step %parallel_loop3A_563  : i32 {
        %parallel_loop3A_1128 = arith.constant 0 : i32
        %parallel_loop3A_1129 = vector.broadcast %parallel_loop3A_1128 : i32 to vector<16xi32>
        %parallel_loop3A_1130 = arith.constant 16 : i32
        %parallel_loop3A_1131 = arith.addi %parallel_loop3A_1127, %parallel_loop3A_1130 : i32
        %parallel_loop3A_1132 = vector.broadcast %parallel_loop3A_1131 : i32 to vector<16xi32>
        %parallel_loop3A_1133 = arith.addi %parallel_loop3A_1129, %parallel_loop3A_1132 : vector<16xi32>
        %parallel_loop3A_1134 = tpu.vector_load_idx %arg9[%parallel_loop3A_1133] : memref<272xf32, #tpu.memory_space<vmem>>[vector<16xi32>], vector<16xf32>,
        %parallel_loop3A_1135 = arith.index_cast %parallel_loop3A_1127 : i32 to index
        %parallel_loop3A_1136 = arith.constant 0 : index
        %parallel_loop3A_1137 = tpu.vector_load %arg11[%parallel_loop3A_1135, %parallel_loop3A_1136] {strides = array<i32>} : memref<256x32xf32, #tpu.memory_space<vmem>>, vector<16xf32>,
        %parallel_loop3A_1138 = arith.mulf %parallel_loop3A_1137, %parallel_loop3A_1134 : vector<16xf32>
        %parallel_loop3A_1139 = arith.index_cast %parallel_loop3A_1127 : i32 to index
        %parallel_loop3A_1140 = arith.constant 0 : index
        %parallel_loop3A_1141 = tpu.vector_load %arg11[%parallel_loop3A_1139, %parallel_loop3A_1140] {strides = array<i32>} : memref<256x32xf32, #tpu.memory_space<vmem>>, vector<16xf32>,
        tpu.vector_store %arg11[%parallel_loop3A_1139, %parallel_loop3A_1140], %parallel_loop3A_1138 {strides = array<i32>} : memref<256x32xf32, #tpu.memory_space<vmem>>, vector<16xf32>,
        %parallel_loop3A_1142 = arith.index_cast %parallel_loop3A_1127 : i32 to index
        %parallel_loop3A_1143 = arith.constant 16 : index
        %parallel_loop3A_1144 = tpu.vector_load %arg11[%parallel_loop3A_1142, %parallel_loop3A_1143] {strides = array<i32>} : memref<256x32xf32, #tpu.memory_space<vmem>>, vector<16xf32>,
        %parallel_loop3A_1145 = arith.mulf %parallel_loop3A_1144, %parallel_loop3A_1134 : vector<16xf32>
        %parallel_loop3A_1146 = arith.index_cast %parallel_loop3A_1127 : i32 to index
        %parallel_loop3A_1147 = arith.constant 16 : index
        %parallel_loop3A_1148 = tpu.vector_load %arg11[%parallel_loop3A_1146, %parallel_loop3A_1147] {strides = array<i32>} : memref<256x32xf32, #tpu.memory_space<vmem>>, vector<16xf32>,
        tpu.vector_store %arg11[%parallel_loop3A_1146, %parallel_loop3A_1147], %parallel_loop3A_1145 {strides = array<i32>} : memref<256x32xf32, #tpu.memory_space<vmem>>, vector<16xf32>,
      } {sc.loop_unroll_factor = 8 : i64, sc.parallel_access}
      %dma_start3A_564 = arith.constant 0 : i32
      %dma_start3A_565 = arith.constant 0 : i32
      %dma_start3A_566 = arith.constant 0 : i32
      %dma_start3A_567 = tpu.memref_slice %arg11[%dma_start3A_565, %dma_start3A_566] : memref<256x32xf32, #tpu.memory_space<vmem>> -> memref<128x32xf32, #tpu.memory_space<vmem>>
      %dma_start3A_568 = arith.constant 0 : i32
      %dma_start3A_569 = tpu.memref_slice %arg13[%dma_start3A_564, %dma_start3A_568] : memref<2x128xi32, #tpu.memory_space<vmem>> -> memref<1x128xi32, #tpu.memory_space<vmem>>
      %dma_start3A_570 = tpu.memref_squeeze %dma_start3A_569 : memref<1x128xi32, #tpu.memory_space<vmem>> -> memref<128xi32, #tpu.memory_space<vmem>>
      %dma_start3A_571 = arith.constant 0 : i32
      %dma_start3A_572 = arith.constant 0 : i32
      %dma_start3A_573 = tpu.memref_slice %arg20[%dma_start3A_571, %dma_start3A_572] : memref<176x32xf32, #tpu.memory_space<vmem_shared>> -> memref<176x32xf32, #tpu.memory_space<vmem_shared>>
      tpu.enqueue_indirect_dma source(%dma_start3A_567 : memref<128x32xf32, #tpu.memory_space<vmem>>) target(%dma_start3A_573 : memref<176x32xf32, #tpu.memory_space<vmem_shared>>) offsets(%dma_start3A_570 : memref<128xi32, #tpu.memory_space<vmem>>) semaphore(%arg23 : memref<!tpu.dma_semaphore, #tpu.memory_space<semaphore_mem>>) {add = true}
      %dma_wait3A_574 = arith.constant 0 : i32
      %dma_wait3A_575 = arith.constant 0 : i32
      %dma_wait3A_576 = arith.constant 0 : i32
      %dma_wait3A_577 = tpu.memref_slice %arg11[%dma_wait3A_575, %dma_wait3A_576] : memref<256x32xf32, #tpu.memory_space<vmem>> -> memref<128x32xf32, #tpu.memory_space<vmem>>
      %dma_wait3A_578 = arith.constant 0 : i32
      %dma_wait3A_579 = tpu.memref_slice %arg13[%dma_wait3A_574, %dma_wait3A_578] : memref<2x128xi32, #tpu.memory_space<vmem>> -> memref<1x128xi32, #tpu.memory_space<vmem>>
      %dma_wait3A_580 = tpu.memref_squeeze %dma_wait3A_579 : memref<1x128xi32, #tpu.memory_space<vmem>> -> memref<128xi32, #tpu.memory_space<vmem>>
      %dma_wait3A_581 = arith.constant 0 : i32
      %dma_wait3A_582 = arith.constant 0 : i32
      %dma_wait3A_583 = tpu.memref_slice %arg20[%dma_wait3A_581, %dma_wait3A_582] : memref<176x32xf32, #tpu.memory_space<vmem_shared>> -> memref<176x32xf32, #tpu.memory_space<vmem_shared>>
      tpu.wait_indirect_dma semaphore(%arg23 : memref<!tpu.dma_semaphore, #tpu.memory_space<semaphore_mem>>) src(%dma_wait3A_577 : memref<128x32xf32, #tpu.memory_space<vmem>>) dst(%dma_wait3A_583 : memref<176x32xf32, #tpu.memory_space<vmem_shared>>)
      %dma_start3A_584 = arith.constant 1 : i32
      %dma_start3A_585 = arith.constant 128 : i32
      %dma_start3A_586 = arith.constant 0 : i32
      %dma_start3A_587 = tpu.memref_slice %arg11[%dma_start3A_585, %dma_start3A_586] : memref<256x32xf32, #tpu.memory_space<vmem>> -> memref<128x32xf32, #tpu.memory_space<vmem>>
      %dma_start3A_588 = arith.constant 0 : i32
      %dma_start3A_589 = tpu.memref_slice %arg13[%dma_start3A_584, %dma_start3A_588] : memref<2x128xi32, #tpu.memory_space<vmem>> -> memref<1x128xi32, #tpu.memory_space<vmem>>
      %dma_start3A_590 = tpu.memref_squeeze %dma_start3A_589 : memref<1x128xi32, #tpu.memory_space<vmem>> -> memref<128xi32, #tpu.memory_space<vmem>>
      %dma_start3A_591 = arith.constant 0 : i32
      %dma_start3A_592 = arith.constant 0 : i32
      %dma_start3A_593 = tpu.memref_slice %arg20[%dma_start3A_591, %dma_start3A_592] : memref<176x32xf32, #tpu.memory_space<vmem_shared>> -> memref<176x32xf32, #tpu.memory_space<vmem_shared>>
      tpu.enqueue_indirect_dma source(%dma_start3A_587 : memref<128x32xf32, #tpu.memory_space<vmem>>) target(%dma_start3A_593 : memref<176x32xf32, #tpu.memory_space<vmem_shared>>) offsets(%dma_start3A_590 : memref<128xi32, #tpu.memory_space<vmem>>) semaphore(%arg23 : memref<!tpu.dma_semaphore, #tpu.memory_space<semaphore_mem>>) {add = true}
      %dma_wait3A_594 = arith.constant 1 : i32
      %dma_wait3A_595 = arith.constant 128 : i32
      %dma_wait3A_596 = arith.constant 0 : i32
      %dma_wait3A_597 = tpu.memref_slice %arg11[%dma_wait3A_595, %dma_wait3A_596] : memref<256x32xf32, #tpu.memory_space<vmem>> -> memref<128x32xf32, #tpu.memory_space<vmem>>
      %dma_wait3A_598 = arith.constant 0 : i32
      %dma_wait3A_599 = tpu.memref_slice %arg13[%dma_wait3A_594, %dma_wait3A_598] : memref<2x128xi32, #tpu.memory_space<vmem>> -> memref<1x128xi32, #tpu.memory_space<vmem>>
      %dma_wait3A_600 = tpu.memref_squeeze %dma_wait3A_599 : memref<1x128xi32, #tpu.memory_space<vmem>> -> memref<128xi32, #tpu.memory_space<vmem>>
      %dma_wait3A_601 = arith.constant 0 : i32
      %dma_wait3A_602 = arith.constant 0 : i32
      %dma_wait3A_603 = tpu.memref_slice %arg20[%dma_wait3A_601, %dma_wait3A_602] : memref<176x32xf32, #tpu.memory_space<vmem_shared>> -> memref<176x32xf32, #tpu.memory_space<vmem_shared>>
      tpu.wait_indirect_dma semaphore(%arg23 : memref<!tpu.dma_semaphore, #tpu.memory_space<semaphore_mem>>) src(%dma_wait3A_597 : memref<128x32xf32, #tpu.memory_space<vmem>>) dst(%dma_wait3A_603 : memref<176x32xf32, #tpu.memory_space<vmem_shared>>)
      "tpu.region"() ({
        %run_scoped3A = tpu.sem_alloc : memref<!tpu.dma_semaphore, #tpu.memory_space<semaphore_mem>>
        %dma_start3A_1127 = arith.constant 0 : i32
        %dma_start3A_1128 = arith.constant 0 : i32
        %dma_start3A_1129 = tpu.memref_slice %arg15[%dma_start3A_1127, %dma_start3A_1128] : memref<10x32xf32, #tpu.memory_space<vmem>> -> memref<10x32xf32, #tpu.memory_space<vmem>>
        %dma_start3A_1130 = arith.constant 0 : i32
        %dma_start3A_1131 = tpu.memref_slice %arg20[%mul3A_4, %dma_start3A_1130] : memref<176x32xf32, #tpu.memory_space<vmem_shared>> -> memref<10x32xf32, #tpu.memory_space<vmem_shared>>
        %dma_start3A_1132 = arith.constant 0 : i32
        %dma_start3A_1133 = arith.constant 0 : i32
        %dma_start3A_1134 = tpu.memref_slice %arg15[%dma_start3A_1132, %dma_start3A_1133] : memref<10x32xf32, #tpu.memory_space<vmem>> -> memref<10x32xf32, #tpu.memory_space<vmem>>
        %dma_start3A_1135 = arith.constant 0 : i32
        %dma_start3A_1136 = tpu.memref_slice %arg20[%mul3A_4, %dma_start3A_1135] : memref<176x32xf32, #tpu.memory_space<vmem_shared>> -> memref<10x32xf32, #tpu.memory_space<vmem_shared>>
        tpu.enqueue_dma source(%dma_start3A_1136 : memref<10x32xf32, #tpu.memory_space<vmem_shared>>) target(%dma_start3A_1134 : memref<10x32xf32, #tpu.memory_space<vmem>>) target_semaphore(%run_scoped3A : memref<!tpu.dma_semaphore, #tpu.memory_space<semaphore_mem>>)
        %dma_wait3A_1137 = arith.constant 0 : i32
        %dma_wait3A_1138 = arith.constant 0 : i32
        %dma_wait3A_1139 = tpu.memref_slice %arg15[%dma_wait3A_1137, %dma_wait3A_1138] : memref<10x32xf32, #tpu.memory_space<vmem>> -> memref<10x32xf32, #tpu.memory_space<vmem>>
        %dma_wait3A_1140 = arith.constant 0 : i32
        %dma_wait3A_1141 = tpu.memref_slice %arg20[%mul3A_4, %dma_wait3A_1140] : memref<176x32xf32, #tpu.memory_space<vmem_shared>> -> memref<10x32xf32, #tpu.memory_space<vmem_shared>>
        %dma_wait3A_1142 = arith.constant 0 : i32
        %dma_wait3A_1143 = arith.constant 0 : i32
        %dma_wait3A_1144 = tpu.memref_slice %arg15[%dma_wait3A_1142, %dma_wait3A_1143] : memref<10x32xf32, #tpu.memory_space<vmem>> -> memref<10x32xf32, #tpu.memory_space<vmem>>
        %dma_wait3A_1145 = arith.constant 0 : i32
        %dma_wait3A_1146 = tpu.memref_slice %arg20[%mul3A_4, %dma_wait3A_1145] : memref<176x32xf32, #tpu.memory_space<vmem_shared>> -> memref<10x32xf32, #tpu.memory_space<vmem_shared>>
        tpu.wait_dma2 semaphore(%run_scoped3A : memref<!tpu.dma_semaphore, #tpu.memory_space<semaphore_mem>>) src(%dma_wait3A_1146 : memref<10x32xf32, #tpu.memory_space<vmem_shared>>) dst(%dma_wait3A_1144 : memref<10x32xf32, #tpu.memory_space<vmem>>)
        tpu.yield
      }) : () -> ()
      "tpu.region"() ({
        %run_scoped3A = tpu.sem_alloc : memref<!tpu.dma_semaphore, #tpu.memory_space<semaphore_mem>>
        %dma_start3A_1127 = arith.constant 0 : i32
        %dma_start3A_1128 = tpu.memref_slice %arg20[%mul3A_4, %dma_start3A_1127] : memref<176x32xf32, #tpu.memory_space<vmem_shared>> -> memref<11x32xf32, #tpu.memory_space<vmem_shared>>
        %dma_start3A_1129 = arith.constant 0 : i32
        %dma_start3A_1130 = tpu.memref_slice %arg20[%mul3A_4, %dma_start3A_1129] : memref<176x32xf32, #tpu.memory_space<vmem_shared>> -> memref<11x32xf32, #tpu.memory_space<vmem_shared>>
        tpu.enqueue_dma source(%arg19 : memref<11x32xf32, #tpu.memory_space<vmem>>) target(%dma_start3A_1130 : memref<11x32xf32, #tpu.memory_space<vmem_shared>>) target_semaphore(%run_scoped3A : memref<!tpu.dma_semaphore, #tpu.memory_space<semaphore_mem>>)
        %dma_wait3A_1131 = arith.constant 0 : i32
        %dma_wait3A_1132 = tpu.memref_slice %arg20[%mul3A_4, %dma_wait3A_1131] : memref<176x32xf32, #tpu.memory_space<vmem_shared>> -> memref<11x32xf32, #tpu.memory_space<vmem_shared>>
        %dma_wait3A_1133 = arith.constant 0 : i32
        %dma_wait3A_1134 = tpu.memref_slice %arg20[%mul3A_4, %dma_wait3A_1133] : memref<176x32xf32, #tpu.memory_space<vmem_shared>> -> memref<11x32xf32, #tpu.memory_space<vmem_shared>>
        tpu.wait_dma2 semaphore(%run_scoped3A : memref<!tpu.dma_semaphore, #tpu.memory_space<semaphore_mem>>) src(%arg19 : memref<11x32xf32, #tpu.memory_space<vmem>>) dst(%dma_wait3A_1134 : memref<11x32xf32, #tpu.memory_space<vmem_shared>>)
        tpu.yield
      }) : () -> ()
      %parallel_loop3A_604 = arith.constant 0 : i32
      %parallel_loop3A_605 = arith.constant 10 : i32
      %parallel_loop3A_606 = arith.constant 1 : i32
      scf.for %parallel_loop3A_1127 = %parallel_loop3A_604 to %parallel_loop3A_605 step %parallel_loop3A_606  : i32 {
        %parallel_loop3A_1128 = arith.constant 0 : i32
        %parallel_loop3A_1129 = vector.broadcast %parallel_loop3A_1128 : i32 to vector<16xi32>
        %parallel_loop3A_1130 = vector.broadcast %parallel_loop3A_1127 : i32 to vector<16xi32>
        %parallel_loop3A_1131 = arith.addi %parallel_loop3A_1129, %parallel_loop3A_1130 : vector<16xi32>
        %parallel_loop3A_1132 = arith.constant 1 : i32
        %parallel_loop3A_1133 = vector.broadcast %parallel_loop3A_1132 : i32 to vector<16xi32>
        %parallel_loop3A_1134 = arith.addi %parallel_loop3A_1131, %parallel_loop3A_1133 : vector<16xi32>
        %parallel_loop3A_1135 = tpu.vector_load_idx %arg17[%parallel_loop3A_1134] : memref<16xf32, #tpu.memory_space<vmem>>[vector<16xi32>], vector<16xf32>,
        %parallel_loop3A_1136 = arith.constant 9.99999997E-7 : f32
        %parallel_loop3A_1137 = vector.broadcast %parallel_loop3A_1136 : f32 to vector<16xf32>
        %parallel_loop3A_1138 = arith.addf %parallel_loop3A_1135, %parallel_loop3A_1137 : vector<16xf32>
        %parallel_loop3A_1139 = arith.index_cast %parallel_loop3A_1127 : i32 to index
        %parallel_loop3A_1140 = arith.constant 0 : index
        %parallel_loop3A_1141 = tpu.vector_load %arg15[%parallel_loop3A_1139, %parallel_loop3A_1140] {strides = array<i32>} : memref<10x32xf32, #tpu.memory_space<vmem>>, vector<16xf32>,
        %parallel_loop3A_1142 = arith.divf %parallel_loop3A_1141, %parallel_loop3A_1138 : vector<16xf32>
        %parallel_loop3A_1143 = arith.index_cast %parallel_loop3A_1127 : i32 to index
        %parallel_loop3A_1144 = arith.constant 0 : index
        %parallel_loop3A_1145 = tpu.vector_load %arg15[%parallel_loop3A_1143, %parallel_loop3A_1144] {strides = array<i32>} : memref<10x32xf32, #tpu.memory_space<vmem>>, vector<16xf32>,
        tpu.vector_store %arg15[%parallel_loop3A_1143, %parallel_loop3A_1144], %parallel_loop3A_1142 {strides = array<i32>} : memref<10x32xf32, #tpu.memory_space<vmem>>, vector<16xf32>,
        %parallel_loop3A_1146 = arith.index_cast %parallel_loop3A_1127 : i32 to index
        %parallel_loop3A_1147 = arith.constant 16 : index
        %parallel_loop3A_1148 = tpu.vector_load %arg15[%parallel_loop3A_1146, %parallel_loop3A_1147] {strides = array<i32>} : memref<10x32xf32, #tpu.memory_space<vmem>>, vector<16xf32>,
        %parallel_loop3A_1149 = arith.divf %parallel_loop3A_1148, %parallel_loop3A_1138 : vector<16xf32>
        %parallel_loop3A_1150 = arith.index_cast %parallel_loop3A_1127 : i32 to index
        %parallel_loop3A_1151 = arith.constant 16 : index
        %parallel_loop3A_1152 = tpu.vector_load %arg15[%parallel_loop3A_1150, %parallel_loop3A_1151] {strides = array<i32>} : memref<10x32xf32, #tpu.memory_space<vmem>>, vector<16xf32>,
        tpu.vector_store %arg15[%parallel_loop3A_1150, %parallel_loop3A_1151], %parallel_loop3A_1149 {strides = array<i32>} : memref<10x32xf32, #tpu.memory_space<vmem>>, vector<16xf32>,
      } {sc.loop_unroll_factor = 1 : i64, sc.parallel_access}
      %mul3A_607 = arith.constant 128 : i32
      %mul3A_608 = arith.muli %add3A, %mul3A_607 : i32
      %add3A_609 = arith.addi %mul3A_608, %mul3A_162 : i32
      %mul3A_610 = arith.constant 10 : i32
      %mul3A_611 = arith.muli %add3A_609, %mul3A_610 : i32
      %dma_start3A_612 = arith.constant 0 : i32
      %dma_start3A_613 = arith.constant 0 : i32
      %dma_start3A_614 = tpu.memref_slice %arg15[%dma_start3A_612, %dma_start3A_613] : memref<10x32xf32, #tpu.memory_space<vmem>> -> memref<10x32xf32, #tpu.memory_space<vmem>>
      %dma_start3A_615 = arith.constant 0 : i32
      %dma_start3A_616 = tpu.memref_slice %arg6[%mul3A_611, %dma_start3A_615] : memref<40960x32xf32, #tpu.memory_space<hbm>> -> memref<10x32xf32, #tpu.memory_space<hbm>>
      %dma_start3A_617 = arith.constant 0 : i32
      %dma_start3A_618 = tpu.memref_slice %arg6[%mul3A_611, %dma_start3A_617] : memref<40960x32xf32, #tpu.memory_space<hbm>> -> memref<10x32xf32, #tpu.memory_space<hbm>>
      %dma_start3A_619 = arith.constant 0 : i32
      %dma_start3A_620 = arith.constant 0 : i32
      %dma_start3A_621 = tpu.memref_slice %arg15[%dma_start3A_619, %dma_start3A_620] : memref<10x32xf32, #tpu.memory_space<vmem>> -> memref<10x32xf32, #tpu.memory_space<vmem>>
      tpu.enqueue_dma source(%dma_start3A_621 : memref<10x32xf32, #tpu.memory_space<vmem>>) target(%dma_start3A_618 : memref<10x32xf32, #tpu.memory_space<hbm>>) target_semaphore(%arg24 : memref<!tpu.dma_semaphore, #tpu.memory_space<semaphore_mem>>)
      %mul3A_622 = arith.constant 200 : i32
      %mul3A_623 = arith.muli %add3A_164, %mul3A_622 : i32
      %add3A_624 = arith.constant 0 : i32
      %add3A_625 = arith.addi %mul3A_623, %add3A_624 : i32
      %mul3A_626 = arith.constant 200 : i32
      %mul3A_627 = arith.muli %add3A_164, %mul3A_626 : i32
      %add3A_628 = arith.constant 128 : i32
      %add3A_629 = arith.addi %mul3A_627, %add3A_628 : i32
      %dma_start3A_630 = arith.constant 0 : i32
      %dma_start3A_631 = arith.constant 0 : i32
      %dma_start3A_632 = tpu.memref_slice %arg12[%dma_start3A_630, %dma_start3A_631] : memref<256x32xf32, #tpu.memory_space<vmem>> -> memref<128x32xf32, #tpu.memory_space<vmem>>
      %dma_start3A_633 = tpu.memref_slice %arg8[%add3A_625] : memref<25608xi32, #tpu.memory_space<vmem>> -> memref<128xi32, #tpu.memory_space<vmem>>
      %dma_start3A_634 = arith.constant 0 : i32
      %dma_start3A_635 = arith.constant 0 : i32
      %dma_start3A_636 = tpu.memref_slice %arg4[%dma_start3A_634, %dma_start3A_635] : memref<1000001x32xf32, #tpu.memory_space<hbm>> -> memref<1000001x32xf32, #tpu.memory_space<hbm>>
      tpu.enqueue_indirect_dma source(%dma_start3A_636 : memref<1000001x32xf32, #tpu.memory_space<hbm>>) target(%dma_start3A_632 : memref<128x32xf32, #tpu.memory_space<vmem>>) offsets(%dma_start3A_633 : memref<128xi32, #tpu.memory_space<vmem>>) semaphore(%arg22 : memref<!tpu.dma_semaphore, #tpu.memory_space<semaphore_mem>>)
      %dma_start3A_637 = arith.constant 16 : i32
      %dma_start3A_638 = tpu.memref_slice %arg10[%dma_start3A_637] : memref<272xf32, #tpu.memory_space<vmem>> -> memref<128xf32, #tpu.memory_space<vmem>>
      %dma_start3A_639 = tpu.memref_slice %arg8[%add3A_625] : memref<25608xi32, #tpu.memory_space<vmem>> -> memref<128xi32, #tpu.memory_space<vmem>>
      %dma_start3A_640 = arith.constant 0 : i32
      %dma_start3A_641 = tpu.memref_slice %arg5[%dma_start3A_640] : memref<1000001xf32, #tpu.memory_space<hbm>> -> memref<1000001xf32, #tpu.memory_space<hbm>>
      tpu.enqueue_indirect_dma source(%dma_start3A_641 : memref<1000001xf32, #tpu.memory_space<hbm>>) target(%dma_start3A_638 : memref<128xf32, #tpu.memory_space<vmem>>) offsets(%dma_start3A_639 : memref<128xi32, #tpu.memory_space<vmem>>) semaphore(%arg22 : memref<!tpu.dma_semaphore, #tpu.memory_space<semaphore_mem>>)
      %dma_start3A_642 = arith.constant 128 : i32
      %dma_start3A_643 = arith.constant 0 : i32
      %dma_start3A_644 = tpu.memref_slice %arg12[%dma_start3A_642, %dma_start3A_643] : memref<256x32xf32, #tpu.memory_space<vmem>> -> memref<80x32xf32, #tpu.memory_space<vmem>>
      %dma_start3A_645 = tpu.memref_slice %arg8[%add3A_629] : memref<25608xi32, #tpu.memory_space<vmem>> -> memref<80xi32, #tpu.memory_space<vmem>>
      %dma_start3A_646 = arith.constant 0 : i32
      %dma_start3A_647 = arith.constant 0 : i32
      %dma_start3A_648 = tpu.memref_slice %arg4[%dma_start3A_646, %dma_start3A_647] : memref<1000001x32xf32, #tpu.memory_space<hbm>> -> memref<1000001x32xf32, #tpu.memory_space<hbm>>
      tpu.enqueue_indirect_dma source(%dma_start3A_648 : memref<1000001x32xf32, #tpu.memory_space<hbm>>) target(%dma_start3A_644 : memref<80x32xf32, #tpu.memory_space<vmem>>) offsets(%dma_start3A_645 : memref<80xi32, #tpu.memory_space<vmem>>) semaphore(%arg22 : memref<!tpu.dma_semaphore, #tpu.memory_space<semaphore_mem>>)
      %dma_start3A_649 = arith.constant 144 : i32
      %dma_start3A_650 = tpu.memref_slice %arg10[%dma_start3A_649] : memref<272xf32, #tpu.memory_space<vmem>> -> memref<80xf32, #tpu.memory_space<vmem>>
      %dma_start3A_651 = tpu.memref_slice %arg8[%add3A_629] : memref<25608xi32, #tpu.memory_space<vmem>> -> memref<80xi32, #tpu.memory_space<vmem>>
      %dma_start3A_652 = arith.constant 0 : i32
      %dma_start3A_653 = tpu.memref_slice %arg5[%dma_start3A_652] : memref<1000001xf32, #tpu.memory_space<hbm>> -> memref<1000001xf32, #tpu.memory_space<hbm>>
      tpu.enqueue_indirect_dma source(%dma_start3A_653 : memref<1000001xf32, #tpu.memory_space<hbm>>) target(%dma_start3A_650 : memref<80xf32, #tpu.memory_space<vmem>>) offsets(%dma_start3A_651 : memref<80xi32, #tpu.memory_space<vmem>>) semaphore(%arg22 : memref<!tpu.dma_semaphore, #tpu.memory_space<semaphore_mem>>)
      %lt3A_654 = arith.constant 63 : i32
      %lt3A_655 = arith.cmpi slt, %scan3A_160, %lt3A_654 : i32
      %convert_element_type3A_656 = arith.extui %lt3A_655 : i1 to i32
      %cond3A_657 = arith.constant 0 : i32
      %cond3A_658 = arith.cmpi ne, %convert_element_type3A_656, %cond3A_657 : i32
      scf.if %cond3A_658 {
        %add3A_1127 = arith.constant 2 : i32
        %add3A_1128 = arith.addi %mul3A_162, %add3A_1127 : i32
        %mul3A_1129 = arith.constant 200 : i32
        %mul3A_1130 = arith.muli %add3A_1128, %mul3A_1129 : i32
        %add3A_1131 = arith.constant 0 : i32
        %add3A_1132 = arith.addi %mul3A_1130, %add3A_1131 : i32
        %mul3A_1133 = arith.constant 200 : i32
        %mul3A_1134 = arith.muli %add3A_1128, %mul3A_1133 : i32
        %add3A_1135 = arith.constant 128 : i32
        %add3A_1136 = arith.addi %mul3A_1134, %add3A_1135 : i32
        %dma_start3A_1137 = arith.constant 0 : i32
        %dma_start3A_1138 = arith.constant 0 : i32
        %dma_start3A_1139 = tpu.memref_slice %arg11[%dma_start3A_1137, %dma_start3A_1138] : memref<256x32xf32, #tpu.memory_space<vmem>> -> memref<128x32xf32, #tpu.memory_space<vmem>>
        %dma_start3A_1140 = tpu.memref_slice %arg8[%add3A_1132] : memref<25608xi32, #tpu.memory_space<vmem>> -> memref<128xi32, #tpu.memory_space<vmem>>
        %dma_start3A_1141 = arith.constant 0 : i32
        %dma_start3A_1142 = arith.constant 0 : i32
        %dma_start3A_1143 = tpu.memref_slice %arg4[%dma_start3A_1141, %dma_start3A_1142] : memref<1000001x32xf32, #tpu.memory_space<hbm>> -> memref<1000001x32xf32, #tpu.memory_space<hbm>>
        tpu.enqueue_indirect_dma source(%dma_start3A_1143 : memref<1000001x32xf32, #tpu.memory_space<hbm>>) target(%dma_start3A_1139 : memref<128x32xf32, #tpu.memory_space<vmem>>) offsets(%dma_start3A_1140 : memref<128xi32, #tpu.memory_space<vmem>>) semaphore(%arg21 : memref<!tpu.dma_semaphore, #tpu.memory_space<semaphore_mem>>)
        %dma_start3A_1144 = arith.constant 16 : i32
        %dma_start3A_1145 = tpu.memref_slice %arg9[%dma_start3A_1144] : memref<272xf32, #tpu.memory_space<vmem>> -> memref<128xf32, #tpu.memory_space<vmem>>
        %dma_start3A_1146 = tpu.memref_slice %arg8[%add3A_1132] : memref<25608xi32, #tpu.memory_space<vmem>> -> memref<128xi32, #tpu.memory_space<vmem>>
        %dma_start3A_1147 = arith.constant 0 : i32
        %dma_start3A_1148 = tpu.memref_slice %arg5[%dma_start3A_1147] : memref<1000001xf32, #tpu.memory_space<hbm>> -> memref<1000001xf32, #tpu.memory_space<hbm>>
        tpu.enqueue_indirect_dma source(%dma_start3A_1148 : memref<1000001xf32, #tpu.memory_space<hbm>>) target(%dma_start3A_1145 : memref<128xf32, #tpu.memory_space<vmem>>) offsets(%dma_start3A_1146 : memref<128xi32, #tpu.memory_space<vmem>>) semaphore(%arg21 : memref<!tpu.dma_semaphore, #tpu.memory_space<semaphore_mem>>)
        %dma_start3A_1149 = arith.constant 128 : i32
        %dma_start3A_1150 = arith.constant 0 : i32
        %dma_start3A_1151 = tpu.memref_slice %arg11[%dma_start3A_1149, %dma_start3A_1150] : memref<256x32xf32, #tpu.memory_space<vmem>> -> memref<80x32xf32, #tpu.memory_space<vmem>>
        %dma_start3A_1152 = tpu.memref_slice %arg8[%add3A_1136] : memref<25608xi32, #tpu.memory_space<vmem>> -> memref<80xi32, #tpu.memory_space<vmem>>
        %dma_start3A_1153 = arith.constant 0 : i32
        %dma_start3A_1154 = arith.constant 0 : i32
        %dma_start3A_1155 = tpu.memref_slice %arg4[%dma_start3A_1153, %dma_start3A_1154] : memref<1000001x32xf32, #tpu.memory_space<hbm>> -> memref<1000001x32xf32, #tpu.memory_space<hbm>>
        tpu.enqueue_indirect_dma source(%dma_start3A_1155 : memref<1000001x32xf32, #tpu.memory_space<hbm>>) target(%dma_start3A_1151 : memref<80x32xf32, #tpu.memory_space<vmem>>) offsets(%dma_start3A_1152 : memref<80xi32, #tpu.memory_space<vmem>>) semaphore(%arg21 : memref<!tpu.dma_semaphore, #tpu.memory_space<semaphore_mem>>)
        %dma_start3A_1156 = arith.constant 144 : i32
        %dma_start3A_1157 = tpu.memref_slice %arg9[%dma_start3A_1156] : memref<272xf32, #tpu.memory_space<vmem>> -> memref<80xf32, #tpu.memory_space<vmem>>
        %dma_start3A_1158 = tpu.memref_slice %arg8[%add3A_1136] : memref<25608xi32, #tpu.memory_space<vmem>> -> memref<80xi32, #tpu.memory_space<vmem>>
        %dma_start3A_1159 = arith.constant 0 : i32
        %dma_start3A_1160 = tpu.memref_slice %arg5[%dma_start3A_1159] : memref<1000001xf32, #tpu.memory_space<hbm>> -> memref<1000001xf32, #tpu.memory_space<hbm>>
        tpu.enqueue_indirect_dma source(%dma_start3A_1160 : memref<1000001xf32, #tpu.memory_space<hbm>>) target(%dma_start3A_1157 : memref<80xf32, #tpu.memory_space<vmem>>) offsets(%dma_start3A_1158 : memref<80xi32, #tpu.memory_space<vmem>>) semaphore(%arg21 : memref<!tpu.dma_semaphore, #tpu.memory_space<semaphore_mem>>)
      } else {
      }
      %gt3A_659 = arith.constant 0 : i32
      %gt3A_660 = arith.cmpi sgt, %scan3A_160, %gt3A_659 : i32
      %convert_element_type3A_661 = arith.extui %gt3A_660 : i1 to i32
      %cond3A_662 = arith.constant 0 : i32
      %cond3A_663 = arith.cmpi ne, %convert_element_type3A_661, %cond3A_662 : i32
      scf.if %cond3A_663 {
        %sub3A = arith.constant 2 : i32
        %sub3A_1127 = arith.subi %add3A_164, %sub3A : i32
        %mul3A_1128 = arith.constant 128 : i32
        %mul3A_1129 = arith.muli %add3A, %mul3A_1128 : i32
        %add3A_1130 = arith.addi %mul3A_1129, %sub3A_1127 : i32
        %mul3A_1131 = arith.constant 10 : i32
        %mul3A_1132 = arith.muli %add3A_1130, %mul3A_1131 : i32
        %dma_wait3A_1133 = arith.constant 0 : i32
        %dma_wait3A_1134 = arith.constant 0 : i32
        %dma_wait3A_1135 = tpu.memref_slice %arg16[%dma_wait3A_1133, %dma_wait3A_1134] : memref<10x32xf32, #tpu.memory_space<vmem>> -> memref<10x32xf32, #tpu.memory_space<vmem>>
        %dma_wait3A_1136 = arith.constant 0 : i32
        %dma_wait3A_1137 = tpu.memref_slice %arg6[%mul3A_1132, %dma_wait3A_1136] : memref<40960x32xf32, #tpu.memory_space<hbm>> -> memref<10x32xf32, #tpu.memory_space<hbm>>
        %dma_wait3A_1138 = arith.constant 0 : i32
        %dma_wait3A_1139 = tpu.memref_slice %arg6[%mul3A_1132, %dma_wait3A_1138] : memref<40960x32xf32, #tpu.memory_space<hbm>> -> memref<10x32xf32, #tpu.memory_space<hbm>>
        %dma_wait3A_1140 = arith.constant 0 : i32
        %dma_wait3A_1141 = arith.constant 0 : i32
        %dma_wait3A_1142 = tpu.memref_slice %arg16[%dma_wait3A_1140, %dma_wait3A_1141] : memref<10x32xf32, #tpu.memory_space<vmem>> -> memref<10x32xf32, #tpu.memory_space<vmem>>
        tpu.wait_dma2 semaphore(%arg25 : memref<!tpu.dma_semaphore, #tpu.memory_space<semaphore_mem>>) src(%dma_wait3A_1142 : memref<10x32xf32, #tpu.memory_space<vmem>>) dst(%dma_wait3A_1139 : memref<10x32xf32, #tpu.memory_space<hbm>>)
      } else {
      }
      %broadcast_in_dim3A_664 = arith.constant 0.000000e+00 : f32
      %broadcast_in_dim3A_665 = vector.broadcast %broadcast_in_dim3A_664 : f32 to vector<16xf32>
      %swap3A_666 = arith.constant 0 : index
      %swap3A_667 = tpu.vector_load %arg18[%swap3A_666] {strides = array<i32>} : memref<16xf32, #tpu.memory_space<vmem>>, vector<16xf32>,
      tpu.vector_store %arg18[%swap3A_666], %broadcast_in_dim3A_665 {strides = array<i32>} : memref<16xf32, #tpu.memory_space<vmem>>, vector<16xf32>,
      %mul3A_668 = arith.constant 200 : i32
      %mul3A_669 = arith.muli %add3A_164, %mul3A_668 : i32
      %add3A_670 = arith.constant 0 : i32
      %add3A_671 = arith.addi %mul3A_669, %add3A_670 : i32
      %mul3A_672 = arith.constant 200 : i32
      %mul3A_673 = arith.muli %add3A_164, %mul3A_672 : i32
      %add3A_674 = arith.constant 128 : i32
      %add3A_675 = arith.addi %mul3A_673, %add3A_674 : i32
      %dma_wait3A_676 = arith.constant 0 : i32
      %dma_wait3A_677 = arith.constant 0 : i32
      %dma_wait3A_678 = tpu.memref_slice %arg12[%dma_wait3A_676, %dma_wait3A_677] : memref<256x32xf32, #tpu.memory_space<vmem>> -> memref<128x32xf32, #tpu.memory_space<vmem>>
      %dma_wait3A_679 = tpu.memref_slice %arg8[%add3A_671] : memref<25608xi32, #tpu.memory_space<vmem>> -> memref<128xi32, #tpu.memory_space<vmem>>
      %dma_wait3A_680 = arith.constant 0 : i32
      %dma_wait3A_681 = arith.constant 0 : i32
      %dma_wait3A_682 = tpu.memref_slice %arg4[%dma_wait3A_680, %dma_wait3A_681] : memref<1000001x32xf32, #tpu.memory_space<hbm>> -> memref<1000001x32xf32, #tpu.memory_space<hbm>>
      tpu.wait_indirect_dma semaphore(%arg22 : memref<!tpu.dma_semaphore, #tpu.memory_space<semaphore_mem>>) src(%dma_wait3A_682 : memref<1000001x32xf32, #tpu.memory_space<hbm>>) dst(%dma_wait3A_678 : memref<128x32xf32, #tpu.memory_space<vmem>>)
      %dma_wait3A_683 = arith.constant 16 : i32
      %dma_wait3A_684 = tpu.memref_slice %arg10[%dma_wait3A_683] : memref<272xf32, #tpu.memory_space<vmem>> -> memref<128xf32, #tpu.memory_space<vmem>>
      %dma_wait3A_685 = tpu.memref_slice %arg8[%add3A_671] : memref<25608xi32, #tpu.memory_space<vmem>> -> memref<128xi32, #tpu.memory_space<vmem>>
      %dma_wait3A_686 = arith.constant 0 : i32
      %dma_wait3A_687 = tpu.memref_slice %arg5[%dma_wait3A_686] : memref<1000001xf32, #tpu.memory_space<hbm>> -> memref<1000001xf32, #tpu.memory_space<hbm>>
      tpu.wait_indirect_dma semaphore(%arg22 : memref<!tpu.dma_semaphore, #tpu.memory_space<semaphore_mem>>) src(%dma_wait3A_687 : memref<1000001xf32, #tpu.memory_space<hbm>>) dst(%dma_wait3A_684 : memref<128xf32, #tpu.memory_space<vmem>>)
      %dma_wait3A_688 = arith.constant 128 : i32
      %dma_wait3A_689 = arith.constant 0 : i32
      %dma_wait3A_690 = tpu.memref_slice %arg12[%dma_wait3A_688, %dma_wait3A_689] : memref<256x32xf32, #tpu.memory_space<vmem>> -> memref<80x32xf32, #tpu.memory_space<vmem>>
      %dma_wait3A_691 = tpu.memref_slice %arg8[%add3A_675] : memref<25608xi32, #tpu.memory_space<vmem>> -> memref<80xi32, #tpu.memory_space<vmem>>
      %dma_wait3A_692 = arith.constant 0 : i32
      %dma_wait3A_693 = arith.constant 0 : i32
      %dma_wait3A_694 = tpu.memref_slice %arg4[%dma_wait3A_692, %dma_wait3A_693] : memref<1000001x32xf32, #tpu.memory_space<hbm>> -> memref<1000001x32xf32, #tpu.memory_space<hbm>>
      tpu.wait_indirect_dma semaphore(%arg22 : memref<!tpu.dma_semaphore, #tpu.memory_space<semaphore_mem>>) src(%dma_wait3A_694 : memref<1000001x32xf32, #tpu.memory_space<hbm>>) dst(%dma_wait3A_690 : memref<80x32xf32, #tpu.memory_space<vmem>>)
      %dma_wait3A_695 = arith.constant 144 : i32
      %dma_wait3A_696 = tpu.memref_slice %arg10[%dma_wait3A_695] : memref<272xf32, #tpu.memory_space<vmem>> -> memref<80xf32, #tpu.memory_space<vmem>>
      %dma_wait3A_697 = tpu.memref_slice %arg8[%add3A_675] : memref<25608xi32, #tpu.memory_space<vmem>> -> memref<80xi32, #tpu.memory_space<vmem>>
      %dma_wait3A_698 = arith.constant 0 : i32
      %dma_wait3A_699 = tpu.memref_slice %arg5[%dma_wait3A_698] : memref<1000001xf32, #tpu.memory_space<hbm>> -> memref<1000001xf32, #tpu.memory_space<hbm>>
      tpu.wait_indirect_dma semaphore(%arg22 : memref<!tpu.dma_semaphore, #tpu.memory_space<semaphore_mem>>) src(%dma_wait3A_699 : memref<1000001xf32, #tpu.memory_space<hbm>>) dst(%dma_wait3A_696 : memref<80xf32, #tpu.memory_space<vmem>>)
      %broadcast_in_dim3A_700 = arith.constant 1.000000e+00 : f32
      %broadcast_in_dim3A_701 = vector.broadcast %broadcast_in_dim3A_700 : f32 to vector<16xf32>
      %mul3A_702 = arith.constant 200 : i32
      %mul3A_703 = arith.muli %add3A_164, %mul3A_702 : i32
      %broadcast_in_dim3A_704 = arith.constant 0 : i32
      %broadcast_in_dim3A_705 = vector.broadcast %broadcast_in_dim3A_704 : i32 to vector<16xi32>
      %mul3A_706 = arith.constant 11 : i32
      %mul3A_707 = arith.muli %arg1, %mul3A_706 : i32
      %add3A_708 = vector.broadcast %mul3A_707 : i32 to vector<16xi32>
      %add3A_709 = arith.addi %broadcast_in_dim3A_705, %add3A_708 : vector<16xi32>
      %iota3A_710 = tpu.iota {dimensions = array<i32: 0>} : vector<16xi32>
      %add3A_711 = arith.constant 0 : i32
      %add3A_712 = vector.broadcast %add3A_711 : i32 to vector<16xi32>
      %add3A_713 = arith.addi %iota3A_710, %add3A_712 : vector<16xi32>
      %add3A_714 = arith.constant 0 : i32
      %add3A_715 = arith.addi %mul3A_703, %add3A_714 : i32
      %get3A_716 = arith.index_cast %add3A_715 : i32 to index
      %get3A_717 = tpu.vector_load %arg7[%get3A_716] {strides = array<i32>} : memref<25608xf32, #tpu.memory_space<vmem>>, vector<16xf32>,
      %convert_element_type3A_718 = arith.fptosi %get3A_717 : vector<16xf32> to vector<16xi32>
      %lt3A_719 = arith.constant 1.000000e+01 : f32
      %lt3A_720 = vector.broadcast %lt3A_719 : f32 to vector<16xf32>
      %lt3A_721 = arith.cmpf olt, %get3A_717, %lt3A_720 : vector<16xf32>
      %add3A_722 = arith.constant 1 : i32
      %add3A_723 = vector.broadcast %add3A_722 : i32 to vector<16xi32>
      %add3A_724 = arith.addi %convert_element_type3A_718, %add3A_723 : vector<16xi32>
      tpu.vector_store_idx %arg18[%add3A_724], %broadcast_in_dim3A_701 masked %lt3A_721 {add = true} : memref<16xf32, #tpu.memory_space<vmem>>[vector<16xi32>], vector<16xf32>, vector<16xi1>
      %add3A_725 = arith.addi %convert_element_type3A_718, %add3A_709 : vector<16xi32>
      %swap3A_726 = arith.constant 0 : i32
      %swap3A_727 = arith.index_cast %swap3A_726 : i32 to index
      %swap3A_728 = arith.constant 0 : index
      %swap3A_729 = tpu.vector_load %arg14[%swap3A_727, %swap3A_728] {strides = array<i32>} : memref<2x128xi32, #tpu.memory_space<vmem>>, vector<16xi32>,
      tpu.vector_store %arg14[%swap3A_727, %swap3A_728], %add3A_725 {strides = array<i32>} : memref<2x128xi32, #tpu.memory_space<vmem>>, vector<16xi32>,
      %get3A_730 = arith.constant 16 : index
      %get3A_731 = tpu.vector_load %arg10[%get3A_730] {strides = array<i32>} : memref<272xf32, #tpu.memory_space<vmem>>, vector<16xf32>,
      %exp3A_732 = math.exp %get3A_731 : vector<16xf32>
      %swap3A_733 = arith.constant 16 : index
      %swap3A_734 = tpu.vector_load %arg10[%swap3A_733] {strides = array<i32>} : memref<272xf32, #tpu.memory_space<vmem>>, vector<16xf32>,
      tpu.vector_store %arg10[%swap3A_733], %exp3A_732 {strides = array<i32>} : memref<272xf32, #tpu.memory_space<vmem>>, vector<16xf32>,
      %iota3A_735 = tpu.iota {dimensions = array<i32: 0>} : vector<16xi32>
      %add3A_736 = arith.constant 16 : i32
      %add3A_737 = vector.broadcast %add3A_736 : i32 to vector<16xi32>
      %add3A_738 = arith.addi %iota3A_735, %add3A_737 : vector<16xi32>
      %add3A_739 = arith.constant 16 : i32
      %add3A_740 = arith.addi %mul3A_703, %add3A_739 : i32
      %get3A_741 = arith.index_cast %add3A_740 : i32 to index
      %get3A_742 = tpu.vector_load %arg7[%get3A_741] {strides = array<i32>} : memref<25608xf32, #tpu.memory_space<vmem>>, vector<16xf32>,
      %convert_element_type3A_743 = arith.fptosi %get3A_742 : vector<16xf32> to vector<16xi32>
      %lt3A_744 = arith.constant 1.000000e+01 : f32
      %lt3A_745 = vector.broadcast %lt3A_744 : f32 to vector<16xf32>
      %lt3A_746 = arith.cmpf olt, %get3A_742, %lt3A_745 : vector<16xf32>
      %add3A_747 = arith.constant 1 : i32
      %add3A_748 = vector.broadcast %add3A_747 : i32 to vector<16xi32>
      %add3A_749 = arith.addi %convert_element_type3A_743, %add3A_748 : vector<16xi32>
      tpu.vector_store_idx %arg18[%add3A_749], %broadcast_in_dim3A_701 masked %lt3A_746 {add = true} : memref<16xf32, #tpu.memory_space<vmem>>[vector<16xi32>], vector<16xf32>, vector<16xi1>
      %add3A_750 = arith.addi %convert_element_type3A_743, %add3A_709 : vector<16xi32>
      %swap3A_751 = arith.constant 0 : i32
      %swap3A_752 = arith.index_cast %swap3A_751 : i32 to index
      %swap3A_753 = arith.constant 16 : index
      %swap3A_754 = tpu.vector_load %arg14[%swap3A_752, %swap3A_753] {strides = array<i32>} : memref<2x128xi32, #tpu.memory_space<vmem>>, vector<16xi32>,
      tpu.vector_store %arg14[%swap3A_752, %swap3A_753], %add3A_750 {strides = array<i32>} : memref<2x128xi32, #tpu.memory_space<vmem>>, vector<16xi32>,
      %get3A_755 = arith.constant 32 : index
      %get3A_756 = tpu.vector_load %arg10[%get3A_755] {strides = array<i32>} : memref<272xf32, #tpu.memory_space<vmem>>, vector<16xf32>,
      %exp3A_757 = math.exp %get3A_756 : vector<16xf32>
      %swap3A_758 = arith.constant 32 : index
      %swap3A_759 = tpu.vector_load %arg10[%swap3A_758] {strides = array<i32>} : memref<272xf32, #tpu.memory_space<vmem>>, vector<16xf32>,
      tpu.vector_store %arg10[%swap3A_758], %exp3A_757 {strides = array<i32>} : memref<272xf32, #tpu.memory_space<vmem>>, vector<16xf32>,
      %iota3A_760 = tpu.iota {dimensions = array<i32: 0>} : vector<16xi32>
      %add3A_761 = arith.constant 32 : i32
      %add3A_762 = vector.broadcast %add3A_761 : i32 to vector<16xi32>
      %add3A_763 = arith.addi %iota3A_760, %add3A_762 : vector<16xi32>
      %add3A_764 = arith.constant 32 : i32
      %add3A_765 = arith.addi %mul3A_703, %add3A_764 : i32
      %get3A_766 = arith.index_cast %add3A_765 : i32 to index
      %get3A_767 = tpu.vector_load %arg7[%get3A_766] {strides = array<i32>} : memref<25608xf32, #tpu.memory_space<vmem>>, vector<16xf32>,
      %convert_element_type3A_768 = arith.fptosi %get3A_767 : vector<16xf32> to vector<16xi32>
      %lt3A_769 = arith.constant 1.000000e+01 : f32
      %lt3A_770 = vector.broadcast %lt3A_769 : f32 to vector<16xf32>
      %lt3A_771 = arith.cmpf olt, %get3A_767, %lt3A_770 : vector<16xf32>
      %add3A_772 = arith.constant 1 : i32
      %add3A_773 = vector.broadcast %add3A_772 : i32 to vector<16xi32>
      %add3A_774 = arith.addi %convert_element_type3A_768, %add3A_773 : vector<16xi32>
      tpu.vector_store_idx %arg18[%add3A_774], %broadcast_in_dim3A_701 masked %lt3A_771 {add = true} : memref<16xf32, #tpu.memory_space<vmem>>[vector<16xi32>], vector<16xf32>, vector<16xi1>
      %add3A_775 = arith.addi %convert_element_type3A_768, %add3A_709 : vector<16xi32>
      %swap3A_776 = arith.constant 0 : i32
      %swap3A_777 = arith.index_cast %swap3A_776 : i32 to index
      %swap3A_778 = arith.constant 32 : index
      %swap3A_779 = tpu.vector_load %arg14[%swap3A_777, %swap3A_778] {strides = array<i32>} : memref<2x128xi32, #tpu.memory_space<vmem>>, vector<16xi32>,
      tpu.vector_store %arg14[%swap3A_777, %swap3A_778], %add3A_775 {strides = array<i32>} : memref<2x128xi32, #tpu.memory_space<vmem>>, vector<16xi32>,
      %get3A_780 = arith.constant 48 : index
      %get3A_781 = tpu.vector_load %arg10[%get3A_780] {strides = array<i32>} : memref<272xf32, #tpu.memory_space<vmem>>, vector<16xf32>,
      %exp3A_782 = math.exp %get3A_781 : vector<16xf32>
      %swap3A_783 = arith.constant 48 : index
      %swap3A_784 = tpu.vector_load %arg10[%swap3A_783] {strides = array<i32>} : memref<272xf32, #tpu.memory_space<vmem>>, vector<16xf32>,
      tpu.vector_store %arg10[%swap3A_783], %exp3A_782 {strides = array<i32>} : memref<272xf32, #tpu.memory_space<vmem>>, vector<16xf32>,
      %iota3A_785 = tpu.iota {dimensions = array<i32: 0>} : vector<16xi32>
      %add3A_786 = arith.constant 48 : i32
      %add3A_787 = vector.broadcast %add3A_786 : i32 to vector<16xi32>
      %add3A_788 = arith.addi %iota3A_785, %add3A_787 : vector<16xi32>
      %add3A_789 = arith.constant 48 : i32
      %add3A_790 = arith.addi %mul3A_703, %add3A_789 : i32
      %get3A_791 = arith.index_cast %add3A_790 : i32 to index
      %get3A_792 = tpu.vector_load %arg7[%get3A_791] {strides = array<i32>} : memref<25608xf32, #tpu.memory_space<vmem>>, vector<16xf32>,
      %convert_element_type3A_793 = arith.fptosi %get3A_792 : vector<16xf32> to vector<16xi32>
      %lt3A_794 = arith.constant 1.000000e+01 : f32
      %lt3A_795 = vector.broadcast %lt3A_794 : f32 to vector<16xf32>
      %lt3A_796 = arith.cmpf olt, %get3A_792, %lt3A_795 : vector<16xf32>
      %add3A_797 = arith.constant 1 : i32
      %add3A_798 = vector.broadcast %add3A_797 : i32 to vector<16xi32>
      %add3A_799 = arith.addi %convert_element_type3A_793, %add3A_798 : vector<16xi32>
      tpu.vector_store_idx %arg18[%add3A_799], %broadcast_in_dim3A_701 masked %lt3A_796 {add = true} : memref<16xf32, #tpu.memory_space<vmem>>[vector<16xi32>], vector<16xf32>, vector<16xi1>
      %add3A_800 = arith.addi %convert_element_type3A_793, %add3A_709 : vector<16xi32>
      %swap3A_801 = arith.constant 0 : i32
      %swap3A_802 = arith.index_cast %swap3A_801 : i32 to index
      %swap3A_803 = arith.constant 48 : index
      %swap3A_804 = tpu.vector_load %arg14[%swap3A_802, %swap3A_803] {strides = array<i32>} : memref<2x128xi32, #tpu.memory_space<vmem>>, vector<16xi32>,
      tpu.vector_store %arg14[%swap3A_802, %swap3A_803], %add3A_800 {strides = array<i32>} : memref<2x128xi32, #tpu.memory_space<vmem>>, vector<16xi32>,
      %get3A_805 = arith.constant 64 : index
      %get3A_806 = tpu.vector_load %arg10[%get3A_805] {strides = array<i32>} : memref<272xf32, #tpu.memory_space<vmem>>, vector<16xf32>,
      %exp3A_807 = math.exp %get3A_806 : vector<16xf32>
      %swap3A_808 = arith.constant 64 : index
      %swap3A_809 = tpu.vector_load %arg10[%swap3A_808] {strides = array<i32>} : memref<272xf32, #tpu.memory_space<vmem>>, vector<16xf32>,
      tpu.vector_store %arg10[%swap3A_808], %exp3A_807 {strides = array<i32>} : memref<272xf32, #tpu.memory_space<vmem>>, vector<16xf32>,
      %iota3A_810 = tpu.iota {dimensions = array<i32: 0>} : vector<16xi32>
      %add3A_811 = arith.constant 64 : i32
      %add3A_812 = vector.broadcast %add3A_811 : i32 to vector<16xi32>
      %add3A_813 = arith.addi %iota3A_810, %add3A_812 : vector<16xi32>
      %add3A_814 = arith.constant 64 : i32
      %add3A_815 = arith.addi %mul3A_703, %add3A_814 : i32
      %get3A_816 = arith.index_cast %add3A_815 : i32 to index
      %get3A_817 = tpu.vector_load %arg7[%get3A_816] {strides = array<i32>} : memref<25608xf32, #tpu.memory_space<vmem>>, vector<16xf32>,
      %convert_element_type3A_818 = arith.fptosi %get3A_817 : vector<16xf32> to vector<16xi32>
      %lt3A_819 = arith.constant 1.000000e+01 : f32
      %lt3A_820 = vector.broadcast %lt3A_819 : f32 to vector<16xf32>
      %lt3A_821 = arith.cmpf olt, %get3A_817, %lt3A_820 : vector<16xf32>
      %add3A_822 = arith.constant 1 : i32
      %add3A_823 = vector.broadcast %add3A_822 : i32 to vector<16xi32>
      %add3A_824 = arith.addi %convert_element_type3A_818, %add3A_823 : vector<16xi32>
      tpu.vector_store_idx %arg18[%add3A_824], %broadcast_in_dim3A_701 masked %lt3A_821 {add = true} : memref<16xf32, #tpu.memory_space<vmem>>[vector<16xi32>], vector<16xf32>, vector<16xi1>
      %add3A_825 = arith.addi %convert_element_type3A_818, %add3A_709 : vector<16xi32>
      %swap3A_826 = arith.constant 0 : i32
      %swap3A_827 = arith.index_cast %swap3A_826 : i32 to index
      %swap3A_828 = arith.constant 64 : index
      %swap3A_829 = tpu.vector_load %arg14[%swap3A_827, %swap3A_828] {strides = array<i32>} : memref<2x128xi32, #tpu.memory_space<vmem>>, vector<16xi32>,
      tpu.vector_store %arg14[%swap3A_827, %swap3A_828], %add3A_825 {strides = array<i32>} : memref<2x128xi32, #tpu.memory_space<vmem>>, vector<16xi32>,
      %get3A_830 = arith.constant 80 : index
      %get3A_831 = tpu.vector_load %arg10[%get3A_830] {strides = array<i32>} : memref<272xf32, #tpu.memory_space<vmem>>, vector<16xf32>,
      %exp3A_832 = math.exp %get3A_831 : vector<16xf32>
      %swap3A_833 = arith.constant 80 : index
      %swap3A_834 = tpu.vector_load %arg10[%swap3A_833] {strides = array<i32>} : memref<272xf32, #tpu.memory_space<vmem>>, vector<16xf32>,
      tpu.vector_store %arg10[%swap3A_833], %exp3A_832 {strides = array<i32>} : memref<272xf32, #tpu.memory_space<vmem>>, vector<16xf32>,
      %iota3A_835 = tpu.iota {dimensions = array<i32: 0>} : vector<16xi32>
      %add3A_836 = arith.constant 80 : i32
      %add3A_837 = vector.broadcast %add3A_836 : i32 to vector<16xi32>
      %add3A_838 = arith.addi %iota3A_835, %add3A_837 : vector<16xi32>
      %add3A_839 = arith.constant 80 : i32
      %add3A_840 = arith.addi %mul3A_703, %add3A_839 : i32
      %get3A_841 = arith.index_cast %add3A_840 : i32 to index
      %get3A_842 = tpu.vector_load %arg7[%get3A_841] {strides = array<i32>} : memref<25608xf32, #tpu.memory_space<vmem>>, vector<16xf32>,
      %convert_element_type3A_843 = arith.fptosi %get3A_842 : vector<16xf32> to vector<16xi32>
      %lt3A_844 = arith.constant 1.000000e+01 : f32
      %lt3A_845 = vector.broadcast %lt3A_844 : f32 to vector<16xf32>
      %lt3A_846 = arith.cmpf olt, %get3A_842, %lt3A_845 : vector<16xf32>
      %add3A_847 = arith.constant 1 : i32
      %add3A_848 = vector.broadcast %add3A_847 : i32 to vector<16xi32>
      %add3A_849 = arith.addi %convert_element_type3A_843, %add3A_848 : vector<16xi32>
      tpu.vector_store_idx %arg18[%add3A_849], %broadcast_in_dim3A_701 masked %lt3A_846 {add = true} : memref<16xf32, #tpu.memory_space<vmem>>[vector<16xi32>], vector<16xf32>, vector<16xi1>
      %add3A_850 = arith.addi %convert_element_type3A_843, %add3A_709 : vector<16xi32>
      %swap3A_851 = arith.constant 0 : i32
      %swap3A_852 = arith.index_cast %swap3A_851 : i32 to index
      %swap3A_853 = arith.constant 80 : index
      %swap3A_854 = tpu.vector_load %arg14[%swap3A_852, %swap3A_853] {strides = array<i32>} : memref<2x128xi32, #tpu.memory_space<vmem>>, vector<16xi32>,
      tpu.vector_store %arg14[%swap3A_852, %swap3A_853], %add3A_850 {strides = array<i32>} : memref<2x128xi32, #tpu.memory_space<vmem>>, vector<16xi32>,
      %get3A_855 = arith.constant 96 : index
      %get3A_856 = tpu.vector_load %arg10[%get3A_855] {strides = array<i32>} : memref<272xf32, #tpu.memory_space<vmem>>, vector<16xf32>,
      %exp3A_857 = math.exp %get3A_856 : vector<16xf32>
      %swap3A_858 = arith.constant 96 : index
      %swap3A_859 = tpu.vector_load %arg10[%swap3A_858] {strides = array<i32>} : memref<272xf32, #tpu.memory_space<vmem>>, vector<16xf32>,
      tpu.vector_store %arg10[%swap3A_858], %exp3A_857 {strides = array<i32>} : memref<272xf32, #tpu.memory_space<vmem>>, vector<16xf32>,
      %iota3A_860 = tpu.iota {dimensions = array<i32: 0>} : vector<16xi32>
      %add3A_861 = arith.constant 96 : i32
      %add3A_862 = vector.broadcast %add3A_861 : i32 to vector<16xi32>
      %add3A_863 = arith.addi %iota3A_860, %add3A_862 : vector<16xi32>
      %add3A_864 = arith.constant 96 : i32
      %add3A_865 = arith.addi %mul3A_703, %add3A_864 : i32
      %get3A_866 = arith.index_cast %add3A_865 : i32 to index
      %get3A_867 = tpu.vector_load %arg7[%get3A_866] {strides = array<i32>} : memref<25608xf32, #tpu.memory_space<vmem>>, vector<16xf32>,
      %convert_element_type3A_868 = arith.fptosi %get3A_867 : vector<16xf32> to vector<16xi32>
      %lt3A_869 = arith.constant 1.000000e+01 : f32
      %lt3A_870 = vector.broadcast %lt3A_869 : f32 to vector<16xf32>
      %lt3A_871 = arith.cmpf olt, %get3A_867, %lt3A_870 : vector<16xf32>
      %add3A_872 = arith.constant 1 : i32
      %add3A_873 = vector.broadcast %add3A_872 : i32 to vector<16xi32>
      %add3A_874 = arith.addi %convert_element_type3A_868, %add3A_873 : vector<16xi32>
      tpu.vector_store_idx %arg18[%add3A_874], %broadcast_in_dim3A_701 masked %lt3A_871 {add = true} : memref<16xf32, #tpu.memory_space<vmem>>[vector<16xi32>], vector<16xf32>, vector<16xi1>
      %add3A_875 = arith.addi %convert_element_type3A_868, %add3A_709 : vector<16xi32>
      %swap3A_876 = arith.constant 0 : i32
      %swap3A_877 = arith.index_cast %swap3A_876 : i32 to index
      %swap3A_878 = arith.constant 96 : index
      %swap3A_879 = tpu.vector_load %arg14[%swap3A_877, %swap3A_878] {strides = array<i32>} : memref<2x128xi32, #tpu.memory_space<vmem>>, vector<16xi32>,
      tpu.vector_store %arg14[%swap3A_877, %swap3A_878], %add3A_875 {strides = array<i32>} : memref<2x128xi32, #tpu.memory_space<vmem>>, vector<16xi32>,
      %get3A_880 = arith.constant 112 : index
      %get3A_881 = tpu.vector_load %arg10[%get3A_880] {strides = array<i32>} : memref<272xf32, #tpu.memory_space<vmem>>, vector<16xf32>,
      %exp3A_882 = math.exp %get3A_881 : vector<16xf32>
      %swap3A_883 = arith.constant 112 : index
      %swap3A_884 = tpu.vector_load %arg10[%swap3A_883] {strides = array<i32>} : memref<272xf32, #tpu.memory_space<vmem>>, vector<16xf32>,
      tpu.vector_store %arg10[%swap3A_883], %exp3A_882 {strides = array<i32>} : memref<272xf32, #tpu.memory_space<vmem>>, vector<16xf32>,
      %iota3A_885 = tpu.iota {dimensions = array<i32: 0>} : vector<16xi32>
      %add3A_886 = arith.constant 112 : i32
      %add3A_887 = vector.broadcast %add3A_886 : i32 to vector<16xi32>
      %add3A_888 = arith.addi %iota3A_885, %add3A_887 : vector<16xi32>
      %add3A_889 = arith.constant 112 : i32
      %add3A_890 = arith.addi %mul3A_703, %add3A_889 : i32
      %get3A_891 = arith.index_cast %add3A_890 : i32 to index
      %get3A_892 = tpu.vector_load %arg7[%get3A_891] {strides = array<i32>} : memref<25608xf32, #tpu.memory_space<vmem>>, vector<16xf32>,
      %convert_element_type3A_893 = arith.fptosi %get3A_892 : vector<16xf32> to vector<16xi32>
      %lt3A_894 = arith.constant 1.000000e+01 : f32
      %lt3A_895 = vector.broadcast %lt3A_894 : f32 to vector<16xf32>
      %lt3A_896 = arith.cmpf olt, %get3A_892, %lt3A_895 : vector<16xf32>
      %add3A_897 = arith.constant 1 : i32
      %add3A_898 = vector.broadcast %add3A_897 : i32 to vector<16xi32>
      %add3A_899 = arith.addi %convert_element_type3A_893, %add3A_898 : vector<16xi32>
      tpu.vector_store_idx %arg18[%add3A_899], %broadcast_in_dim3A_701 masked %lt3A_896 {add = true} : memref<16xf32, #tpu.memory_space<vmem>>[vector<16xi32>], vector<16xf32>, vector<16xi1>
      %add3A_900 = arith.addi %convert_element_type3A_893, %add3A_709 : vector<16xi32>
      %swap3A_901 = arith.constant 0 : i32
      %swap3A_902 = arith.index_cast %swap3A_901 : i32 to index
      %swap3A_903 = arith.constant 112 : index
      %swap3A_904 = tpu.vector_load %arg14[%swap3A_902, %swap3A_903] {strides = array<i32>} : memref<2x128xi32, #tpu.memory_space<vmem>>, vector<16xi32>,
      tpu.vector_store %arg14[%swap3A_902, %swap3A_903], %add3A_900 {strides = array<i32>} : memref<2x128xi32, #tpu.memory_space<vmem>>, vector<16xi32>,
      %get3A_905 = arith.constant 128 : index
      %get3A_906 = tpu.vector_load %arg10[%get3A_905] {strides = array<i32>} : memref<272xf32, #tpu.memory_space<vmem>>, vector<16xf32>,
      %exp3A_907 = math.exp %get3A_906 : vector<16xf32>
      %swap3A_908 = arith.constant 128 : index
      %swap3A_909 = tpu.vector_load %arg10[%swap3A_908] {strides = array<i32>} : memref<272xf32, #tpu.memory_space<vmem>>, vector<16xf32>,
      tpu.vector_store %arg10[%swap3A_908], %exp3A_907 {strides = array<i32>} : memref<272xf32, #tpu.memory_space<vmem>>, vector<16xf32>,
      %iota3A_910 = tpu.iota {dimensions = array<i32: 0>} : vector<16xi32>
      %add3A_911 = arith.constant 128 : i32
      %add3A_912 = vector.broadcast %add3A_911 : i32 to vector<16xi32>
      %add3A_913 = arith.addi %iota3A_910, %add3A_912 : vector<16xi32>
      %add3A_914 = arith.constant 128 : i32
      %add3A_915 = arith.addi %mul3A_703, %add3A_914 : i32
      %get3A_916 = arith.index_cast %add3A_915 : i32 to index
      %get3A_917 = tpu.vector_load %arg7[%get3A_916] {strides = array<i32>} : memref<25608xf32, #tpu.memory_space<vmem>>, vector<16xf32>,
      %convert_element_type3A_918 = arith.fptosi %get3A_917 : vector<16xf32> to vector<16xi32>
      %lt3A_919 = arith.constant 1.000000e+01 : f32
      %lt3A_920 = vector.broadcast %lt3A_919 : f32 to vector<16xf32>
      %lt3A_921 = arith.cmpf olt, %get3A_917, %lt3A_920 : vector<16xf32>
      %add3A_922 = arith.constant 1 : i32
      %add3A_923 = vector.broadcast %add3A_922 : i32 to vector<16xi32>
      %add3A_924 = arith.addi %convert_element_type3A_918, %add3A_923 : vector<16xi32>
      tpu.vector_store_idx %arg18[%add3A_924], %broadcast_in_dim3A_701 masked %lt3A_921 {add = true} : memref<16xf32, #tpu.memory_space<vmem>>[vector<16xi32>], vector<16xf32>, vector<16xi1>
      %add3A_925 = arith.addi %convert_element_type3A_918, %add3A_709 : vector<16xi32>
      %swap3A_926 = arith.constant 1 : i32
      %swap3A_927 = arith.index_cast %swap3A_926 : i32 to index
      %swap3A_928 = arith.constant 0 : index
      %swap3A_929 = tpu.vector_load %arg14[%swap3A_927, %swap3A_928] {strides = array<i32>} : memref<2x128xi32, #tpu.memory_space<vmem>>, vector<16xi32>,
      tpu.vector_store %arg14[%swap3A_927, %swap3A_928], %add3A_925 {strides = array<i32>} : memref<2x128xi32, #tpu.memory_space<vmem>>, vector<16xi32>,
      %get3A_930 = arith.constant 144 : index
      %get3A_931 = tpu.vector_load %arg10[%get3A_930] {strides = array<i32>} : memref<272xf32, #tpu.memory_space<vmem>>, vector<16xf32>,
      %exp3A_932 = math.exp %get3A_931 : vector<16xf32>
      %swap3A_933 = arith.constant 144 : index
      %swap3A_934 = tpu.vector_load %arg10[%swap3A_933] {strides = array<i32>} : memref<272xf32, #tpu.memory_space<vmem>>, vector<16xf32>,
      tpu.vector_store %arg10[%swap3A_933], %exp3A_932 {strides = array<i32>} : memref<272xf32, #tpu.memory_space<vmem>>, vector<16xf32>,
      %iota3A_935 = tpu.iota {dimensions = array<i32: 0>} : vector<16xi32>
      %add3A_936 = arith.constant 144 : i32
      %add3A_937 = vector.broadcast %add3A_936 : i32 to vector<16xi32>
      %add3A_938 = arith.addi %iota3A_935, %add3A_937 : vector<16xi32>
      %add3A_939 = arith.constant 144 : i32
      %add3A_940 = arith.addi %mul3A_703, %add3A_939 : i32
      %get3A_941 = arith.index_cast %add3A_940 : i32 to index
      %get3A_942 = tpu.vector_load %arg7[%get3A_941] {strides = array<i32>} : memref<25608xf32, #tpu.memory_space<vmem>>, vector<16xf32>,
      %convert_element_type3A_943 = arith.fptosi %get3A_942 : vector<16xf32> to vector<16xi32>
      %lt3A_944 = arith.constant 1.000000e+01 : f32
      %lt3A_945 = vector.broadcast %lt3A_944 : f32 to vector<16xf32>
      %lt3A_946 = arith.cmpf olt, %get3A_942, %lt3A_945 : vector<16xf32>
      %add3A_947 = arith.constant 1 : i32
      %add3A_948 = vector.broadcast %add3A_947 : i32 to vector<16xi32>
      %add3A_949 = arith.addi %convert_element_type3A_943, %add3A_948 : vector<16xi32>
      tpu.vector_store_idx %arg18[%add3A_949], %broadcast_in_dim3A_701 masked %lt3A_946 {add = true} : memref<16xf32, #tpu.memory_space<vmem>>[vector<16xi32>], vector<16xf32>, vector<16xi1>
      %add3A_950 = arith.addi %convert_element_type3A_943, %add3A_709 : vector<16xi32>
      %swap3A_951 = arith.constant 1 : i32
      %swap3A_952 = arith.index_cast %swap3A_951 : i32 to index
      %swap3A_953 = arith.constant 16 : index
      %swap3A_954 = tpu.vector_load %arg14[%swap3A_952, %swap3A_953] {strides = array<i32>} : memref<2x128xi32, #tpu.memory_space<vmem>>, vector<16xi32>,
      tpu.vector_store %arg14[%swap3A_952, %swap3A_953], %add3A_950 {strides = array<i32>} : memref<2x128xi32, #tpu.memory_space<vmem>>, vector<16xi32>,
      %get3A_955 = arith.constant 160 : index
      %get3A_956 = tpu.vector_load %arg10[%get3A_955] {strides = array<i32>} : memref<272xf32, #tpu.memory_space<vmem>>, vector<16xf32>,
      %exp3A_957 = math.exp %get3A_956 : vector<16xf32>
      %swap3A_958 = arith.constant 160 : index
      %swap3A_959 = tpu.vector_load %arg10[%swap3A_958] {strides = array<i32>} : memref<272xf32, #tpu.memory_space<vmem>>, vector<16xf32>,
      tpu.vector_store %arg10[%swap3A_958], %exp3A_957 {strides = array<i32>} : memref<272xf32, #tpu.memory_space<vmem>>, vector<16xf32>,
      %iota3A_960 = tpu.iota {dimensions = array<i32: 0>} : vector<16xi32>
      %add3A_961 = arith.constant 160 : i32
      %add3A_962 = vector.broadcast %add3A_961 : i32 to vector<16xi32>
      %add3A_963 = arith.addi %iota3A_960, %add3A_962 : vector<16xi32>
      %add3A_964 = arith.constant 160 : i32
      %add3A_965 = arith.addi %mul3A_703, %add3A_964 : i32
      %get3A_966 = arith.index_cast %add3A_965 : i32 to index
      %get3A_967 = tpu.vector_load %arg7[%get3A_966] {strides = array<i32>} : memref<25608xf32, #tpu.memory_space<vmem>>, vector<16xf32>,
      %convert_element_type3A_968 = arith.fptosi %get3A_967 : vector<16xf32> to vector<16xi32>
      %lt3A_969 = arith.constant 1.000000e+01 : f32
      %lt3A_970 = vector.broadcast %lt3A_969 : f32 to vector<16xf32>
      %lt3A_971 = arith.cmpf olt, %get3A_967, %lt3A_970 : vector<16xf32>
      %add3A_972 = arith.constant 1 : i32
      %add3A_973 = vector.broadcast %add3A_972 : i32 to vector<16xi32>
      %add3A_974 = arith.addi %convert_element_type3A_968, %add3A_973 : vector<16xi32>
      tpu.vector_store_idx %arg18[%add3A_974], %broadcast_in_dim3A_701 masked %lt3A_971 {add = true} : memref<16xf32, #tpu.memory_space<vmem>>[vector<16xi32>], vector<16xf32>, vector<16xi1>
      %add3A_975 = arith.addi %convert_element_type3A_968, %add3A_709 : vector<16xi32>
      %swap3A_976 = arith.constant 1 : i32
      %swap3A_977 = arith.index_cast %swap3A_976 : i32 to index
      %swap3A_978 = arith.constant 32 : index
      %swap3A_979 = tpu.vector_load %arg14[%swap3A_977, %swap3A_978] {strides = array<i32>} : memref<2x128xi32, #tpu.memory_space<vmem>>, vector<16xi32>,
      tpu.vector_store %arg14[%swap3A_977, %swap3A_978], %add3A_975 {strides = array<i32>} : memref<2x128xi32, #tpu.memory_space<vmem>>, vector<16xi32>,
      %get3A_980 = arith.constant 176 : index
      %get3A_981 = tpu.vector_load %arg10[%get3A_980] {strides = array<i32>} : memref<272xf32, #tpu.memory_space<vmem>>, vector<16xf32>,
      %exp3A_982 = math.exp %get3A_981 : vector<16xf32>
      %swap3A_983 = arith.constant 176 : index
      %swap3A_984 = tpu.vector_load %arg10[%swap3A_983] {strides = array<i32>} : memref<272xf32, #tpu.memory_space<vmem>>, vector<16xf32>,
      tpu.vector_store %arg10[%swap3A_983], %exp3A_982 {strides = array<i32>} : memref<272xf32, #tpu.memory_space<vmem>>, vector<16xf32>,
      %iota3A_985 = tpu.iota {dimensions = array<i32: 0>} : vector<16xi32>
      %add3A_986 = arith.constant 176 : i32
      %add3A_987 = vector.broadcast %add3A_986 : i32 to vector<16xi32>
      %add3A_988 = arith.addi %iota3A_985, %add3A_987 : vector<16xi32>
      %add3A_989 = arith.constant 176 : i32
      %add3A_990 = arith.addi %mul3A_703, %add3A_989 : i32
      %get3A_991 = arith.index_cast %add3A_990 : i32 to index
      %get3A_992 = tpu.vector_load %arg7[%get3A_991] {strides = array<i32>} : memref<25608xf32, #tpu.memory_space<vmem>>, vector<16xf32>,
      %convert_element_type3A_993 = arith.fptosi %get3A_992 : vector<16xf32> to vector<16xi32>
      %lt3A_994 = arith.constant 1.000000e+01 : f32
      %lt3A_995 = vector.broadcast %lt3A_994 : f32 to vector<16xf32>
      %lt3A_996 = arith.cmpf olt, %get3A_992, %lt3A_995 : vector<16xf32>
      %add3A_997 = arith.constant 1 : i32
      %add3A_998 = vector.broadcast %add3A_997 : i32 to vector<16xi32>
      %add3A_999 = arith.addi %convert_element_type3A_993, %add3A_998 : vector<16xi32>
      tpu.vector_store_idx %arg18[%add3A_999], %broadcast_in_dim3A_701 masked %lt3A_996 {add = true} : memref<16xf32, #tpu.memory_space<vmem>>[vector<16xi32>], vector<16xf32>, vector<16xi1>
      %add3A_1000 = arith.addi %convert_element_type3A_993, %add3A_709 : vector<16xi32>
      %swap3A_1001 = arith.constant 1 : i32
      %swap3A_1002 = arith.index_cast %swap3A_1001 : i32 to index
      %swap3A_1003 = arith.constant 48 : index
      %swap3A_1004 = tpu.vector_load %arg14[%swap3A_1002, %swap3A_1003] {strides = array<i32>} : memref<2x128xi32, #tpu.memory_space<vmem>>, vector<16xi32>,
      tpu.vector_store %arg14[%swap3A_1002, %swap3A_1003], %add3A_1000 {strides = array<i32>} : memref<2x128xi32, #tpu.memory_space<vmem>>, vector<16xi32>,
      %get3A_1005 = arith.constant 192 : index
      %get3A_1006 = tpu.vector_load %arg10[%get3A_1005] {strides = array<i32>} : memref<272xf32, #tpu.memory_space<vmem>>, vector<16xf32>,
      %exp3A_1007 = math.exp %get3A_1006 : vector<16xf32>
      %swap3A_1008 = arith.constant 192 : index
      %swap3A_1009 = tpu.vector_load %arg10[%swap3A_1008] {strides = array<i32>} : memref<272xf32, #tpu.memory_space<vmem>>, vector<16xf32>,
      tpu.vector_store %arg10[%swap3A_1008], %exp3A_1007 {strides = array<i32>} : memref<272xf32, #tpu.memory_space<vmem>>, vector<16xf32>,
      %iota3A_1010 = tpu.iota {dimensions = array<i32: 0>} : vector<16xi32>
      %add3A_1011 = arith.constant 192 : i32
      %add3A_1012 = vector.broadcast %add3A_1011 : i32 to vector<16xi32>
      %add3A_1013 = arith.addi %iota3A_1010, %add3A_1012 : vector<16xi32>
      %add3A_1014 = arith.constant 192 : i32
      %add3A_1015 = arith.addi %mul3A_703, %add3A_1014 : i32
      %get3A_1016 = arith.index_cast %add3A_1015 : i32 to index
      %get3A_1017 = tpu.vector_load %arg7[%get3A_1016] {strides = array<i32>} : memref<25608xf32, #tpu.memory_space<vmem>>, vector<16xf32>,
      %convert_element_type3A_1018 = arith.fptosi %get3A_1017 : vector<16xf32> to vector<16xi32>
      %lt3A_1019 = arith.constant 1.000000e+01 : f32
      %lt3A_1020 = vector.broadcast %lt3A_1019 : f32 to vector<16xf32>
      %lt3A_1021 = arith.cmpf olt, %get3A_1017, %lt3A_1020 : vector<16xf32>
      %lt3A_1022 = arith.constant 200 : i32
      %lt3A_1023 = vector.broadcast %lt3A_1022 : i32 to vector<16xi32>
      %lt3A_1024 = arith.cmpi slt, %add3A_1013, %lt3A_1023 : vector<16xi32>
      %and3A_1025 = arith.andi %lt3A_1021, %lt3A_1024 : vector<16xi1>
      %lt3A_1026 = arith.constant 200 : i32
      %lt3A_1027 = vector.broadcast %lt3A_1026 : i32 to vector<16xi32>
      %lt3A_1028 = arith.cmpi slt, %add3A_1013, %lt3A_1027 : vector<16xi32>
      %jit3A_1029 = arith.constant 10 : i32
      %broadcast_in_dim3A_1030 = vector.broadcast %jit3A_1029 : i32 to vector<16xi32>
      %select_n3A_1031 = arith.select %lt3A_1028, %convert_element_type3A_1018, %broadcast_in_dim3A_1030 : vector<16xi1>, vector<16xi32>
      %add3A_1032 = arith.constant 1 : i32
      %add3A_1033 = vector.broadcast %add3A_1032 : i32 to vector<16xi32>
      %add3A_1034 = arith.addi %select_n3A_1031, %add3A_1033 : vector<16xi32>
      tpu.vector_store_idx %arg18[%add3A_1034], %broadcast_in_dim3A_701 masked %and3A_1025 {add = true} : memref<16xf32, #tpu.memory_space<vmem>>[vector<16xi32>], vector<16xf32>, vector<16xi1>
      %add3A_1035 = arith.addi %select_n3A_1031, %add3A_709 : vector<16xi32>
      %swap3A_1036 = arith.constant 1 : i32
      %swap3A_1037 = arith.index_cast %swap3A_1036 : i32 to index
      %swap3A_1038 = arith.constant 64 : index
      %swap3A_1039 = tpu.vector_load %arg14[%swap3A_1037, %swap3A_1038] {strides = array<i32>} : memref<2x128xi32, #tpu.memory_space<vmem>>, vector<16xi32>,
      tpu.vector_store %arg14[%swap3A_1037, %swap3A_1038], %add3A_1035 {strides = array<i32>} : memref<2x128xi32, #tpu.memory_space<vmem>>, vector<16xi32>,
      %get3A_1040 = arith.constant 208 : index
      %get3A_1041 = tpu.vector_load %arg10[%get3A_1040] {strides = array<i32>} : memref<272xf32, #tpu.memory_space<vmem>>, vector<16xf32>,
      %exp3A_1042 = math.exp %get3A_1041 : vector<16xf32>
      %swap3A_1043 = arith.constant 208 : index
      %swap3A_1044 = tpu.vector_load %arg10[%swap3A_1043] {strides = array<i32>} : memref<272xf32, #tpu.memory_space<vmem>>, vector<16xf32>,
      tpu.vector_store %arg10[%swap3A_1043], %exp3A_1042 {strides = array<i32>} : memref<272xf32, #tpu.memory_space<vmem>>, vector<16xf32>,
      %add3A_1045 = arith.constant 10 : i32
      %add3A_1046 = vector.broadcast %add3A_1045 : i32 to vector<16xi32>
      %add3A_1047 = arith.addi %add3A_709, %add3A_1046 : vector<16xi32>
      %swap3A_1048 = arith.constant 1 : i32
      %swap3A_1049 = arith.index_cast %swap3A_1048 : i32 to index
      %swap3A_1050 = arith.constant 80 : index
      %swap3A_1051 = tpu.vector_load %arg14[%swap3A_1049, %swap3A_1050] {strides = array<i32>} : memref<2x128xi32, #tpu.memory_space<vmem>>, vector<16xi32>,
      tpu.vector_store %arg14[%swap3A_1049, %swap3A_1050], %add3A_1047 {strides = array<i32>} : memref<2x128xi32, #tpu.memory_space<vmem>>, vector<16xi32>,
      %add3A_1052 = arith.constant 10 : i32
      %add3A_1053 = vector.broadcast %add3A_1052 : i32 to vector<16xi32>
      %add3A_1054 = arith.addi %add3A_709, %add3A_1053 : vector<16xi32>
      %swap3A_1055 = arith.constant 1 : i32
      %swap3A_1056 = arith.index_cast %swap3A_1055 : i32 to index
      %swap3A_1057 = arith.constant 96 : index
      %swap3A_1058 = tpu.vector_load %arg14[%swap3A_1056, %swap3A_1057] {strides = array<i32>} : memref<2x128xi32, #tpu.memory_space<vmem>>, vector<16xi32>,
      tpu.vector_store %arg14[%swap3A_1056, %swap3A_1057], %add3A_1054 {strides = array<i32>} : memref<2x128xi32, #tpu.memory_space<vmem>>, vector<16xi32>,
      %add3A_1059 = arith.constant 10 : i32
      %add3A_1060 = vector.broadcast %add3A_1059 : i32 to vector<16xi32>
      %add3A_1061 = arith.addi %add3A_709, %add3A_1060 : vector<16xi32>
      %swap3A_1062 = arith.constant 1 : i32
      %swap3A_1063 = arith.index_cast %swap3A_1062 : i32 to index
      %swap3A_1064 = arith.constant 112 : index
      %swap3A_1065 = tpu.vector_load %arg14[%swap3A_1063, %swap3A_1064] {strides = array<i32>} : memref<2x128xi32, #tpu.memory_space<vmem>>, vector<16xi32>,
      tpu.vector_store %arg14[%swap3A_1063, %swap3A_1064], %add3A_1061 {strides = array<i32>} : memref<2x128xi32, #tpu.memory_space<vmem>>, vector<16xi32>,
      %parallel_loop3A_1066 = arith.constant 0 : i32
      %parallel_loop3A_1067 = arith.constant 200 : i32
      %parallel_loop3A_1068 = arith.constant 1 : i32
      scf.for %parallel_loop3A_1127 = %parallel_loop3A_1066 to %parallel_loop3A_1067 step %parallel_loop3A_1068  : i32 {
        %parallel_loop3A_1128 = arith.constant 0 : i32
        %parallel_loop3A_1129 = vector.broadcast %parallel_loop3A_1128 : i32 to vector<16xi32>
        %parallel_loop3A_1130 = arith.constant 16 : i32
        %parallel_loop3A_1131 = arith.addi %parallel_loop3A_1127, %parallel_loop3A_1130 : i32
        %parallel_loop3A_1132 = vector.broadcast %parallel_loop3A_1131 : i32 to vector<16xi32>
        %parallel_loop3A_1133 = arith.addi %parallel_loop3A_1129, %parallel_loop3A_1132 : vector<16xi32>
        %parallel_loop3A_1134 = tpu.vector_load_idx %arg10[%parallel_loop3A_1133] : memref<272xf32, #tpu.memory_space<vmem>>[vector<16xi32>], vector<16xf32>,
        %parallel_loop3A_1135 = arith.index_cast %parallel_loop3A_1127 : i32 to index
        %parallel_loop3A_1136 = arith.constant 0 : index
        %parallel_loop3A_1137 = tpu.vector_load %arg12[%parallel_loop3A_1135, %parallel_loop3A_1136] {strides = array<i32>} : memref<256x32xf32, #tpu.memory_space<vmem>>, vector<16xf32>,
        %parallel_loop3A_1138 = arith.mulf %parallel_loop3A_1137, %parallel_loop3A_1134 : vector<16xf32>
        %parallel_loop3A_1139 = arith.index_cast %parallel_loop3A_1127 : i32 to index
        %parallel_loop3A_1140 = arith.constant 0 : index
        %parallel_loop3A_1141 = tpu.vector_load %arg12[%parallel_loop3A_1139, %parallel_loop3A_1140] {strides = array<i32>} : memref<256x32xf32, #tpu.memory_space<vmem>>, vector<16xf32>,
        tpu.vector_store %arg12[%parallel_loop3A_1139, %parallel_loop3A_1140], %parallel_loop3A_1138 {strides = array<i32>} : memref<256x32xf32, #tpu.memory_space<vmem>>, vector<16xf32>,
        %parallel_loop3A_1142 = arith.index_cast %parallel_loop3A_1127 : i32 to index
        %parallel_loop3A_1143 = arith.constant 16 : index
        %parallel_loop3A_1144 = tpu.vector_load %arg12[%parallel_loop3A_1142, %parallel_loop3A_1143] {strides = array<i32>} : memref<256x32xf32, #tpu.memory_space<vmem>>, vector<16xf32>,
        %parallel_loop3A_1145 = arith.mulf %parallel_loop3A_1144, %parallel_loop3A_1134 : vector<16xf32>
        %parallel_loop3A_1146 = arith.index_cast %parallel_loop3A_1127 : i32 to index
        %parallel_loop3A_1147 = arith.constant 16 : index
        %parallel_loop3A_1148 = tpu.vector_load %arg12[%parallel_loop3A_1146, %parallel_loop3A_1147] {strides = array<i32>} : memref<256x32xf32, #tpu.memory_space<vmem>>, vector<16xf32>,
        tpu.vector_store %arg12[%parallel_loop3A_1146, %parallel_loop3A_1147], %parallel_loop3A_1145 {strides = array<i32>} : memref<256x32xf32, #tpu.memory_space<vmem>>, vector<16xf32>,
      } {sc.loop_unroll_factor = 8 : i64, sc.parallel_access}
      %dma_start3A_1069 = arith.constant 0 : i32
      %dma_start3A_1070 = arith.constant 0 : i32
      %dma_start3A_1071 = arith.constant 0 : i32
      %dma_start3A_1072 = tpu.memref_slice %arg12[%dma_start3A_1070, %dma_start3A_1071] : memref<256x32xf32, #tpu.memory_space<vmem>> -> memref<128x32xf32, #tpu.memory_space<vmem>>
      %dma_start3A_1073 = arith.constant 0 : i32
      %dma_start3A_1074 = tpu.memref_slice %arg14[%dma_start3A_1069, %dma_start3A_1073] : memref<2x128xi32, #tpu.memory_space<vmem>> -> memref<1x128xi32, #tpu.memory_space<vmem>>
      %dma_start3A_1075 = tpu.memref_squeeze %dma_start3A_1074 : memref<1x128xi32, #tpu.memory_space<vmem>> -> memref<128xi32, #tpu.memory_space<vmem>>
      %dma_start3A_1076 = arith.constant 0 : i32
      %dma_start3A_1077 = arith.constant 0 : i32
      %dma_start3A_1078 = tpu.memref_slice %arg20[%dma_start3A_1076, %dma_start3A_1077] : memref<176x32xf32, #tpu.memory_space<vmem_shared>> -> memref<176x32xf32, #tpu.memory_space<vmem_shared>>
      tpu.enqueue_indirect_dma source(%dma_start3A_1072 : memref<128x32xf32, #tpu.memory_space<vmem>>) target(%dma_start3A_1078 : memref<176x32xf32, #tpu.memory_space<vmem_shared>>) offsets(%dma_start3A_1075 : memref<128xi32, #tpu.memory_space<vmem>>) semaphore(%arg23 : memref<!tpu.dma_semaphore, #tpu.memory_space<semaphore_mem>>) {add = true}
      %dma_wait3A_1079 = arith.constant 0 : i32
      %dma_wait3A_1080 = arith.constant 0 : i32
      %dma_wait3A_1081 = arith.constant 0 : i32
      %dma_wait3A_1082 = tpu.memref_slice %arg12[%dma_wait3A_1080, %dma_wait3A_1081] : memref<256x32xf32, #tpu.memory_space<vmem>> -> memref<128x32xf32, #tpu.memory_space<vmem>>
      %dma_wait3A_1083 = arith.constant 0 : i32
      %dma_wait3A_1084 = tpu.memref_slice %arg14[%dma_wait3A_1079, %dma_wait3A_1083] : memref<2x128xi32, #tpu.memory_space<vmem>> -> memref<1x128xi32, #tpu.memory_space<vmem>>
      %dma_wait3A_1085 = tpu.memref_squeeze %dma_wait3A_1084 : memref<1x128xi32, #tpu.memory_space<vmem>> -> memref<128xi32, #tpu.memory_space<vmem>>
      %dma_wait3A_1086 = arith.constant 0 : i32
      %dma_wait3A_1087 = arith.constant 0 : i32
      %dma_wait3A_1088 = tpu.memref_slice %arg20[%dma_wait3A_1086, %dma_wait3A_1087] : memref<176x32xf32, #tpu.memory_space<vmem_shared>> -> memref<176x32xf32, #tpu.memory_space<vmem_shared>>
      tpu.wait_indirect_dma semaphore(%arg23 : memref<!tpu.dma_semaphore, #tpu.memory_space<semaphore_mem>>) src(%dma_wait3A_1082 : memref<128x32xf32, #tpu.memory_space<vmem>>) dst(%dma_wait3A_1088 : memref<176x32xf32, #tpu.memory_space<vmem_shared>>)
      %dma_start3A_1089 = arith.constant 1 : i32
      %dma_start3A_1090 = arith.constant 128 : i32
      %dma_start3A_1091 = arith.constant 0 : i32
      %dma_start3A_1092 = tpu.memref_slice %arg12[%dma_start3A_1090, %dma_start3A_1091] : memref<256x32xf32, #tpu.memory_space<vmem>> -> memref<128x32xf32, #tpu.memory_space<vmem>>
      %dma_start3A_1093 = arith.constant 0 : i32
      %dma_start3A_1094 = tpu.memref_slice %arg14[%dma_start3A_1089, %dma_start3A_1093] : memref<2x128xi32, #tpu.memory_space<vmem>> -> memref<1x128xi32, #tpu.memory_space<vmem>>
      %dma_start3A_1095 = tpu.memref_squeeze %dma_start3A_1094 : memref<1x128xi32, #tpu.memory_space<vmem>> -> memref<128xi32, #tpu.memory_space<vmem>>
      %dma_start3A_1096 = arith.constant 0 : i32
      %dma_start3A_1097 = arith.constant 0 : i32
      %dma_start3A_1098 = tpu.memref_slice %arg20[%dma_start3A_1096, %dma_start3A_1097] : memref<176x32xf32, #tpu.memory_space<vmem_shared>> -> memref<176x32xf32, #tpu.memory_space<vmem_shared>>
      tpu.enqueue_indirect_dma source(%dma_start3A_1092 : memref<128x32xf32, #tpu.memory_space<vmem>>) target(%dma_start3A_1098 : memref<176x32xf32, #tpu.memory_space<vmem_shared>>) offsets(%dma_start3A_1095 : memref<128xi32, #tpu.memory_space<vmem>>) semaphore(%arg23 : memref<!tpu.dma_semaphore, #tpu.memory_space<semaphore_mem>>) {add = true}
      %dma_wait3A_1099 = arith.constant 1 : i32
      %dma_wait3A_1100 = arith.constant 128 : i32
      %dma_wait3A_1101 = arith.constant 0 : i32
      %dma_wait3A_1102 = tpu.memref_slice %arg12[%dma_wait3A_1100, %dma_wait3A_1101] : memref<256x32xf32, #tpu.memory_space<vmem>> -> memref<128x32xf32, #tpu.memory_space<vmem>>
      %dma_wait3A_1103 = arith.constant 0 : i32
      %dma_wait3A_1104 = tpu.memref_slice %arg14[%dma_wait3A_1099, %dma_wait3A_1103] : memref<2x128xi32, #tpu.memory_space<vmem>> -> memref<1x128xi32, #tpu.memory_space<vmem>>
      %dma_wait3A_1105 = tpu.memref_squeeze %dma_wait3A_1104 : memref<1x128xi32, #tpu.memory_space<vmem>> -> memref<128xi32, #tpu.memory_space<vmem>>
      %dma_wait3A_1106 = arith.constant 0 : i32
      %dma_wait3A_1107 = arith.constant 0 : i32
      %dma_wait3A_1108 = tpu.memref_slice %arg20[%dma_wait3A_1106, %dma_wait3A_1107] : memref<176x32xf32, #tpu.memory_space<vmem_shared>> -> memref<176x32xf32, #tpu.memory_space<vmem_shared>>
      tpu.wait_indirect_dma semaphore(%arg23 : memref<!tpu.dma_semaphore, #tpu.memory_space<semaphore_mem>>) src(%dma_wait3A_1102 : memref<128x32xf32, #tpu.memory_space<vmem>>) dst(%dma_wait3A_1108 : memref<176x32xf32, #tpu.memory_space<vmem_shared>>)
      "tpu.region"() ({
        %run_scoped3A = tpu.sem_alloc : memref<!tpu.dma_semaphore, #tpu.memory_space<semaphore_mem>>
        %dma_start3A_1127 = arith.constant 0 : i32
        %dma_start3A_1128 = arith.constant 0 : i32
        %dma_start3A_1129 = tpu.memref_slice %arg16[%dma_start3A_1127, %dma_start3A_1128] : memref<10x32xf32, #tpu.memory_space<vmem>> -> memref<10x32xf32, #tpu.memory_space<vmem>>
        %dma_start3A_1130 = arith.constant 0 : i32
        %dma_start3A_1131 = tpu.memref_slice %arg20[%mul3A_4, %dma_start3A_1130] : memref<176x32xf32, #tpu.memory_space<vmem_shared>> -> memref<10x32xf32, #tpu.memory_space<vmem_shared>>
        %dma_start3A_1132 = arith.constant 0 : i32
        %dma_start3A_1133 = arith.constant 0 : i32
        %dma_start3A_1134 = tpu.memref_slice %arg16[%dma_start3A_1132, %dma_start3A_1133] : memref<10x32xf32, #tpu.memory_space<vmem>> -> memref<10x32xf32, #tpu.memory_space<vmem>>
        %dma_start3A_1135 = arith.constant 0 : i32
        %dma_start3A_1136 = tpu.memref_slice %arg20[%mul3A_4, %dma_start3A_1135] : memref<176x32xf32, #tpu.memory_space<vmem_shared>> -> memref<10x32xf32, #tpu.memory_space<vmem_shared>>
        tpu.enqueue_dma source(%dma_start3A_1136 : memref<10x32xf32, #tpu.memory_space<vmem_shared>>) target(%dma_start3A_1134 : memref<10x32xf32, #tpu.memory_space<vmem>>) target_semaphore(%run_scoped3A : memref<!tpu.dma_semaphore, #tpu.memory_space<semaphore_mem>>)
        %dma_wait3A_1137 = arith.constant 0 : i32
        %dma_wait3A_1138 = arith.constant 0 : i32
        %dma_wait3A_1139 = tpu.memref_slice %arg16[%dma_wait3A_1137, %dma_wait3A_1138] : memref<10x32xf32, #tpu.memory_space<vmem>> -> memref<10x32xf32, #tpu.memory_space<vmem>>
        %dma_wait3A_1140 = arith.constant 0 : i32
        %dma_wait3A_1141 = tpu.memref_slice %arg20[%mul3A_4, %dma_wait3A_1140] : memref<176x32xf32, #tpu.memory_space<vmem_shared>> -> memref<10x32xf32, #tpu.memory_space<vmem_shared>>
        %dma_wait3A_1142 = arith.constant 0 : i32
        %dma_wait3A_1143 = arith.constant 0 : i32
        %dma_wait3A_1144 = tpu.memref_slice %arg16[%dma_wait3A_1142, %dma_wait3A_1143] : memref<10x32xf32, #tpu.memory_space<vmem>> -> memref<10x32xf32, #tpu.memory_space<vmem>>
        %dma_wait3A_1145 = arith.constant 0 : i32
        %dma_wait3A_1146 = tpu.memref_slice %arg20[%mul3A_4, %dma_wait3A_1145] : memref<176x32xf32, #tpu.memory_space<vmem_shared>> -> memref<10x32xf32, #tpu.memory_space<vmem_shared>>
        tpu.wait_dma2 semaphore(%run_scoped3A : memref<!tpu.dma_semaphore, #tpu.memory_space<semaphore_mem>>) src(%dma_wait3A_1146 : memref<10x32xf32, #tpu.memory_space<vmem_shared>>) dst(%dma_wait3A_1144 : memref<10x32xf32, #tpu.memory_space<vmem>>)
        tpu.yield
      }) : () -> ()
      "tpu.region"() ({
        %run_scoped3A = tpu.sem_alloc : memref<!tpu.dma_semaphore, #tpu.memory_space<semaphore_mem>>
        %dma_start3A_1127 = arith.constant 0 : i32
        %dma_start3A_1128 = tpu.memref_slice %arg20[%mul3A_4, %dma_start3A_1127] : memref<176x32xf32, #tpu.memory_space<vmem_shared>> -> memref<11x32xf32, #tpu.memory_space<vmem_shared>>
        %dma_start3A_1129 = arith.constant 0 : i32
        %dma_start3A_1130 = tpu.memref_slice %arg20[%mul3A_4, %dma_start3A_1129] : memref<176x32xf32, #tpu.memory_space<vmem_shared>> -> memref<11x32xf32, #tpu.memory_space<vmem_shared>>
        tpu.enqueue_dma source(%arg19 : memref<11x32xf32, #tpu.memory_space<vmem>>) target(%dma_start3A_1130 : memref<11x32xf32, #tpu.memory_space<vmem_shared>>) target_semaphore(%run_scoped3A : memref<!tpu.dma_semaphore, #tpu.memory_space<semaphore_mem>>)
        %dma_wait3A_1131 = arith.constant 0 : i32
        %dma_wait3A_1132 = tpu.memref_slice %arg20[%mul3A_4, %dma_wait3A_1131] : memref<176x32xf32, #tpu.memory_space<vmem_shared>> -> memref<11x32xf32, #tpu.memory_space<vmem_shared>>
        %dma_wait3A_1133 = arith.constant 0 : i32
        %dma_wait3A_1134 = tpu.memref_slice %arg20[%mul3A_4, %dma_wait3A_1133] : memref<176x32xf32, #tpu.memory_space<vmem_shared>> -> memref<11x32xf32, #tpu.memory_space<vmem_shared>>
        tpu.wait_dma2 semaphore(%run_scoped3A : memref<!tpu.dma_semaphore, #tpu.memory_space<semaphore_mem>>) src(%arg19 : memref<11x32xf32, #tpu.memory_space<vmem>>) dst(%dma_wait3A_1134 : memref<11x32xf32, #tpu.memory_space<vmem_shared>>)
        tpu.yield
      }) : () -> ()
      %parallel_loop3A_1109 = arith.constant 0 : i32
      %parallel_loop3A_1110 = arith.constant 10 : i32
      %parallel_loop3A_1111 = arith.constant 1 : i32
      scf.for %parallel_loop3A_1127 = %parallel_loop3A_1109 to %parallel_loop3A_1110 step %parallel_loop3A_1111  : i32 {
        %parallel_loop3A_1128 = arith.constant 0 : i32
        %parallel_loop3A_1129 = vector.broadcast %parallel_loop3A_1128 : i32 to vector<16xi32>
        %parallel_loop3A_1130 = vector.broadcast %parallel_loop3A_1127 : i32 to vector<16xi32>
        %parallel_loop3A_1131 = arith.addi %parallel_loop3A_1129, %parallel_loop3A_1130 : vector<16xi32>
        %parallel_loop3A_1132 = arith.constant 1 : i32
        %parallel_loop3A_1133 = vector.broadcast %parallel_loop3A_1132 : i32 to vector<16xi32>
        %parallel_loop3A_1134 = arith.addi %parallel_loop3A_1131, %parallel_loop3A_1133 : vector<16xi32>
        %parallel_loop3A_1135 = tpu.vector_load_idx %arg18[%parallel_loop3A_1134] : memref<16xf32, #tpu.memory_space<vmem>>[vector<16xi32>], vector<16xf32>,
        %parallel_loop3A_1136 = arith.constant 9.99999997E-7 : f32
        %parallel_loop3A_1137 = vector.broadcast %parallel_loop3A_1136 : f32 to vector<16xf32>
        %parallel_loop3A_1138 = arith.addf %parallel_loop3A_1135, %parallel_loop3A_1137 : vector<16xf32>
        %parallel_loop3A_1139 = arith.index_cast %parallel_loop3A_1127 : i32 to index
        %parallel_loop3A_1140 = arith.constant 0 : index
        %parallel_loop3A_1141 = tpu.vector_load %arg16[%parallel_loop3A_1139, %parallel_loop3A_1140] {strides = array<i32>} : memref<10x32xf32, #tpu.memory_space<vmem>>, vector<16xf32>,
        %parallel_loop3A_1142 = arith.divf %parallel_loop3A_1141, %parallel_loop3A_1138 : vector<16xf32>
        %parallel_loop3A_1143 = arith.index_cast %parallel_loop3A_1127 : i32 to index
        %parallel_loop3A_1144 = arith.constant 0 : index
        %parallel_loop3A_1145 = tpu.vector_load %arg16[%parallel_loop3A_1143, %parallel_loop3A_1144] {strides = array<i32>} : memref<10x32xf32, #tpu.memory_space<vmem>>, vector<16xf32>,
        tpu.vector_store %arg16[%parallel_loop3A_1143, %parallel_loop3A_1144], %parallel_loop3A_1142 {strides = array<i32>} : memref<10x32xf32, #tpu.memory_space<vmem>>, vector<16xf32>,
        %parallel_loop3A_1146 = arith.index_cast %parallel_loop3A_1127 : i32 to index
        %parallel_loop3A_1147 = arith.constant 16 : index
        %parallel_loop3A_1148 = tpu.vector_load %arg16[%parallel_loop3A_1146, %parallel_loop3A_1147] {strides = array<i32>} : memref<10x32xf32, #tpu.memory_space<vmem>>, vector<16xf32>,
        %parallel_loop3A_1149 = arith.divf %parallel_loop3A_1148, %parallel_loop3A_1138 : vector<16xf32>
        %parallel_loop3A_1150 = arith.index_cast %parallel_loop3A_1127 : i32 to index
        %parallel_loop3A_1151 = arith.constant 16 : index
        %parallel_loop3A_1152 = tpu.vector_load %arg16[%parallel_loop3A_1150, %parallel_loop3A_1151] {strides = array<i32>} : memref<10x32xf32, #tpu.memory_space<vmem>>, vector<16xf32>,
        tpu.vector_store %arg16[%parallel_loop3A_1150, %parallel_loop3A_1151], %parallel_loop3A_1149 {strides = array<i32>} : memref<10x32xf32, #tpu.memory_space<vmem>>, vector<16xf32>,
      } {sc.loop_unroll_factor = 1 : i64, sc.parallel_access}
      %mul3A_1112 = arith.constant 128 : i32
      %mul3A_1113 = arith.muli %add3A, %mul3A_1112 : i32
      %add3A_1114 = arith.addi %mul3A_1113, %add3A_164 : i32
      %mul3A_1115 = arith.constant 10 : i32
      %mul3A_1116 = arith.muli %add3A_1114, %mul3A_1115 : i32
      %dma_start3A_1117 = arith.constant 0 : i32
      %dma_start3A_1118 = arith.constant 0 : i32
      %dma_start3A_1119 = tpu.memref_slice %arg16[%dma_start3A_1117, %dma_start3A_1118] : memref<10x32xf32, #tpu.memory_space<vmem>> -> memref<10x32xf32, #tpu.memory_space<vmem>>
      %dma_start3A_1120 = arith.constant 0 : i32
      %dma_start3A_1121 = tpu.memref_slice %arg6[%mul3A_1116, %dma_start3A_1120] : memref<40960x32xf32, #tpu.memory_space<hbm>> -> memref<10x32xf32, #tpu.memory_space<hbm>>
      %dma_start3A_1122 = arith.constant 0 : i32
      %dma_start3A_1123 = tpu.memref_slice %arg6[%mul3A_1116, %dma_start3A_1122] : memref<40960x32xf32, #tpu.memory_space<hbm>> -> memref<10x32xf32, #tpu.memory_space<hbm>>
      %dma_start3A_1124 = arith.constant 0 : i32
      %dma_start3A_1125 = arith.constant 0 : i32
      %dma_start3A_1126 = tpu.memref_slice %arg16[%dma_start3A_1124, %dma_start3A_1125] : memref<10x32xf32, #tpu.memory_space<vmem>> -> memref<10x32xf32, #tpu.memory_space<vmem>>
      tpu.enqueue_dma source(%dma_start3A_1126 : memref<10x32xf32, #tpu.memory_space<vmem>>) target(%dma_start3A_1123 : memref<10x32xf32, #tpu.memory_space<hbm>>) target_semaphore(%arg25 : memref<!tpu.dma_semaphore, #tpu.memory_space<semaphore_mem>>)
    }
    %scan3A_128 = arith.constant 64 : i32
    %mul3A_129 = arith.constant 128 : i32
    %mul3A_130 = arith.muli %add3A, %mul3A_129 : i32
    %add3A_131 = arith.constant 126 : i32
    %add3A_132 = arith.addi %mul3A_130, %add3A_131 : i32
    %mul3A_133 = arith.constant 10 : i32
    %mul3A_134 = arith.muli %add3A_132, %mul3A_133 : i32
    %dma_wait3A = arith.constant 0 : i32
    %dma_wait3A_135 = arith.constant 0 : i32
    %dma_wait3A_136 = tpu.memref_slice %arg15[%dma_wait3A, %dma_wait3A_135] : memref<10x32xf32, #tpu.memory_space<vmem>> -> memref<10x32xf32, #tpu.memory_space<vmem>>
    %dma_wait3A_137 = arith.constant 0 : i32
    %dma_wait3A_138 = tpu.memref_slice %arg6[%mul3A_134, %dma_wait3A_137] : memref<40960x32xf32, #tpu.memory_space<hbm>> -> memref<10x32xf32, #tpu.memory_space<hbm>>
    %dma_wait3A_139 = arith.constant 0 : i32
    %dma_wait3A_140 = tpu.memref_slice %arg6[%mul3A_134, %dma_wait3A_139] : memref<40960x32xf32, #tpu.memory_space<hbm>> -> memref<10x32xf32, #tpu.memory_space<hbm>>
    %dma_wait3A_141 = arith.constant 0 : i32
    %dma_wait3A_142 = arith.constant 0 : i32
    %dma_wait3A_143 = tpu.memref_slice %arg15[%dma_wait3A_141, %dma_wait3A_142] : memref<10x32xf32, #tpu.memory_space<vmem>> -> memref<10x32xf32, #tpu.memory_space<vmem>>
    tpu.wait_dma2 semaphore(%arg24 : memref<!tpu.dma_semaphore, #tpu.memory_space<semaphore_mem>>) src(%dma_wait3A_143 : memref<10x32xf32, #tpu.memory_space<vmem>>) dst(%dma_wait3A_140 : memref<10x32xf32, #tpu.memory_space<hbm>>)
    %mul3A_144 = arith.constant 128 : i32
    %mul3A_145 = arith.muli %add3A, %mul3A_144 : i32
    %add3A_146 = arith.constant 127 : i32
    %add3A_147 = arith.addi %mul3A_145, %add3A_146 : i32
    %mul3A_148 = arith.constant 10 : i32
    %mul3A_149 = arith.muli %add3A_147, %mul3A_148 : i32
    %dma_wait3A_150 = arith.constant 0 : i32
    %dma_wait3A_151 = arith.constant 0 : i32
    %dma_wait3A_152 = tpu.memref_slice %arg16[%dma_wait3A_150, %dma_wait3A_151] : memref<10x32xf32, #tpu.memory_space<vmem>> -> memref<10x32xf32, #tpu.memory_space<vmem>>
    %dma_wait3A_153 = arith.constant 0 : i32
    %dma_wait3A_154 = tpu.memref_slice %arg6[%mul3A_149, %dma_wait3A_153] : memref<40960x32xf32, #tpu.memory_space<hbm>> -> memref<10x32xf32, #tpu.memory_space<hbm>>
    %dma_wait3A_155 = arith.constant 0 : i32
    %dma_wait3A_156 = tpu.memref_slice %arg6[%mul3A_149, %dma_wait3A_155] : memref<40960x32xf32, #tpu.memory_space<hbm>> -> memref<10x32xf32, #tpu.memory_space<hbm>>
    %dma_wait3A_157 = arith.constant 0 : i32
    %dma_wait3A_158 = arith.constant 0 : i32
    %dma_wait3A_159 = tpu.memref_slice %arg16[%dma_wait3A_157, %dma_wait3A_158] : memref<10x32xf32, #tpu.memory_space<vmem>> -> memref<10x32xf32, #tpu.memory_space<vmem>>
    tpu.wait_dma2 semaphore(%arg25 : memref<!tpu.dma_semaphore, #tpu.memory_space<semaphore_mem>>) src(%dma_wait3A_159 : memref<10x32xf32, #tpu.memory_space<vmem>>) dst(%dma_wait3A_156 : memref<10x32xf32, #tpu.memory_space<hbm>>)
    return
  }
}

</mosaic_0001>

<sc_bundles>
// kernel: kernel.3.cloned.1.call-start
scs
__scs_entry_jumppad:
0x0: {  	(pc) =	sbr.rel $0x88, $3  }
0x1: {  	(tag) =	ssettag $0x0;
	lr =	simm.s32 $0x1  }
0x2: {  	[smem:$0x3F9E] =	sst lr;
	_ =	strace $0xD0000000  }
0x3: {  	_ = 	snop  }
0x4: {  	_ = 	snop  }
0x5: {  	_ = 	snop  }
0x6: {  	_ = 	snop  }
0x7: {  	_ = 	snop  }
__scs_overlays_trampoline_lowered:
0x8: {  	[smem:$0x3FAD] =	sst s0  }
0x9: {  	[smem:$0x3FAE] =	sst s1  }
0xa: {  	[smem:$0x3FAF] =	sst s2  }
0xb: {  	[smem:$0x3FB0] =	sst s3  }
0xc: {  	[smem:$0x3FB1] =	sst s4  }
0xd: {  	[smem:$0x3FB2] =	sst s5  }
0xe: {  	[smem:$0x3FB3] =	sst s6  }
0xf: {  	[smem:$0x3FB4] =	sst s7  }
0x10: {  	[smem:$0x3FB5] =	sst s8  }
0x11: {  	[smem:$0x3FB6] =	sst s9;
	s0 =	simm.s32 @!p0 $0x0  }
0x12: {  	s1 =	sld [smem:$0x3F9C];
	s0 =	simm.s32 @p0 $0x1  }
0x13: {  	[smem:$0x3FB7] =	sst s0;
	s0 =	simm.s32 @!p1 $0x0  }
0x14: {  	s2 =	sld [smem:$0x3F9B];
	s0 =	simm.s32 @p1 $0x1  }
0x15: {  	[smem:$0x3FB8] =	sst s0;
	s0 =	simm.s32 @!p2 $0x0  }
0x16: {  	s3 =	sld [smem:$0x3FDB];
	s0 =	simm.s32 @p2 $0x1  }
0x17: {  	s4 =	simm.s32 $0x1BF5;
	[smem:$0x3FBA] =	sst s0  }
0x18: {  	s0 =	sld [smem:$0x3F9D];
	_ =	swait.ge [sflag:s4], $0x0  }
0x19: {  	s7 =	sld [smem:$0x3F9E]  }
0x1a: {  	s8 =	sadd.s32 $0xFFFFE003, lr  }
0x1b: {  	s9 =	sadd.s32 $0xFFFFFEF7, lr;
	s5 =	simm.s32 $0xFFFFFFFF;
	p2 =	slt.u32 s8, $0xFFFFF086  }
0x1c: {  	p1 =	slt.u32 s9, $0xF7A;
	s5 =	simm.s32 @!p2 $0x0  }
0x1d: {  	s5 =	simm.s32 @p1 $0x1;
	p0 =	seq.s32 s7, s2  }
0x1e: {  	s7 =	smul.u32 @!p0 $0xF7A, s2;
	p2 =	seq.s32 @!p0 s5, $0x0  }
0x1f: {  	s9 =	smul.u32 $0xF7A, s1;
	s8 =	simm.s32 @!p0 $0x1BF5;
	p2 =	por !p2, p0  }
0x20: {  	[sflag:s8] =	ssyncset.s32 @!p0 $0xFFFFF086;
	s6 =	sadd.s32 @!p0 s3, s7;
	s7 =	simm.s32 @!p0 $0x108  }
0x21: {  	s3 =	sadd.s32 s3, s9;
	s6 =	sadd.s32 @!p0 $0x88, s6;
	s7 =	simm.s32 @p2 $0x1082  }
0x22: {  	[simem:s7], [sflag:s8] =	dma.local @!p0 [hbm:s6], $0xF7A  }
0x23: {  	s9 =	sor.u32 $0xD0000000, s2;
	s6 =	simm.s32 $0x108;
	_ =	swait.ge @!p0 [sflag:s8], $0x0  }
0x24: {  	s3 =	sadd.s32 $0x88, s3;
	s6 =	simm.s32 @!p1 $0x1082;
	[sflag:s4] =	ssyncset.s32 $0xFFFFF086  }
0x25: {  	[simem:s6], [sflag:s4] =	dma.local [hbm:s3], $0xF7A  }
0x26: {  	[smem:$0x3F9E] =	sst s1;
	(tag) =	ssettag s2;
	_ =	strace s9  }
0x27: {  	s1 =	sld [smem:$0x3FAE]  }
0x28: {  	s2 =	sld [smem:$0x3FAF]  }
0x29: {  	s4 =	sld [smem:$0x3FB1]  }
0x2a: {  	p0 =	seq.s32 s5, $0x0;
	s5 =	sld [smem:$0x3FB2]  }
0x2b: {  	s6 =	sld [smem:$0x3FB3]  }
0x2c: {  	s7 =	sld [smem:$0x3FB4]  }
0x2d: {  	s3 =	simm.s32 $0x108;
	s8 =	sld [smem:$0x3FB5]  }
0x2e: {  	s3 =	simm.s32 @!p0 $0x1082;
	s9 =	sld [smem:$0x3FB6]  }
0x2f: {  	lr =	sadd.s32 s0, s3;
	s0 =	sld [smem:$0x3FAD]  }
0x30: {  	s3 =	sld [smem:$0x3FB0]  }
0x31: {  	[smem:$0x3FB9] =	sst s10  }
0x32: {  	s10 =	sld [smem:$0x3FB7];
	_ =	sdelay $0x3  }
0x33: {  	p0 =	seq.s32 s10, $0x1;
	s10 =	sld [smem:$0x3FB9];
	_ =	sdelay $0x3  }
0x34: {  	[smem:$0x3FB9] =	sst s10  }
0x35: {  	s10 =	sld [smem:$0x3FB8];
	_ =	sdelay $0x3  }
0x36: {  	p1 =	seq.s32 s10, $0x1;
	s10 =	sld [smem:$0x3FB9];
	_ =	sdelay $0x3  }
0x37: {  	[smem:$0x3FB9] =	sst s10  }
0x38: {  	s10 =	sld [smem:$0x3FBA]  }
0x39: {  	_ = 	snop;
	(pc) =	sbr.ind lr, $3  }
0x3a: {  	_ = 	snop  }
0x3b: {  	_ = 	snop  }
0x3c: {  	p2 =	seq.s32 s10, $0x1;
	s10 =	sld [smem:$0x3FB9]  }
0x3d: {  	_ =	shalt  }
0x3e: {  	_ =	shalt  }
0x3f: {  	_ =	shalt  }
0x40: {  	_ =	shalt  }
0x41: {  	_ =	shalt  }
0x42: {  	_ =	shalt  }
0x43: {  	_ =	shalt  }
0x44: {  	_ =	shalt  }
0x45: {  	_ =	shalt  }
0x46: {  	_ =	shalt  }
0x47: {  	_ =	shalt  }
0x48: {  	_ =	shalt  }
0x49: {  	_ =	shalt  }
0x4a: {  	_ =	shalt  }
0x4b: {  	_ =	shalt  }
0x4c: {  	_ =	shalt  }
0x4d: {  	_ =	shalt  }
0x4e: {  	_ =	shalt  }
0x4f: {  	_ =	shalt  }
0x50: {  	_ =	shalt  }
0x51: {  	_ =	shalt  }
0x52: {  	_ =	shalt  }
0x53: {  	_ =	shalt  }
0x54: {  	_ =	shalt  }
0x55: {  	_ =	shalt  }
0x56: {  	_ =	shalt  }
0x57: {  	_ =	shalt  }
0x58: {  	_ =	shalt  }
0x59: {  	_ =	shalt  }
0x5a: {  	_ =	shalt  }
0x5b: {  	_ =	shalt  }
0x5c: {  	_ =	shalt  }
0x5d: {  	_ =	shalt  }
0x5e: {  	_ =	shalt  }
0x5f: {  	_ =	shalt  }
0x60: {  	_ =	shalt  }
0x61: {  	_ =	shalt  }
0x62: {  	_ =	shalt  }
0x63: {  	_ =	shalt  }
0x64: {  	_ =	shalt  }
0x65: {  	_ =	shalt  }
0x66: {  	_ =	shalt  }
0x67: {  	_ =	shalt  }
0x68: {  	_ =	shalt  }
0x69: {  	_ =	shalt  }
0x6a: {  	_ =	shalt  }
0x6b: {  	_ =	shalt  }
0x6c: {  	_ =	shalt  }
0x6d: {  	_ =	shalt  }
0x6e: {  	_ =	shalt  }
0x6f: {  	_ =	shalt  }
0x70: {  	_ =	shalt  }
0x71: {  	_ =	shalt  }
0x72: {  	_ =	shalt  }
0x73: {  	_ =	shalt  }
0x74: {  	_ =	shalt  }
0x75: {  	_ =	shalt  }
0x76: {  	_ =	shalt  }
0x77: {  	_ =	shalt  }
0x78: {  	_ =	shalt  }
0x79: {  	_ =	shalt  }
0x7a: {  	_ =	shalt  }
0x7b: {  	_ =	shalt  }
0x7c: {  	_ =	shalt  }
0x7d: {  	_ =	shalt  }
0x7e: {  	_ =	shalt  }
0x7f: {  	_ =	shalt  }
0x80: {  	_ =	shalt  }
0x81: {  	_ =	shalt  }
0x82: {  	_ =	shalt  }
0x83: {  	_ =	shalt  }
0x84: {  	_ =	shalt  }
0x85: {  	_ =	shalt  }
0x86: {  	_ =	shalt  }
0x87: {  	_ =	shalt  }
.Lfunc_end0:
.L_simem_size_0:
called_computation_lowered:
.L_overlay_start_0:
0x88: {  	s2 =	sld [smem:$0x3FD9]  }
0x89: {  	s3 =	sld [smem:$0x3FFE];
	_ =	sdelay $0x1  }
0x8a: {  	s1 =	srdreg.scid  }
0x8b: {  	s0 =	sand.u32 $0x1, s1  }
0x8c: {  	s17 =	sshll.u32 s0, $0xA;
	s2 =	sadd.s32 s3, s2  }
0x8d: {  	s2 =	sadd.s32 s2, s17  }
0x8e: {  	[smem:$0x3FC5] =	sst s2  }
0x8f: {  	_ = 	snop  }
0x90: {  	s2 =	sld [smem:$0x3FD0];
	(tm) =	ssettm $0x1  }
0x91: {  	s18 =	sld [smem:$0x3FFB];
	_ =	sdelay $0x3  }
0x92: {  	_ =	strace s18  }
0x93: {  	s3 =	sld [smem:$0x3FFC];
	_ =	sdelay $0x3  }
0x94: {  	_ =	strace s3  }
0x95: {  	s3 =	sld [smem:$0x3FFD];
	_ =	sdelay $0x3  }
0x96: {  	_ =	strace s3  }
0x97: {  	_ =	strace $0x8FFFFFFF  }
0x98: {  	s19 =	sld [smem:$0x3FDB];
	_ =	sdelay $0x1  }
0x99: {  	s4 =	simm.s32 $_scs_section_size  }
0x9a: {  	s5 =	simm.s32 $_size__tile_overlayer_lowered;
	s6 =	simm.s32 $_tile_overlayer_lowered  }
0x9b: {  	s22 =	simm.s32 $0x1BFF;
	s21 =	sshll.u32 s6, $0x1;
	s3 =	sadd.s32 s4, s19  }
0x9c: {  	s7 =	simm.s32 $0x0;
	s20 =	sshll.u32 s5, $0x1;
	s5 =	sadd.s32 s21, s3  }
0x9d: {  	[timem:s7], [sflag:s22] =	dma.local [hbm:s5], s20  }
0x9e: {  	_ =	swait.ge [sflag:s22], s20  }
0x9f: {  	s4 =	ssub.s32 $0x0, s20;
	[sflag:s22] =	ssyncset.done $0x0  }
0xa0: {  	[sflag:s22] =	ssyncadd.s32 s4;
	_ =	sdelay $0x1  }
0xa1: {  	s23 =	simm.s32 $0x1B8B  }
0xa2: {  	_ =	swait.ge [sflag:s23], $0x1  }
0xa3: {  	[sflag:s23] =	ssyncset.done $0x0  }
0xa4: {  	s25 =	simm.s32 $0x1B8E;
	s24 =	sld [smem:$0x3FFE];
	[sflag:s23] =	ssyncadd.s32 $0xFFFFFFFF  }
0xa5: {  	s26 =	simm.s32 $execute0_lowered;
	[smem:$0x3FD2] =	sst s25  }
0xa6: {  	s5 =	sshll.u32 s26, $0x1;
	_ =	strace $0x80000046;
	[dreg:$0x1] =	wrdreg $0xFFFFFFFF  }
0xa7: {  	s28 =	simm.s32 $_size_execute0_lowered;
	s3 =	sadd.s32 s3, s5;
	[dreg:$0x0] =	wrdreg $0x0  }
0xa8: {  	s5 =	sshll.u32 s28, $0x1;
	[dreg:$0x2] =	wrdreg s3  }
0xa9: {  	[dreg:$0x3] =	wrdreg s5  }
0xaa: {  	[dreg:$0x4] =	wrdreg $0xC0  }
0xab: {  	_ =	task [dreg:s7], $0x5FFFF  }
0xac: {  	[dreg:$0x1] =	wrdreg $0xFFFFFFFF  }
0xad: {  	[dreg:$0x0] =	wrdreg $0x60  }
0xae: {  	[dreg:$0x2] =	wrdreg s24  }
0xaf: {  	[dreg:$0x3] =	wrdreg s2  }
0xb0: {  	[dreg:$0x4] =	wrdreg $0x110300  }
0xb1: {  	[dreg:$0x5] =	wrdreg $0x9  }
0xb2: {  	_ =	task.clear_ibuf [dreg:s7], $0x6FFFF;
	_ =	strace $0x90000046  }
0xb3: {  	s29 =	simm.s32 $0x9;
	_ =	strace $0x80000048  }
0xb4: {  	_ =	swait.ge [sflag:s29], $0x1  }
0xb5: {  	[sflag:s29] =	ssyncadd.s32 $0xFFFFFFFF  }
0xb6: {  	_ =	strace $0x90000048  }
0xb7: {  	_ =	sfence  }
0xb8: {  	s30 =	sld [smem:$0x0];
	_ =	sdelay $0x2  }
0xb9: {  	s31 =	sshll.u32 s1, $0xD;
	s1 =	sshrl.u32 s1, $0x2  }
0xba: {  	s3 =	sand.u32 $0x4000, s31;
	s1 =	sadd.s32 s1, s30  }
0xbb: {  	s0 =	sor.u32 s3, s0;
	s1 =	sshll.u32 s1, $0x11  }
0xbc: {  	s0 =	sor.u32 s1, s0  }
0xbd: {  	s0 =	sadd.s32 $0x8F2B, s0  }
0xbe: {  	[sflag:s0] =	ssyncadd.remote.s32 $0x1  }
0xbf: {  	_ =	sfence.sel $0xFFFF  }
0xc0: {  	[dreg:$0x0] =	wrdreg $0xFFFFFFFF;
	(pc) =	sbr.abs _section_cstart, $3  }
0xc1: {  	[dreg:$0x1] =	wrdreg $0xFFFFFFFF  }
0xc2: {  	_ =	task.clear_ibuf [dreg:s7], $0x2FFFF;
	_ =	strace $0x9FFFFFFF  }
0xc3: {  	(tm) =	ssettm $0x7FFFFFFF  }
tec
execute0_lowered:
.L_overlay_start_1:
0x0: {  	(tag) =	ssettag $0x1  }
0x1: {  	s0 =	rddreg [dreg:$0x0]  }
0x2: {  	s1 =	srdreg.scid;
	s13 =	rddreg [dreg:$0x1]  }
0x3: {  	s2 =	stileid.u32;
	s3 =	rddreg [dreg:$0x2];
	s12 =	simm.s32 $0x6  }
0x4: {  	s14 =	simm.s32 $0x10ED0;
	s15 =	simm.s32 $0x80;
	s18 =	simm.s32 $0x50  }
0x5: {  	s22 =	simm.s32 $0x1;
	s23 =	simm.s32 $0x10EB0;
	s29 =	simm.s32 $0x10C30  }
0x6: {  	s30 =	simm.s32 $0xEA30;
	s17 =	simm.s32 $0x2;
	s21 =	simm.s32 $0x10EC0  }
0x7: {  	s19 =	simm.s32 $0xC920;
	s11 =	simm.s32 $0x10D70;
	s1 =	sand.u32 $0x1, s1  }
0x8: {  	s4 =	sshll.u32 s2, $0x1;
	s10 =	smul.u32 $0x580, s2;
	s6 =	sadd.s32 $0x32400, s0  }
0x9: {  	s25 =	smul.u32 $0xB, s2;
	s7 =	sor.u32 s1, s4;
	s4 =	simm.s32 $0x0  }
0xa: {  	s1 =	ssub.s32 $0x2, s1;
	s5 =	smul.u32 $0xC80, s7;
	[smem:$0x7FF] =	sst s4  }
0xb: {  	s9 =	sshrl.u32 s1, $0x1;
	s31 =	sshrl.u32 s10, $0x2;
	s10 =	sshll.u32 s7, $0x7  }
0xc: {  	s7 =	simm.s32 $0x0;
	_ =	strace $0x80000047;
	s24 =	ssub.s32 s1, s9  }
0xd: {  	s8 =	sadd.s32 s5, s0;
	s5 =	sadd.s32 $0xF74A00, s0;
	s0 =	smax.u32 s24, $0x1  }
0xe: {  	v2 =	vimm.s32 $0x0;
	v3 =	vimm.f32 $0.0e+00;
	s9 =	sadd.s32 s31, s3;
	s26 =	sadd.s32 $0x19400, s8;
	[dreg:$0x6] =	wrdreg s0  }
0xf: {  	vm1 =	vcmask $0x300;
	v4 =	vimm.f32 $1.000000000e+00;
	v0 =	vmov s25;
	s1 =	simm.s32 $0xFA30;
	s28 =	sadd.s32 $0x400, s8;
	[dreg:$0x4] =	wrdreg s26  }
0x10: {  	vm0 =	vmmov $0xff;
	v5 =	vsel vm1, $0x3, v2;
	v1 =	vadd.s32 $0xA, v0;
	s24 =	simm.s32 $0xC810;
	[dreg:$0x5] =	wrdreg s28;
	s26 =	simm.s32 $0x3  }
.LBB2_1:
0x11: {  	[dreg:$0x7] =	wrdreg s7  }
0x12: {  	[tilespmem:$0xC800] =	vst v2;
	s0 =	rddreg [dreg:$0x4]  }
0x13: {  	[tilespmem:s4], [sflag:$0x6] =	stream.linear.gather [hbm4b:s0+s4], $0x6400, $0x38;
	[tilespmem:$0x11190] =	vst v63  }
0x14: {  	_ =	swait.ge [sflag:s12], $0x6400  }
0x15: {  	[sflag:s12] =	ssyncset.done $0x0  }
0x16: {  	s2 =	simm.s32 $0x6408;
	s8 =	rddreg [dreg:$0x5];
	[sflag:s12] =	ssyncadd.s32 $0xFFFF9C00  }
0x17: {  	[tilespmem:s2], [sflag:$0x6] =	stream.linear.gather [hbm4b:s8+s4], $0x6400, $0x38;
	[tilespmem:$0x11190] =	vst v63  }
0x18: {  	_ =	swait.ge [sflag:s12], $0x6400  }
0x19: {  	[sflag:s12] =	ssyncset.done $0x0  }
0x1a: {  	[sflag:s12] =	ssyncadd.s32 $0xFFFF9C00  }
0x1b: {  	[tilespmem:$0x10ED0] =	vst v3  }
0x1c: {  	[tilespmem:$0x10EE0] =	vst v3  }
0x1d: {  	[tilespmem:$0x10EF0] =	vst v3  }
0x1e: {  	[tilespmem:$0x10F00] =	vst v3  }
0x1f: {  	[tilespmem:$0x10F10] =	vst v3  }
0x20: {  	[tilespmem:$0x10F20] =	vst v3  }
0x21: {  	[tilespmem:$0x10F30] =	vst v3  }
0x22: {  	[tilespmem:$0x10F40] =	vst v3  }
0x23: {  	[tilespmem:$0x10F50] =	vst v3  }
0x24: {  	[tilespmem:$0x10F60] =	vst v3  }
0x25: {  	[tilespmem:$0x10F70] =	vst v3  }
0x26: {  	[tilespmem:$0x10F80] =	vst v3  }
0x27: {  	[tilespmem:$0x10F90] =	vst v3  }
0x28: {  	[tilespmem:$0x10FA0] =	vst v3  }
0x29: {  	[tilespmem:$0x10FB0] =	vst v3  }
0x2a: {  	[tilespmem:$0x10FC0] =	vst v3  }
0x2b: {  	[tilespmem:$0x10FD0] =	vst v3  }
0x2c: {  	[tilespmem:$0x10FE0] =	vst v3  }
0x2d: {  	[tilespmem:$0x10FF0] =	vst v3  }
0x2e: {  	[tilespmem:$0x11000] =	vst v3  }
0x2f: {  	[tilespmem:$0x11010] =	vst v3  }
0x30: {  	[tilespmem:$0x11020] =	vst v3  }
0x31: {  	[spmem:s9] =	stream.linear.scatter [tilespmem:s14], [sflag:$0x6], $0x160, $0x38;
	[tilespmem:$0x11190] =	vst v63  }
0x32: {  	_ =	swait.ge [sflag:s12], $0x160  }
0x33: {  	[sflag:s12] =	ssyncset.done $0x0  }
0x34: {  	s16 =	simm.s32 $0xCA30;
	[sflag:s12] =	ssyncadd.s32 $0xFFFFFEA0  }
0x35: {  	[tilespmem:s16], [sflag:$0x1] =	stream.indirect.gather [hbm4b:s5+s15], $0x20, s2, s15, $0xb8;
	[tilespmem:$0x11190] =	vst v63  }
0x36: {  	s20 =	simm.s32 $0xC820  }
0x37: {  	[tilespmem:s20], [sflag:$0x1] =	stream.indirect.gather [hbm4b:s6+s15], $0x1, s2, s15, $0xb8;
	[tilespmem:$0x11190] =	vst v63  }
0x38: {  	s25 =	simm.s32 $0x6488;
	s28 =	simm.s32 $0xDA30  }
0x39: {  	[tilespmem:s28], [sflag:$0x1] =	stream.indirect.gather [hbm4b:s5+s18], $0x20, s25, s18, $0xb8;
	[tilespmem:$0x11190] =	vst v63  }
0x3a: {  	s31 =	simm.s32 $0xC8A0  }
0x3b: {  	[tilespmem:s31], [sflag:$0x1] =	stream.indirect.gather [hbm4b:s6+s18], $0x1, s25, s18, $0xb8;
	[tilespmem:$0x11190] =	vst v63  }
0x3c: {  	s25 =	simm.s32 $0x0  }
.LBB2_2:
0x3d: {  	p0 =	seq.s32 s25, $0x0  }
0x3e: {  	s0 =	simm.s32 @!p0 $0x4  }
0x3f: {  	_ =	swait.ge @!p0 [sflag:s0], $0x140  }
0x40: {  	[sflag:s0] =	ssyncset.done @!p0 $0x0  }
0x41: {  	[sflag:s0] =	ssyncadd.s32 @!p0 $0xFFFFFEC0  }
0x42: {  	[tilespmem:$0x10EB0] =	vst v3  }
0x43: {  	_ =	swait.ge [sflag:s22], $0x1000  }
0x44: {  	[sflag:s22] =	ssyncset.done $0x0  }
0x45: {  	[sflag:s22] =	ssyncadd.s32 $0xFFFFF000  }
0x46: {  	_ =	swait.ge [sflag:s22], $0x80  }
0x47: {  	[sflag:s22] =	ssyncset.done $0x0  }
0x48: {  	[sflag:s22] =	ssyncadd.s32 $0xFFFFFF80  }
0x49: {  	_ =	swait.ge [sflag:s22], $0xA00  }
0x4a: {  	[sflag:s22] =	ssyncset.done $0x0  }
0x4b: {  	[sflag:s22] =	ssyncadd.s32 $0xFFFFF600  }
0x4c: {  	_ =	swait.ge [sflag:s22], $0x50  }
0x4d: {  	s31 =	smul.u32 $0x190, s25;
	[sflag:s22] =	ssyncset.done $0x0  }
0x4e: {  	[sflag:s22] =	ssyncadd.s32 $0xFFFFFFB0  }
0x4f: {  	v6 =	vld [tilespmem:s31+$0x0];
	_ =	sdelay $0x4  }
0x50: {  	v7 =	vtrunc.f32 v6  }
0x51: {  	v7 =	vcvt.f32.s32 v7  }
0x52: {  	vm1 =	vlt.f32 v6, $1.000000000e+01  }
0x53: {  	v6 =	vadd.s32 $0x1, v7;
	_ =	sdelay $0x4  }
0x54: {  	[tilespmem:v6+s23+$0x0] =	vst.idx.add.f32.msk vm1, v4  }
0x55: {  	v6 =	vld [tilespmem:$0xC820];
	_ =	sdelay $0x4  }
0x56: {  	v6 =	vmul.f32 $1.442695020e+00, v6;
	_ =	sdelay $0x1  }
0x57: {  	(erf) = vpow2.f32 v6;
	_ =	sdelay $0x5  }
0x58: {  	v6 =	vadd.s32 v7, v0;
	_ =	sdelay $0x2  }
0x59: {  	[tilespmem:$0x10A30] =	vst v6;
	v6 =	vpop (erf)  }
0x5a: {  	[tilespmem:$0xC820] =	vst v6  }
0x5b: {  	v6 =	vld [tilespmem:s31+$0x10];
	_ =	sdelay $0x4  }
0x5c: {  	v7 =	vtrunc.f32 v6  }
0x5d: {  	v7 =	vcvt.f32.s32 v7  }
0x5e: {  	vm1 =	vlt.f32 v6, $1.000000000e+01  }
0x5f: {  	v6 =	vadd.s32 $0x1, v7;
	_ =	sdelay $0x4  }
0x60: {  	[tilespmem:v6+s23+$0x0] =	vst.idx.add.f32.msk vm1, v4  }
0x61: {  	v6 =	vld [tilespmem:$0xC830];
	_ =	sdelay $0x4  }
0x62: {  	v6 =	vmul.f32 $1.442695020e+00, v6;
	_ =	sdelay $0x1  }
0x63: {  	(erf) = vpow2.f32 v6;
	_ =	sdelay $0x5  }
0x64: {  	v6 =	vadd.s32 v7, v0;
	_ =	sdelay $0x2  }
0x65: {  	[tilespmem:$0x10A40] =	vst v6;
	v6 =	vpop (erf)  }
0x66: {  	[tilespmem:$0xC830] =	vst v6  }
0x67: {  	v6 =	vld [tilespmem:s31+$0x20];
	_ =	sdelay $0x4  }
0x68: {  	v7 =	vtrunc.f32 v6  }
0x69: {  	v7 =	vcvt.f32.s32 v7  }
0x6a: {  	vm1 =	vlt.f32 v6, $1.000000000e+01  }
0x6b: {  	v6 =	vadd.s32 $0x1, v7;
	_ =	sdelay $0x4  }
0x6c: {  	[tilespmem:v6+s23+$0x0] =	vst.idx.add.f32.msk vm1, v4  }
0x6d: {  	v6 =	vld [tilespmem:$0xC840];
	_ =	sdelay $0x4  }
0x6e: {  	v6 =	vmul.f32 $1.442695020e+00, v6;
	_ =	sdelay $0x1  }
0x6f: {  	(erf) = vpow2.f32 v6;
	_ =	sdelay $0x5  }
0x70: {  	v6 =	vadd.s32 v7, v0;
	_ =	sdelay $0x2  }
0x71: {  	[tilespmem:$0x10A50] =	vst v6;
	v6 =	vpop (erf)  }
0x72: {  	[tilespmem:$0xC840] =	vst v6  }
0x73: {  	v6 =	vld [tilespmem:s31+$0x30];
	_ =	sdelay $0x4  }
0x74: {  	v7 =	vtrunc.f32 v6  }
0x75: {  	v7 =	vcvt.f32.s32 v7  }
0x76: {  	vm1 =	vlt.f32 v6, $1.000000000e+01  }
0x77: {  	v6 =	vadd.s32 $0x1, v7;
	_ =	sdelay $0x4  }
0x78: {  	[tilespmem:v6+s23+$0x0] =	vst.idx.add.f32.msk vm1, v4  }
0x79: {  	v6 =	vld [tilespmem:$0xC850];
	_ =	sdelay $0x4  }
0x7a: {  	v6 =	vmul.f32 $1.442695020e+00, v6;
	_ =	sdelay $0x1  }
0x7b: {  	(erf) = vpow2.f32 v6;
	_ =	sdelay $0x5  }
0x7c: {  	v6 =	vadd.s32 v7, v0;
	_ =	sdelay $0x2  }
0x7d: {  	[tilespmem:$0x10A60] =	vst v6;
	v6 =	vpop (erf)  }
0x7e: {  	[tilespmem:$0xC850] =	vst v6  }
0x7f: {  	v6 =	vld [tilespmem:s31+$0x40];
	_ =	sdelay $0x4  }
0x80: {  	v7 =	vtrunc.f32 v6  }
0x81: {  	v7 =	vcvt.f32.s32 v7  }
0x82: {  	vm1 =	vlt.f32 v6, $1.000000000e+01  }
0x83: {  	v6 =	vadd.s32 $0x1, v7;
	_ =	sdelay $0x4  }
0x84: {  	[tilespmem:v6+s23+$0x0] =	vst.idx.add.f32.msk vm1, v4  }
0x85: {  	v6 =	vld [tilespmem:$0xC860];
	_ =	sdelay $0x4  }
0x86: {  	v6 =	vmul.f32 $1.442695020e+00, v6;
	_ =	sdelay $0x1  }
0x87: {  	(erf) = vpow2.f32 v6;
	_ =	sdelay $0x5  }
0x88: {  	v6 =	vadd.s32 v7, v0;
	_ =	sdelay $0x2  }
0x89: {  	[tilespmem:$0x10A70] =	vst v6;
	v6 =	vpop (erf)  }
0x8a: {  	[tilespmem:$0xC860] =	vst v6  }
0x8b: {  	v6 =	vld [tilespmem:s31+$0x50];
	_ =	sdelay $0x4  }
0x8c: {  	v7 =	vtrunc.f32 v6  }
0x8d: {  	v7 =	vcvt.f32.s32 v7  }
0x8e: {  	vm1 =	vlt.f32 v6, $1.000000000e+01  }
0x8f: {  	v6 =	vadd.s32 $0x1, v7;
	_ =	sdelay $0x4  }
0x90: {  	[tilespmem:v6+s23+$0x0] =	vst.idx.add.f32.msk vm1, v4  }
0x91: {  	v6 =	vld [tilespmem:$0xC870];
	_ =	sdelay $0x4  }
0x92: {  	v6 =	vmul.f32 $1.442695020e+00, v6;
	_ =	sdelay $0x1  }
0x93: {  	(erf) = vpow2.f32 v6;
	_ =	sdelay $0x5  }
0x94: {  	v6 =	vadd.s32 v7, v0;
	_ =	sdelay $0x2  }
0x95: {  	[tilespmem:$0x10A80] =	vst v6;
	v6 =	vpop (erf)  }
0x96: {  	[tilespmem:$0xC870] =	vst v6  }
0x97: {  	v6 =	vld [tilespmem:s31+$0x60];
	_ =	sdelay $0x4  }
0x98: {  	v7 =	vtrunc.f32 v6  }
0x99: {  	v7 =	vcvt.f32.s32 v7  }
0x9a: {  	vm1 =	vlt.f32 v6, $1.000000000e+01  }
0x9b: {  	v6 =	vadd.s32 $0x1, v7;
	_ =	sdelay $0x4  }
0x9c: {  	[tilespmem:v6+s23+$0x0] =	vst.idx.add.f32.msk vm1, v4  }
0x9d: {  	v6 =	vld [tilespmem:$0xC880];
	_ =	sdelay $0x4  }
0x9e: {  	v6 =	vmul.f32 $1.442695020e+00, v6;
	_ =	sdelay $0x1  }
0x9f: {  	(erf) = vpow2.f32 v6;
	_ =	sdelay $0x5  }
0xa0: {  	v6 =	vadd.s32 v7, v0;
	_ =	sdelay $0x2  }
0xa1: {  	[tilespmem:$0x10A90] =	vst v6;
	v6 =	vpop (erf)  }
0xa2: {  	[tilespmem:$0xC880] =	vst v6  }
0xa3: {  	v6 =	vld [tilespmem:s31+$0x70];
	_ =	sdelay $0x4  }
0xa4: {  	v7 =	vtrunc.f32 v6  }
0xa5: {  	v7 =	vcvt.f32.s32 v7  }
0xa6: {  	vm1 =	vlt.f32 v6, $1.000000000e+01  }
0xa7: {  	v6 =	vadd.s32 $0x1, v7;
	_ =	sdelay $0x4  }
0xa8: {  	[tilespmem:v6+s23+$0x0] =	vst.idx.add.f32.msk vm1, v4  }
0xa9: {  	v6 =	vld [tilespmem:$0xC890];
	_ =	sdelay $0x4  }
0xaa: {  	v6 =	vmul.f32 $1.442695020e+00, v6;
	_ =	sdelay $0x1  }
0xab: {  	(erf) = vpow2.f32 v6;
	_ =	sdelay $0x5  }
0xac: {  	v6 =	vadd.s32 v7, v0;
	_ =	sdelay $0x2  }
0xad: {  	[tilespmem:$0x10AA0] =	vst v6;
	v6 =	vpop (erf)  }
0xae: {  	[tilespmem:$0xC890] =	vst v6  }
0xaf: {  	v6 =	vld [tilespmem:s31+$0x80];
	_ =	sdelay $0x4  }
0xb0: {  	v7 =	vtrunc.f32 v6  }
0xb1: {  	v7 =	vcvt.f32.s32 v7  }
0xb2: {  	vm1 =	vlt.f32 v6, $1.000000000e+01  }
0xb3: {  	v6 =	vadd.s32 $0x1, v7;
	_ =	sdelay $0x4  }
0xb4: {  	[tilespmem:v6+s23+$0x0] =	vst.idx.add.f32.msk vm1, v4  }
0xb5: {  	v6 =	vld [tilespmem:$0xC8A0];
	_ =	sdelay $0x4  }
0xb6: {  	v6 =	vmul.f32 $1.442695020e+00, v6;
	_ =	sdelay $0x1  }
0xb7: {  	(erf) = vpow2.f32 v6;
	_ =	sdelay $0x5  }
0xb8: {  	v6 =	vadd.s32 v7, v0;
	_ =	sdelay $0x2  }
0xb9: {  	[tilespmem:$0x10AB0] =	vst v6;
	v6 =	vpop (erf)  }
0xba: {  	[tilespmem:$0xC8A0] =	vst v6  }
0xbb: {  	v6 =	vld [tilespmem:s31+$0x90];
	_ =	sdelay $0x4  }
0xbc: {  	v7 =	vtrunc.f32 v6  }
0xbd: {  	v7 =	vcvt.f32.s32 v7  }
0xbe: {  	vm1 =	vlt.f32 v6, $1.000000000e+01  }
0xbf: {  	v6 =	vadd.s32 $0x1, v7;
	_ =	sdelay $0x4  }
0xc0: {  	[tilespmem:v6+s23+$0x0] =	vst.idx.add.f32.msk vm1, v4  }
0xc1: {  	v6 =	vld [tilespmem:$0xC8B0];
	_ =	sdelay $0x4  }
0xc2: {  	v6 =	vmul.f32 $1.442695020e+00, v6;
	_ =	sdelay $0x1  }
0xc3: {  	(erf) = vpow2.f32 v6;
	_ =	sdelay $0x5  }
0xc4: {  	v6 =	vadd.s32 v7, v0;
	_ =	sdelay $0x2  }
0xc5: {  	[tilespmem:$0x10AC0] =	vst v6;
	v6 =	vpop (erf)  }
0xc6: {  	[tilespmem:$0xC8B0] =	vst v6  }
0xc7: {  	v6 =	vld [tilespmem:s31+$0xA0];
	_ =	sdelay $0x4  }
0xc8: {  	v7 =	vtrunc.f32 v6  }
0xc9: {  	v7 =	vcvt.f32.s32 v7  }
0xca: {  	vm1 =	vlt.f32 v6, $1.000000000e+01  }
0xcb: {  	v6 =	vadd.s32 $0x1, v7;
	_ =	sdelay $0x4  }
0xcc: {  	[tilespmem:v6+s23+$0x0] =	vst.idx.add.f32.msk vm1, v4  }
0xcd: {  	v6 =	vld [tilespmem:$0xC8C0];
	_ =	sdelay $0x4  }
0xce: {  	v6 =	vmul.f32 $1.442695020e+00, v6;
	_ =	sdelay $0x1  }
0xcf: {  	(erf) = vpow2.f32 v6;
	_ =	sdelay $0x5  }
0xd0: {  	v6 =	vadd.s32 v7, v0;
	_ =	sdelay $0x2  }
0xd1: {  	[tilespmem:$0x10AD0] =	vst v6;
	v6 =	vpop (erf)  }
0xd2: {  	[tilespmem:$0xC8C0] =	vst v6  }
0xd3: {  	v6 =	vld [tilespmem:s31+$0xB0];
	_ =	sdelay $0x4  }
0xd4: {  	v7 =	vtrunc.f32 v6  }
0xd5: {  	v7 =	vcvt.f32.s32 v7  }
0xd6: {  	vm1 =	vlt.f32 v6, $1.000000000e+01  }
0xd7: {  	v6 =	vadd.s32 $0x1, v7;
	_ =	sdelay $0x4  }
0xd8: {  	[tilespmem:v6+s23+$0x0] =	vst.idx.add.f32.msk vm1, v4  }
0xd9: {  	v6 =	vld [tilespmem:$0xC8D0];
	_ =	sdelay $0x4  }
0xda: {  	v6 =	vmul.f32 $1.442695020e+00, v6;
	_ =	sdelay $0x1  }
0xdb: {  	(erf) = vpow2.f32 v6;
	_ =	sdelay $0x5  }
0xdc: {  	v6 =	vadd.s32 v7, v0;
	_ =	sdelay $0x2  }
0xdd: {  	[tilespmem:$0x10AE0] =	vst v6;
	v6 =	vpop (erf)  }
0xde: {  	[tilespmem:$0xC8D0] =	vst v6  }
0xdf: {  	v6 =	vld [tilespmem:s31+$0xC0];
	_ =	sdelay $0x4  }
0xe0: {  	v7 =	vtrunc.f32 v6  }
0xe1: {  	v7 =	vcvt.f32.s32 v7  }
0xe2: {  	vm1 =	vlt.f32 v6, $1.000000000e+01  }
0xe3: {  	vm1 =	vmand vm1, vm0;
	v6 =	vnsel vm0, $0xA, v7  }
0xe4: {  	v7 =	vadd.s32 $0x1, v6;
	_ =	sdelay $0x4  }
0xe5: {  	[tilespmem:v7+s23+$0x0] =	vst.idx.add.f32.msk vm1, v4  }
0xe6: {  	v7 =	vld [tilespmem:$0xC8E0];
	_ =	sdelay $0x4  }
0xe7: {  	s7 =	simm.s32 $0x11;
	v7 =	vmul.f32 $1.442695020e+00, v7  }
0xe8: {  	s8 =	simm.s32 $0x12;
	s16 =	simm.s32 $0x14;
	v8 =	vmov s7  }
0xe9: {  	s20 =	simm.s32 $0x15;
	s7 =	simm.s32 $0x13;
	v9 =	vmov s8;
	v11 =	vmov s16;
	(erf) = vpow2.f32 v7  }
0xea: {  	s2 =	simm.s32 $0x10;
	v12 =	vmov s20;
	v10 =	vmov s7;
	v8 =	vshrl.u32 v8, $0x3  }
0xeb: {  	v9 =	vshrl.u32 v9, $0x3;
	v11 =	vshrl.u32 v11, $0x3;
	v7 =	vmov s2  }
0xec: {  	v12 =	vshrl.u32 v12, $0x3;
	v10 =	vshrl.u32 v10, $0x3;
	v7 =	vshrl.u32 v7, $0x3  }
0xed: {  	v8 =	vshll.u32 v8, v5;
	v9 =	vshll.u32 v9, v5;
	v7 =	vshll.u32 v7, v5  }
0xee: {  	v8 =	vadd.s32 $0x1, v8;
	v6 =	vadd.s32 v0, v6;
	v7 =	vbroadcast v7, $0x0  }
0xef: {  	v10 =	vshll.u32 v10, v5;
	v9 =	vadd.s32 $0x2, v9;
	v8 =	vbroadcast v8, $0x0;
	[tilespmem:$0x10AF0] =	vst v6  }
0xf0: {  	v11 =	vshll.u32 v11, v5;
	v10 =	vadd.s32 $0x3, v10;
	v9 =	vbroadcast v9, $0x0;
	[tilespmem:$0x10B00] =	vst v1  }
0xf1: {  	v12 =	vshll.u32 v12, v5;
	v11 =	vadd.s32 $0x4, v11;
	v10 =	vbroadcast v10, $0x0;
	[tilespmem:$0x10B10] =	vst v1  }
0xf2: {  	v12 =	vadd.s32 $0x5, v12;
	v11 =	vbroadcast v11, $0x0;
	[tilespmem:$0x10B20] =	vst v1;
	v6 =	vpop (erf)  }
0xf3: {  	v12 =	vbroadcast v12, $0x0;
	[tilespmem:$0xC8E0] =	vst v6  }
0xf4: {  	v7 =	vld.idx.msk [tilespmem:v7+s24+$0x0], $0xffff  }
0xf5: {  	v8 =	vld.idx.msk [tilespmem:v8+s24+$0x0], $0xffff  }
0xf6: {  	s2 =	simm.s32 $0x16;
	v9 =	vld.idx.msk [tilespmem:v9+s24+$0x0], $0xffff  }
0xf7: {  	v13 =	vmov s2;
	v10 =	vld.idx.msk [tilespmem:v10+s24+$0x0], $0xffff  }
0xf8: {  	s7 =	simm.s32 $0x17;
	v13 =	vshrl.u32 v13, $0x3;
	v11 =	vld.idx.msk [tilespmem:v11+s24+$0x0], $0xffff  }
0xf9: {  	v6 =	vshll.u32 v13, v5;
	v13 =	vmov s7;
	s7 =	simm.s32 $0xCAB0;
	v14 =	vld.idx.msk [tilespmem:v12+s24+$0x0], $0xffff  }
0xfa: {  	v12 =	vld [tilespmem:s7+$0x70]  }
0xfb: {  	v17 =	vld [tilespmem:s7+$0xFFFFFF80]  }
0xfc: {  	v21 =	vld [tilespmem:s7+$0xFFFFFF90]  }
0xfd: {  	s8 =	simm.s32 $0x18;
	v24 =	vld [tilespmem:s7+$0xFFFFFFA0]  }
0xfe: {  	s16 =	simm.s32 $0x19;
	s20 =	simm.s32 $0x1A;
	v15 =	vmov s8;
	v13 =	vshrl.u32 v13, $0x3;
	v25 =	vld [tilespmem:s7+$0xFFFFFFB0]  }
0xff: {  	v16 =	vmov s16;
	s16 =	simm.s32 $0x1C;
	v18 =	vmov s20;
	v26 =	vld [tilespmem:s7+$0xFFFFFFC0];
	v13 =	vshll.u32 v13, v5  }
0x100: {  	s8 =	simm.s32 $0x1D;
	v20 =	vmov s16;
	v15 =	vshrl.u32 v15, $0x3;
	v27 =	vld [tilespmem:s7+$0xFFFFFFD0];
	v13 =	vadd.s32 $0x7, v13  }
0x101: {  	v22 =	vmov s8;
	v6 =	vadd.s32 $0x6, v6;
	v50 =	vld [tilespmem:s7+$0xFFFFFFE0];
	v13 =	vbroadcast v13, $0x0  }
0x102: {  	s16 =	simm.s32 $0x1E;
	v16 =	vshrl.u32 v16, $0x3;
	v18 =	vshrl.u32 v18, $0x3;
	v53 =	vld [tilespmem:s7+$0xFFFFFFF0];
	v6 =	vbroadcast v6, $0x0  }
0x103: {  	v23 =	vmov s16;
	v55 =	vld [tilespmem:s7+$0x10];
	v17 =	vmul.f32 v17, v7;
	v7 =	vmul.f32 v21, v7  }
0x104: {  	v20 =	vshrl.u32 v20, $0x3;
	v22 =	vshrl.u32 v22, $0x3;
	v15 =	vshll.u32 v15, v5;
	v57 =	vld [tilespmem:s7+$0x30]  }
0x105: {  	v16 =	vshll.u32 v16, v5;
	v52 =	vmul.f32 v24, v8;
	[tilespmem:s7+$0xFFFFFF90] =	vst v7;
	v7 =	vmul.f32 v25, v8;
	v8 =	vld [tilespmem:s7+$0x0]  }
0x106: {  	v18 =	vshll.u32 v18, v5;
	v23 =	vshrl.u32 v23, $0x3;
	v51 =	vshll.u32 v20, v5;
	v59 =	vld [tilespmem:s7+$0x40]  }
0x107: {  	v22 =	vshll.u32 v22, v5;
	v15 =	vbroadcast v15, $0x0;
	v13 =	vld.idx.msk [tilespmem:v13+s24+$0x0], $0xffff;
	[tilespmem:s7+$0xFFFFFFB0] =	vst v7;
	v7 =	vmul.f32 v27, v9  }
0x108: {  	v16 =	vadd.s32 $0x1, v16;
	v18 =	vadd.s32 $0x2, v18;
	v54 =	vmul.f32 v26, v9;
	v9 =	vld [tilespmem:s7+$0x20]  }
0x109: {  	v23 =	vshll.u32 v23, v5;
	v16 =	vbroadcast v16, $0x0;
	s2 =	simm.s32 $0x1B;
	v6 =	vld.idx.msk [tilespmem:v6+s24+$0x0], $0xffff;
	[tilespmem:s7+$0xFFFFFFD0] =	vst v7;
	v7 =	vmul.f32 v53, v10  }
0x10a: {  	v18 =	vbroadcast v18, $0x0;
	v19 =	vmov s2;
	v8 =	vmul.f32 v8, v11  }
0x10b: {  	v56 =	vmul.f32 v50, v10;
	v10 =	vadd.s32 $0x5, v22;
	[tilespmem:s7+$0xFFFFFFF0] =	vst v7;
	v7 =	vmul.f32 v55, v11  }
0x10c: {  	s20 =	simm.s32 $0x1F;
	v19 =	vshrl.u32 v19, $0x3;
	v63 =	vld [tilespmem:s7+$0x60];
	v62 =	vbroadcast v10, $0x0;
	v12 =	vmul.f32 v12, v13;
	[tilespmem:s7+$0x0] =	vst v8  }
0x10d: {  	v8 =	vmul.f32 v9, v14;
	v9 =	vmov s20;
	[tilespmem:s7+$0x10] =	vst v7;
	v7 =	vmul.f32 v57, v14  }
0x10e: {  	v14 =	vmul.f32 v59, v6;
	[tilespmem:s7+$0x70] =	vst v12;
	v12 =	vshll.u32 v19, v5;
	v19 =	vadd.s32 $0x4, v51  }
0x10f: {  	v60 =	vld [tilespmem:s7+$0x50];
	[tilespmem:s7+$0x20] =	vst v8;
	v8 =	vshrl.u32 v9, $0x3;
	v12 =	vadd.s32 $0x3, v12;
	v19 =	vbroadcast v19, $0x0  }
0x110: {  	v61 =	vadd.s32 $0x6, v23;
	[tilespmem:s7+$0x30] =	vst v7;
	v7 =	vshll.u32 v8, v5;
	v58 =	vbroadcast v12, $0x0  }
0x111: {  	[tilespmem:s7+$0x40] =	vst v14;
	v14 =	vmul.f32 v63, v13;
	v12 =	vld.idx.msk [tilespmem:v15+s24+$0x0], $0xffff;
	v15 =	vbroadcast v61, $0x0;
	v13 =	vadd.s32 $0x7, v7  }
0x112: {  	[tilespmem:s7+$0xFFFFFF80] =	vst v17;
	v10 =	vld.idx.msk [tilespmem:v18+s24+$0x0], $0xffff;
	v13 =	vbroadcast v13, $0x0  }
0x113: {  	[tilespmem:s7+$0xFFFFFFA0] =	vst v52;
	v11 =	vld.idx.msk [tilespmem:v16+s24+$0x0], $0xffff  }
0x114: {  	[tilespmem:s7+$0xFFFFFFC0] =	vst v54;
	v6 =	vmul.f32 v60, v6;
	v7 =	vld.idx.msk [tilespmem:v62+s24+$0x0], $0xffff  }
0x115: {  	[tilespmem:s7+$0xFFFFFFE0] =	vst v56;
	v8 =	vld.idx.msk [tilespmem:v19+s24+$0x0], $0xffff  }
0x116: {  	[tilespmem:s7+$0x50] =	vst v6;
	v9 =	vld.idx.msk [tilespmem:v58+s24+$0x0], $0xffff  }
0x117: {  	s28 =	sshllo.u32 s25, $0x1;
	s8 =	simm.s32 $0x8;
	s0 =	sshll.u32 s25, $0x1;
	[tilespmem:s7+$0x60] =	vst v14;
	v6 =	vld.idx.msk [tilespmem:v15+s24+$0x0], $0xffff  }
.LBB2_3:
0x118: {  	s16 =	sadd.s32 $0x18, s8;
	s20 =	sadd.s32 $0x19, s8;
	v14 =	vld.idx.msk [tilespmem:v13+s24+$0x0], $0xffff;
	s7 =	sadd.s32 $0x100, s7  }
0x119: {  	s2 =	sadd.s32 $0x1C, s8;
	v13 =	vmov s16;
	v15 =	vmov s20;
	s16 =	sadd.s32 $0x1A, s8;
	s20 =	sadd.s32 $0x1B, s8;
	v16 =	vld [tilespmem:s7+$0x70]  }
0x11a: {  	v19 =	vmov s2;
	s2 =	sadd.s32 $0x1D, s8;
	v17 =	vmov s16;
	v18 =	vmov s20;
	s16 =	sadd.s32 $0x1E, s8;
	v20 =	vld [tilespmem:s7+$0xFFFFFF80]  }
0x11b: {  	v13 =	vshrl.u32 v13, $0x3;
	v21 =	vmov s2;
	v22 =	vmov s16;
	v23 =	vld [tilespmem:s7+$0xFFFFFF90]  }
0x11c: {  	v15 =	vshrl.u32 v15, $0x3;
	v17 =	vshrl.u32 v17, $0x3;
	v18 =	vshrl.u32 v18, $0x3;
	v24 =	vld [tilespmem:s7+$0xFFFFFFA0]  }
0x11d: {  	v19 =	vshrl.u32 v19, $0x3;
	v21 =	vshrl.u32 v21, $0x3;
	v22 =	vshrl.u32 v22, $0x3;
	v25 =	vld [tilespmem:s7+$0xFFFFFFB0]  }
0x11e: {  	v13 =	vshll.u32 v13, v5;
	v15 =	vshll.u32 v15, v5;
	v26 =	vld [tilespmem:s7+$0xFFFFFFC0];
	v16 =	vmul.f32 v16, v14  }
0x11f: {  	v17 =	vshll.u32 v17, v5;
	v18 =	vshll.u32 v18, v5;
	v20 =	vmul.f32 v20, v12;
	v27 =	vld [tilespmem:s7+$0xFFFFFFD0]  }
0x120: {  	v19 =	vshll.u32 v19, v5;
	v21 =	vshll.u32 v21, v5;
	v12 =	vmul.f32 v23, v12;
	v23 =	vld [tilespmem:s7+$0xFFFFFFE0];
	[tilespmem:s7+$0x70] =	vst v16  }
0x121: {  	v13 =	vbroadcast v13, $0x0;
	v16 =	vshll.u32 v22, v5;
	[tilespmem:s7+$0xFFFFFF80] =	vst v20;
	v20 =	vmul.f32 v24, v11;
	v22 =	vld [tilespmem:s7+$0xFFFFFFF0]  }
0x122: {  	v15 =	vadd.s32 $0x1, v15;
	v17 =	vadd.s32 $0x2, v17;
	[tilespmem:s7+$0xFFFFFF90] =	vst v12;
	v11 =	vmul.f32 v25, v11;
	v12 =	vld [tilespmem:s7+$0x0]  }
0x123: {  	v19 =	vadd.s32 $0x4, v19;
	v18 =	vadd.s32 $0x3, v18;
	[tilespmem:s7+$0xFFFFFFA0] =	vst v20;
	v20 =	vmul.f32 v26, v10;
	v24 =	vld [tilespmem:s7+$0x10]  }
0x124: {  	v15 =	vbroadcast v15, $0x0;
	v21 =	vadd.s32 $0x5, v21;
	[tilespmem:s7+$0xFFFFFFB0] =	vst v11;
	v10 =	vmul.f32 v27, v10;
	v11 =	vld [tilespmem:s7+$0x20]  }
0x125: {  	s2 =	sadd.s32 $0x1F, s8;
	s8 =	sadd.s32 $0x8, s8;
	v17 =	vbroadcast v17, $0x0;
	v16 =	vadd.s32 $0x6, v16;
	[tilespmem:s7+$0xFFFFFFC0] =	vst v20;
	v20 =	vmul.f32 v23, v9;
	v23 =	vld [tilespmem:s7+$0x30]  }
0x126: {  	p0 =	slt.u32 s8, $0xC0;
	v18 =	vbroadcast v18, $0x0;
	v25 =	vmov s2;
	[tilespmem:s7+$0xFFFFFFD0] =	vst v10;
	v9 =	vmul.f32 v22, v9;
	v22 =	vld [tilespmem:s7+$0x40]  }
0x127: {  	v19 =	vbroadcast v19, $0x0;
	v10 =	vshrl.u32 v25, $0x3;
	[tilespmem:s7+$0xFFFFFFE0] =	vst v20;
	v20 =	vmul.f32 v12, v8;
	v25 =	vld [tilespmem:s7+$0x50]  }
0x128: {  	v21 =	vbroadcast v21, $0x0;
	v10 =	vshll.u32 v10, v5;
	[tilespmem:s7+$0xFFFFFFF0] =	vst v9;
	v8 =	vmul.f32 v24, v8;
	v24 =	vld [tilespmem:s7+$0x60]  }
0x129: {  	v16 =	vbroadcast v16, $0x0;
	v9 =	vadd.s32 $0x7, v10;
	v12 =	vld.idx.msk [tilespmem:v13+s24+$0x0], $0xffff;
	[tilespmem:s7+$0x0] =	vst v20;
	v20 =	vmul.f32 v11, v7  }
0x12a: {  	v13 =	vbroadcast v9, $0x0;
	v11 =	vld.idx.msk [tilespmem:v15+s24+$0x0], $0xffff;
	[tilespmem:s7+$0x10] =	vst v8;
	v7 =	vmul.f32 v23, v7  }
.Ltmp0:
0x12b: {  	v10 =	vld.idx.msk [tilespmem:v17+s24+$0x0], $0xffff;
	[tilespmem:s7+$0x20] =	vst v20;
	v15 =	vmul.f32 v22, v6;
	(pc) =	sbr.rel @p0 .LBB2_3-.Ltmp0, $4  }
0x12c: {  	v9 =	vld.idx.msk [tilespmem:v18+s24+$0x0], $0xffff;
	[tilespmem:s7+$0x30] =	vst v7;
	v6 =	vmul.f32 v25, v6  }
0x12d: {  	v8 =	vld.idx.msk [tilespmem:v19+s24+$0x0], $0xffff;
	[tilespmem:s7+$0x40] =	vst v15;
	v14 =	vmul.f32 v24, v14  }
0x12e: {  	v7 =	vld.idx.msk [tilespmem:v21+s24+$0x0], $0xffff;
	[tilespmem:s7+$0x50] =	vst v6  }
0x12f: {  	v6 =	vld.idx.msk [tilespmem:v16+s24+$0x0], $0xffff;
	[tilespmem:s7+$0x60] =	vst v14  }
0x130: {  	_ =	sdelay $0x3  }
0x131: {  	v13 =	vld.idx.msk [tilespmem:v13+s24+$0x0], $0xffff;
	s2 =	sadd.s32 $0x100, s7  }
0x132: {  	v14 =	vld [tilespmem:s2+$0x70]  }
0x133: {  	v15 =	vld [tilespmem:s2+$0xFFFFFF80]  }
0x134: {  	v16 =	vld [tilespmem:s2+$0xFFFFFF90]  }
0x135: {  	v17 =	vld [tilespmem:s2+$0xFFFFFFA0]  }
0x136: {  	v18 =	vld [tilespmem:s2+$0xFFFFFFB0]  }
0x137: {  	v19 =	vld [tilespmem:s2+$0xFFFFFFC0];
	v14 =	vmul.f32 v14, v13  }
0x138: {  	v20 =	vld [tilespmem:s2+$0xFFFFFFD0];
	v15 =	vmul.f32 v15, v12  }
0x139: {  	v55 =	vld [tilespmem:s2+$0xFFFFFFE0];
	v54 =	vmul.f32 v16, v12;
	[tilespmem:s2+$0x70] =	vst v14  }
0x13a: {  	v57 =	vld [tilespmem:s2+$0xFFFFFFF0];
	v56 =	vmul.f32 v17, v11;
	[tilespmem:s2+$0xFFFFFF80] =	vst v15  }
0x13b: {  	v58 =	vld [tilespmem:s2+$0x0];
	v11 =	vmul.f32 v18, v11;
	[tilespmem:s2+$0xFFFFFF90] =	vst v54  }
0x13c: {  	v60 =	vld [tilespmem:s2+$0x10];
	v59 =	vmul.f32 v19, v10;
	[tilespmem:s2+$0xFFFFFFA0] =	vst v56  }
0x13d: {  	v10 =	vmul.f32 v20, v10;
	[tilespmem:s2+$0xFFFFFFB0] =	vst v11;
	v11 =	vld [tilespmem:s2+$0x20]  }
0x13e: {  	v62 =	vld [tilespmem:s2+$0x30];
	v61 =	vmul.f32 v55, v9;
	[tilespmem:s2+$0xFFFFFFC0] =	vst v59  }
0x13f: {  	v9 =	vmul.f32 v57, v9;
	[tilespmem:s2+$0xFFFFFFD0] =	vst v10;
	v10 =	vld [tilespmem:s2+$0x40]  }
0x140: {  	v63 =	vld [tilespmem:s2+$0x50];
	v12 =	vmul.f32 v58, v8;
	[tilespmem:s2+$0xFFFFFFE0] =	vst v61  }
0x141: {  	v8 =	vmul.f32 v60, v8;
	[tilespmem:s2+$0xFFFFFFF0] =	vst v9;
	v9 =	vld [tilespmem:s2+$0x60]  }
0x142: {  	[tilespmem:s2+$0x0] =	vst v12;
	v11 =	vmul.f32 v11, v7  }
0x143: {  	[tilespmem:s2+$0x10] =	vst v8;
	v7 =	vmul.f32 v62, v7  }
0x144: {  	v8 =	vmul.f32 v10, v6;
	[tilespmem:s2+$0x20] =	vst v11  }
0x145: {  	v6 =	vmul.f32 v63, v6;
	[tilespmem:s2+$0x30] =	vst v7  }
0x146: {  	[tilespmem:s2+$0x40] =	vst v8;
	v7 =	vmul.f32 v9, v13  }
0x147: {  	[tilespmem:s2+$0x50] =	vst v6  }
0x148: {  	s7 =	simm.s32 $0xCA30;
	s8 =	simm.s32 $0x10A30;
	[tilespmem:s2+$0x60] =	vst v7  }
0x149: {  	[spmem:s3] =	stream.indirect.scatter.add.f32 [tilespmem:s7], [sflag:$0x3], $0x20, s8, s15, $0xb8;
	[tilespmem:$0x11190] =	vst v63  }
0x14a: {  	_ =	swait.ge [sflag:s26], $0x1000  }
0x14b: {  	[sflag:s26] =	ssyncset.done $0x0  }
0x14c: {  	s16 =	simm.s32 $0xDA30;
	s20 =	simm.s32 $0x10AB0;
	[sflag:s26] =	ssyncadd.s32 $0xFFFFF000  }
0x14d: {  	[spmem:s3] =	stream.indirect.scatter.add.f32 [tilespmem:s16], [sflag:$0x3], $0x20, s20, s15, $0xb8;
	[tilespmem:$0x11190] =	vst v63  }
0x14e: {  	_ =	swait.ge [sflag:s26], $0x1000  }
0x14f: {  	[sflag:s26] =	ssyncset.done $0x0  }
0x150: {  	s7 =	simm.s32 $0x0;
	[sflag:s26] =	ssyncadd.s32 $0xFFFFF000  }
0x151: {  	v6 =	vmov s7;
	[tilespmem:s29], [sflag:$0x6] =	stream.linear.gather [spmem:s9], $0x140, $0x38;
	[tilespmem:$0x11190] =	vst v63  }
0x152: {  	v6 =	vadd.s32 $0x1, v6;
	_ =	swait.ge [sflag:s12], $0x140  }
0x153: {  	v6 =	vbroadcast v6, $0x0;
	[sflag:s12] =	ssyncset.done $0x0  }
0x154: {  	s8 =	simm.s32 $0x1;
	[sflag:s12] =	ssyncadd.s32 $0xFFFFFEC0  }
0x155: {  	v7 =	vmov s8;
	[spmem:s9] =	stream.linear.scatter [tilespmem:s14], [sflag:$0x6], $0x160, $0x38;
	[tilespmem:$0x11190] =	vst v63  }
0x156: {  	v7 =	vadd.s32 $0x1, v7;
	_ =	swait.ge [sflag:s12], $0x160  }
0x157: {  	v7 =	vbroadcast v7, $0x0;
	[sflag:s12] =	ssyncset.done $0x0  }
0x158: {  	[sflag:s12] =	ssyncadd.s32 $0xFFFFFEA0  }
0x159: {  	v6 =	vld.idx.msk [tilespmem:v6+s23+$0x0], $0xffff;
	_ =	sdelay $0x1  }
0x15a: {  	s16 =	simm.s32 $0x2  }
0x15b: {  	v8 =	vmov s16  }
0x15c: {  	v8 =	vadd.s32 $0x1, v8;
	v7 =	vld.idx.msk [tilespmem:v7+s23+$0x0], $0xffff  }
0x15d: {  	v8 =	vbroadcast v8, $0x0;
	v6 =	vadd.f32 $9.999999970e-07, v6;
	_ =	sdelay $0x1  }
0x15e: {  	(erf) = vrcp.f32 v6  }
0x15f: {  	s20 =	simm.s32 $0x3  }
0x160: {  	v9 =	vmov s20;
	v7 =	vadd.f32 $9.999999970e-07, v7  }
0x161: {  	v9 =	vadd.s32 $0x1, v9  }
0x162: {  	s8 =	simm.s32 $0x10C40;
	v9 =	vbroadcast v9, $0x0;
	v8 =	vld.idx.msk [tilespmem:v8+s23+$0x0], $0xffff;
	(erf) = vrcp.f32 v7  }
0x163: {  	v6 =	vld [tilespmem:s8+$0x0]  }
0x164: {  	v7 =	vld [tilespmem:s8+$0xFFFFFFF0]  }
0x165: {  	s7 =	simm.s32 $0x10C40;
	s16 =	simm.s32 $0x4  }
.LBB2_5:
0x166: {  	v10 =	vmov s16;
	p0 =	sne.s32 s16, $0x9;
	s16 =	sadd.s32 $0x1, s16  }
.Ltmp1:
0x167: {  	v10 =	vadd.s32 $0x1, v10;
	v11 =	vpop (erf);
	(pc) =	sbr.rel @p0 .LBB2_5-.Ltmp1, $4  }
0x168: {  	s8 =	sadd.s32 $0x20, s8;
	v12 =	vadd.f32 $9.999999970e-07, v8;
	v8 =	vld.idx.msk [tilespmem:v9+s23+$0x0], $0xffff;
	v9 =	vbroadcast v10, $0x0;
	v10 =	vmul.f32 v6, v11  }
0x169: {  	v6 =	vld [tilespmem:s8+$0x0];
	v11 =	vmul.f32 v11, v7  }
0x16a: {  	(erf) = vrcp.f32 v12;
	v7 =	vld [tilespmem:s8+$0xFFFFFFF0];
	[tilespmem:s7+$0x0] =	vst v10  }
0x16b: {  	[tilespmem:s7+$0xFFFFFFF0] =	vst v11;
	s7 =	smov.u32 s8  }
0x16c: {  	_ =	sdelay $0x3  }
0x16d: {  	v9 =	vld.idx.msk [tilespmem:v9+s23+$0x0], $0xffff;
	_ =	sdelay $0x2  }
0x16e: {  	v8 =	vadd.f32 $9.999999970e-07, v8;
	_ =	sdelay $0x1  }
0x16f: {  	(erf) = vrcp.f32 v8;
	v8 =	vadd.f32 $9.999999970e-07, v9;
	_ =	sdelay $0x1  }
0x170: {  	s2 =	sadd.s32 $0x20, s8;
	(erf) = vrcp.f32 v8  }
0x171: {  	v8 =	vld [tilespmem:s2+$0x0]  }
0x172: {  	s8 =	sadd.s32 $0x20, s2;
	v9 =	vld [tilespmem:s2+$0xFFFFFFF0]  }
0x173: {  	v10 =	vpop (erf);
	v11 =	vld [tilespmem:s8+$0x0]  }
0x174: {  	v6 =	vmul.f32 v6, v10;
	v12 =	vld [tilespmem:s8+$0xFFFFFFF0];
	s16 =	sadd.s32 $0x20, s8  }
0x175: {  	v7 =	vmul.f32 v10, v7;
	v10 =	vld [tilespmem:s16+$0x0];
	v13 =	vpop (erf)  }
0x176: {  	[tilespmem:s7+$0x0] =	vst v6;
	v6 =	vmul.f32 v8, v13;
	v8 =	vld [tilespmem:s16+$0xFFFFFFF0]  }
0x177: {  	[tilespmem:s7+$0xFFFFFFF0] =	vst v7;
	v7 =	vmul.f32 v13, v9;
	v9 =	vpop (erf)  }
0x178: {  	[tilespmem:s2+$0x0] =	vst v6;
	v6 =	vmul.f32 v11, v9  }
0x179: {  	[tilespmem:s2+$0xFFFFFFF0] =	vst v7;
	v7 =	vmul.f32 v9, v12;
	v9 =	vpop (erf)  }
0x17a: {  	s0 =	sadd.s32 s10, s0;
	[tilespmem:s8+$0x0] =	vst v6;
	v6 =	vmul.f32 v10, v9  }
0x17b: {  	s0 =	smul.u32 $0x28, s0;
	[tilespmem:s8+$0xFFFFFFF0] =	vst v7;
	v7 =	vmul.f32 v9, v8  }
0x17c: {  	[tilespmem:s16+$0x0] =	vst v6  }
0x17d: {  	s8 =	sadd.s32 s13, s0;
	s0 =	smul.u32 $0xC8, s28;
	[tilespmem:s16+$0xFFFFFFF0] =	vst v7  }
0x17e: {  	[hbm4b:s8+s4] =	stream.linear.scatter [tilespmem:s29], [sflag:$0x4], $0x140, $0x38;
	[tilespmem:$0x11190] =	vst v63  }
0x17f: {  	s16 =	sadd.s32 $0x6408, s0  }
0x180: {  	[tilespmem:s30], [sflag:$0x2] =	stream.indirect.gather [hbm4b:s5+s15], $0x20, s16, s15, $0xb8;
	[tilespmem:$0x11190] =	vst v63  }
0x181: {  	s20 =	simm.s32 $0xC930  }
0x182: {  	[tilespmem:s20], [sflag:$0x2] =	stream.indirect.gather [hbm4b:s6+s15], $0x1, s16, s15, $0xb8;
	[tilespmem:$0x11190] =	vst v63  }
0x183: {  	s7 =	sadd.s32 $0x6488, s0  }
0x184: {  	[tilespmem:s1], [sflag:$0x2] =	stream.indirect.gather [hbm4b:s5+s18], $0x20, s7, s18, $0xb8;
	[tilespmem:$0x11190] =	vst v63  }
0x185: {  	p0 =	seq.s32 s25, $0x3F;
	s8 =	simm.s32 $0xC9B0  }
0x186: {  	[tilespmem:s8], [sflag:$0x2] =	stream.indirect.gather [hbm4b:s6+s18], $0x1, s7, s18, $0xb8;
	[tilespmem:$0x11190] =	vst v63  }
0x187: {  	s2 =	sadd.s32 @!p0 $0x6598, s31;
	s7 =	simm.s32 @!p0 $0x80;
	s8 =	simm.s32 @!p0 $0xCA30  }
0x188: {  	[tilespmem:s8], [sflag:$0x1] =	stream.indirect.gather @!p0 [hbm4b:s5+s7], $0x20, s2, s7, $0xb8;
	[tilespmem:$0x11190] =	vst v63  }
0x189: {  	s8 =	simm.s32 @!p0 $0xC820  }
0x18a: {  	[tilespmem:s8], [sflag:$0x1] =	stream.indirect.gather @!p0 [hbm4b:s6+s7], $0x1, s2, s7, $0xb8;
	[tilespmem:$0x11190] =	vst v63  }
0x18b: {  	s2 =	sadd.s32 @!p0 $0x6618, s31;
	s7 =	simm.s32 @!p0 $0x50;
	s8 =	simm.s32 @!p0 $0xDA30  }
0x18c: {  	[tilespmem:s8], [sflag:$0x1] =	stream.indirect.gather @!p0 [hbm4b:s5+s7], $0x20, s2, s7, $0xb8;
	[tilespmem:$0x11190] =	vst v63  }
0x18d: {  	p1 =	seq.s32 @!p0 s25, $0x0;
	s8 =	simm.s32 @!p0 $0xC8A0  }
0x18e: {  	[tilespmem:s8], [sflag:$0x1] =	stream.indirect.gather @!p0 [hbm4b:s6+s7], $0x1, s2, s7, $0xb8;
	[tilespmem:$0x11190] =	vst v63  }
0x18f: {  	p0 =	por p0, !p1  }
0x190: {  	s2 =	simm.s32 @p0 $0x5  }
0x191: {  	_ =	swait.ge @p0 [sflag:s2], $0x140  }
0x192: {  	[sflag:s2] =	ssyncset.done @p0 $0x0  }
0x193: {  	[sflag:s2] =	ssyncadd.s32 @p0 $0xFFFFFEC0  }
0x194: {  	[tilespmem:$0x10EC0] =	vst v3  }
0x195: {  	_ =	swait.ge [sflag:s17], $0x1000  }
0x196: {  	[sflag:s17] =	ssyncset.done $0x0  }
0x197: {  	[sflag:s17] =	ssyncadd.s32 $0xFFFFF000  }
0x198: {  	_ =	swait.ge [sflag:s17], $0x80  }
0x199: {  	[sflag:s17] =	ssyncset.done $0x0  }
0x19a: {  	[sflag:s17] =	ssyncadd.s32 $0xFFFFFF80  }
0x19b: {  	_ =	swait.ge [sflag:s17], $0xA00  }
0x19c: {  	[sflag:s17] =	ssyncset.done $0x0  }
0x19d: {  	[sflag:s17] =	ssyncadd.s32 $0xFFFFF600  }
0x19e: {  	_ =	swait.ge [sflag:s17], $0x50  }
0x19f: {  	[sflag:s17] =	ssyncset.done $0x0  }
0x1a0: {  	[sflag:s17] =	ssyncadd.s32 $0xFFFFFFB0  }
0x1a1: {  	v6 =	vld [tilespmem:s0+$0x0];
	_ =	sdelay $0x4  }
0x1a2: {  	v7 =	vtrunc.f32 v6  }
0x1a3: {  	v7 =	vcvt.f32.s32 v7  }
0x1a4: {  	vm1 =	vlt.f32 v6, $1.000000000e+01  }
0x1a5: {  	v6 =	vadd.s32 $0x1, v7;
	_ =	sdelay $0x4  }
0x1a6: {  	[tilespmem:v6+s21+$0x0] =	vst.idx.add.f32.msk vm1, v4  }
0x1a7: {  	v6 =	vld [tilespmem:$0xC930];
	_ =	sdelay $0x4  }
0x1a8: {  	v6 =	vmul.f32 $1.442695020e+00, v6;
	_ =	sdelay $0x1  }
0x1a9: {  	(erf) = vpow2.f32 v6;
	_ =	sdelay $0x5  }
0x1aa: {  	v6 =	vadd.s32 v7, v0;
	_ =	sdelay $0x2  }
0x1ab: {  	[tilespmem:$0x10B30] =	vst v6;
	v6 =	vpop (erf)  }
0x1ac: {  	[tilespmem:$0xC930] =	vst v6  }
0x1ad: {  	v6 =	vld [tilespmem:s0+$0x10];
	_ =	sdelay $0x4  }
0x1ae: {  	v7 =	vtrunc.f32 v6  }
0x1af: {  	v7 =	vcvt.f32.s32 v7  }
0x1b0: {  	vm1 =	vlt.f32 v6, $1.000000000e+01  }
0x1b1: {  	v6 =	vadd.s32 $0x1, v7;
	_ =	sdelay $0x4  }
0x1b2: {  	[tilespmem:v6+s21+$0x0] =	vst.idx.add.f32.msk vm1, v4  }
0x1b3: {  	v6 =	vld [tilespmem:$0xC940];
	_ =	sdelay $0x4  }
0x1b4: {  	v6 =	vmul.f32 $1.442695020e+00, v6;
	_ =	sdelay $0x1  }
0x1b5: {  	(erf) = vpow2.f32 v6;
	_ =	sdelay $0x5  }
0x1b6: {  	v6 =	vadd.s32 v7, v0;
	_ =	sdelay $0x2  }
0x1b7: {  	[tilespmem:$0x10B40] =	vst v6;
	v6 =	vpop (erf)  }
0x1b8: {  	[tilespmem:$0xC940] =	vst v6  }
0x1b9: {  	v6 =	vld [tilespmem:s0+$0x20];
	_ =	sdelay $0x4  }
0x1ba: {  	v7 =	vtrunc.f32 v6  }
0x1bb: {  	v7 =	vcvt.f32.s32 v7  }
0x1bc: {  	vm1 =	vlt.f32 v6, $1.000000000e+01  }
0x1bd: {  	v6 =	vadd.s32 $0x1, v7;
	_ =	sdelay $0x4  }
0x1be: {  	[tilespmem:v6+s21+$0x0] =	vst.idx.add.f32.msk vm1, v4  }
0x1bf: {  	v6 =	vld [tilespmem:$0xC950];
	_ =	sdelay $0x4  }
0x1c0: {  	v6 =	vmul.f32 $1.442695020e+00, v6;
	_ =	sdelay $0x1  }
0x1c1: {  	(erf) = vpow2.f32 v6;
	_ =	sdelay $0x5  }
0x1c2: {  	v6 =	vadd.s32 v7, v0;
	_ =	sdelay $0x2  }
0x1c3: {  	[tilespmem:$0x10B50] =	vst v6;
	v6 =	vpop (erf)  }
0x1c4: {  	[tilespmem:$0xC950] =	vst v6  }
0x1c5: {  	v6 =	vld [tilespmem:s0+$0x30];
	_ =	sdelay $0x4  }
0x1c6: {  	v7 =	vtrunc.f32 v6  }
0x1c7: {  	v7 =	vcvt.f32.s32 v7  }
0x1c8: {  	vm1 =	vlt.f32 v6, $1.000000000e+01  }
0x1c9: {  	v6 =	vadd.s32 $0x1, v7;
	_ =	sdelay $0x4  }
0x1ca: {  	[tilespmem:v6+s21+$0x0] =	vst.idx.add.f32.msk vm1, v4  }
0x1cb: {  	v6 =	vld [tilespmem:$0xC960];
	_ =	sdelay $0x4  }
0x1cc: {  	v6 =	vmul.f32 $1.442695020e+00, v6;
	_ =	sdelay $0x1  }
0x1cd: {  	(erf) = vpow2.f32 v6;
	_ =	sdelay $0x5  }
0x1ce: {  	v6 =	vadd.s32 v7, v0;
	_ =	sdelay $0x2  }
0x1cf: {  	[tilespmem:$0x10B60] =	vst v6;
	v6 =	vpop (erf)  }
0x1d0: {  	[tilespmem:$0xC960] =	vst v6  }
0x1d1: {  	v6 =	vld [tilespmem:s0+$0x40];
	_ =	sdelay $0x4  }
0x1d2: {  	v7 =	vtrunc.f32 v6  }
0x1d3: {  	v7 =	vcvt.f32.s32 v7  }
0x1d4: {  	vm1 =	vlt.f32 v6, $1.000000000e+01  }
0x1d5: {  	v6 =	vadd.s32 $0x1, v7;
	_ =	sdelay $0x4  }
0x1d6: {  	[tilespmem:v6+s21+$0x0] =	vst.idx.add.f32.msk vm1, v4  }
0x1d7: {  	v6 =	vld [tilespmem:$0xC970];
	_ =	sdelay $0x4  }
0x1d8: {  	v6 =	vmul.f32 $1.442695020e+00, v6;
	_ =	sdelay $0x1  }
0x1d9: {  	(erf) = vpow2.f32 v6;
	_ =	sdelay $0x5  }
0x1da: {  	v6 =	vadd.s32 v7, v0;
	_ =	sdelay $0x2  }
0x1db: {  	[tilespmem:$0x10B70] =	vst v6;
	v6 =	vpop (erf)  }
0x1dc: {  	[tilespmem:$0xC970] =	vst v6  }
0x1dd: {  	v6 =	vld [tilespmem:s0+$0x50];
	_ =	sdelay $0x4  }
0x1de: {  	v7 =	vtrunc.f32 v6  }
0x1df: {  	v7 =	vcvt.f32.s32 v7  }
0x1e0: {  	vm1 =	vlt.f32 v6, $1.000000000e+01  }
0x1e1: {  	v6 =	vadd.s32 $0x1, v7;
	_ =	sdelay $0x4  }
0x1e2: {  	[tilespmem:v6+s21+$0x0] =	vst.idx.add.f32.msk vm1, v4  }
0x1e3: {  	v6 =	vld [tilespmem:$0xC980];
	_ =	sdelay $0x4  }
0x1e4: {  	v6 =	vmul.f32 $1.442695020e+00, v6;
	_ =	sdelay $0x1  }
0x1e5: {  	(erf) = vpow2.f32 v6;
	_ =	sdelay $0x5  }
0x1e6: {  	v6 =	vadd.s32 v7, v0;
	_ =	sdelay $0x2  }
0x1e7: {  	[tilespmem:$0x10B80] =	vst v6;
	v6 =	vpop (erf)  }
0x1e8: {  	[tilespmem:$0xC980] =	vst v6  }
0x1e9: {  	v6 =	vld [tilespmem:s0+$0x60];
	_ =	sdelay $0x4  }
0x1ea: {  	v7 =	vtrunc.f32 v6  }
0x1eb: {  	v7 =	vcvt.f32.s32 v7  }
0x1ec: {  	vm1 =	vlt.f32 v6, $1.000000000e+01  }
0x1ed: {  	v6 =	vadd.s32 $0x1, v7;
	_ =	sdelay $0x4  }
0x1ee: {  	[tilespmem:v6+s21+$0x0] =	vst.idx.add.f32.msk vm1, v4  }
0x1ef: {  	v6 =	vld [tilespmem:$0xC990];
	_ =	sdelay $0x4  }
0x1f0: {  	v6 =	vmul.f32 $1.442695020e+00, v6;
	_ =	sdelay $0x1  }
0x1f1: {  	(erf) = vpow2.f32 v6;
	_ =	sdelay $0x5  }
0x1f2: {  	v6 =	vadd.s32 v7, v0;
	_ =	sdelay $0x2  }
0x1f3: {  	[tilespmem:$0x10B90] =	vst v6;
	v6 =	vpop (erf)  }
0x1f4: {  	[tilespmem:$0xC990] =	vst v6  }
0x1f5: {  	v6 =	vld [tilespmem:s0+$0x70];
	_ =	sdelay $0x4  }
0x1f6: {  	v7 =	vtrunc.f32 v6  }
0x1f7: {  	v7 =	vcvt.f32.s32 v7  }
0x1f8: {  	vm1 =	vlt.f32 v6, $1.000000000e+01  }
0x1f9: {  	v6 =	vadd.s32 $0x1, v7;
	_ =	sdelay $0x4  }
0x1fa: {  	[tilespmem:v6+s21+$0x0] =	vst.idx.add.f32.msk vm1, v4  }
0x1fb: {  	v6 =	vld [tilespmem:$0xC9A0];
	_ =	sdelay $0x4  }
0x1fc: {  	v6 =	vmul.f32 $1.442695020e+00, v6;
	_ =	sdelay $0x1  }
0x1fd: {  	(erf) = vpow2.f32 v6;
	_ =	sdelay $0x5  }
0x1fe: {  	v6 =	vadd.s32 v7, v0;
	_ =	sdelay $0x2  }
0x1ff: {  	[tilespmem:$0x10BA0] =	vst v6;
	v6 =	vpop (erf)  }
0x200: {  	[tilespmem:$0xC9A0] =	vst v6  }
0x201: {  	v6 =	vld [tilespmem:s0+$0x80];
	_ =	sdelay $0x4  }
0x202: {  	v7 =	vtrunc.f32 v6  }
0x203: {  	v7 =	vcvt.f32.s32 v7  }
0x204: {  	vm1 =	vlt.f32 v6, $1.000000000e+01  }
0x205: {  	v6 =	vadd.s32 $0x1, v7;
	_ =	sdelay $0x4  }
0x206: {  	[tilespmem:v6+s21+$0x0] =	vst.idx.add.f32.msk vm1, v4  }
0x207: {  	v6 =	vld [tilespmem:$0xC9B0];
	_ =	sdelay $0x4  }
0x208: {  	v6 =	vmul.f32 $1.442695020e+00, v6;
	_ =	sdelay $0x1  }
0x209: {  	(erf) = vpow2.f32 v6;
	_ =	sdelay $0x5  }
0x20a: {  	v6 =	vadd.s32 v7, v0;
	_ =	sdelay $0x2  }
0x20b: {  	[tilespmem:$0x10BB0] =	vst v6;
	v6 =	vpop (erf)  }
0x20c: {  	[tilespmem:$0xC9B0] =	vst v6  }
0x20d: {  	v6 =	vld [tilespmem:s0+$0x90];
	_ =	sdelay $0x4  }
0x20e: {  	v7 =	vtrunc.f32 v6  }
0x20f: {  	v7 =	vcvt.f32.s32 v7  }
0x210: {  	vm1 =	vlt.f32 v6, $1.000000000e+01  }
0x211: {  	v6 =	vadd.s32 $0x1, v7;
	_ =	sdelay $0x4  }
0x212: {  	[tilespmem:v6+s21+$0x0] =	vst.idx.add.f32.msk vm1, v4  }
0x213: {  	v6 =	vld [tilespmem:$0xC9C0];
	_ =	sdelay $0x4  }
0x214: {  	v6 =	vmul.f32 $1.442695020e+00, v6;
	_ =	sdelay $0x1  }
0x215: {  	(erf) = vpow2.f32 v6;
	_ =	sdelay $0x5  }
0x216: {  	v6 =	vadd.s32 v7, v0;
	_ =	sdelay $0x2  }
0x217: {  	[tilespmem:$0x10BC0] =	vst v6;
	v6 =	vpop (erf)  }
0x218: {  	[tilespmem:$0xC9C0] =	vst v6  }
0x219: {  	v6 =	vld [tilespmem:s0+$0xA0];
	_ =	sdelay $0x4  }
0x21a: {  	v7 =	vtrunc.f32 v6  }
0x21b: {  	v7 =	vcvt.f32.s32 v7  }
0x21c: {  	vm1 =	vlt.f32 v6, $1.000000000e+01  }
0x21d: {  	v6 =	vadd.s32 $0x1, v7;
	_ =	sdelay $0x4  }
0x21e: {  	[tilespmem:v6+s21+$0x0] =	vst.idx.add.f32.msk vm1, v4  }
0x21f: {  	v6 =	vld [tilespmem:$0xC9D0];
	_ =	sdelay $0x4  }
0x220: {  	v6 =	vmul.f32 $1.442695020e+00, v6;
	_ =	sdelay $0x1  }
0x221: {  	(erf) = vpow2.f32 v6;
	_ =	sdelay $0x5  }
0x222: {  	v6 =	vadd.s32 v7, v0;
	_ =	sdelay $0x2  }
0x223: {  	[tilespmem:$0x10BD0] =	vst v6;
	v6 =	vpop (erf)  }
0x224: {  	[tilespmem:$0xC9D0] =	vst v6  }
0x225: {  	v6 =	vld [tilespmem:s0+$0xB0];
	_ =	sdelay $0x4  }
0x226: {  	v7 =	vtrunc.f32 v6  }
0x227: {  	v7 =	vcvt.f32.s32 v7  }
0x228: {  	vm1 =	vlt.f32 v6, $1.000000000e+01  }
0x229: {  	v6 =	vadd.s32 $0x1, v7;
	_ =	sdelay $0x4  }
0x22a: {  	[tilespmem:v6+s21+$0x0] =	vst.idx.add.f32.msk vm1, v4  }
0x22b: {  	v6 =	vld [tilespmem:$0xC9E0];
	_ =	sdelay $0x4  }
0x22c: {  	v6 =	vmul.f32 $1.442695020e+00, v6;
	_ =	sdelay $0x1  }
0x22d: {  	(erf) = vpow2.f32 v6;
	_ =	sdelay $0x5  }
0x22e: {  	v6 =	vadd.s32 v7, v0;
	_ =	sdelay $0x2  }
0x22f: {  	[tilespmem:$0x10BE0] =	vst v6;
	v6 =	vpop (erf)  }
0x230: {  	[tilespmem:$0xC9E0] =	vst v6  }
0x231: {  	v6 =	vld [tilespmem:s0+$0xC0];
	_ =	sdelay $0x4  }
0x232: {  	v7 =	vtrunc.f32 v6  }
0x233: {  	v7 =	vcvt.f32.s32 v7  }
0x234: {  	vm1 =	vlt.f32 v6, $1.000000000e+01  }
0x235: {  	vm1 =	vmand vm1, vm0;
	v6 =	vnsel vm0, $0xA, v7  }
0x236: {  	v7 =	vadd.s32 $0x1, v6;
	_ =	sdelay $0x4  }
0x237: {  	[tilespmem:v7+s21+$0x0] =	vst.idx.add.f32.msk vm1, v4  }
0x238: {  	v7 =	vld [tilespmem:$0xC9F0];
	_ =	sdelay $0x3  }
0x239: {  	s20 =	simm.s32 $0x11  }
0x23a: {  	v8 =	vmov s20;
	v7 =	vmul.f32 $1.442695020e+00, v7  }
0x23b: {  	s20 =	simm.s32 $0x15;
	v8 =	vshrl.u32 v8, $0x3  }
0x23c: {  	v12 =	vmov s20;
	v8 =	vshll.u32 v8, v5;
	(erf) = vpow2.f32 v7  }
0x23d: {  	s16 =	simm.s32 $0x10;
	v12 =	vshrl.u32 v12, $0x3;
	v8 =	vadd.s32 $0x1, v8;
	s31 =	simm.s32 $0x12  }
0x23e: {  	v8 =	vbroadcast v8, $0x0;
	v9 =	vmov s31;
	s8 =	simm.s32 $0x13;
	v7 =	vmov s16  }
0x23f: {  	v9 =	vshrl.u32 v9, $0x3;
	v10 =	vmov s8;
	v7 =	vshrl.u32 v7, $0x3  }
0x240: {  	v9 =	vshll.u32 v9, v5;
	v10 =	vshrl.u32 v10, $0x3;
	s16 =	simm.s32 $0x14;
	v7 =	vshll.u32 v7, v5  }
0x241: {  	v6 =	vadd.s32 v0, v6;
	v11 =	vmov s16;
	v7 =	vbroadcast v7, $0x0  }
0x242: {  	v9 =	vadd.s32 $0x2, v9;
	v10 =	vshll.u32 v10, v5;
	[tilespmem:$0x10BF0] =	vst v6;
	v11 =	vshrl.u32 v11, $0x3  }
0x243: {  	v9 =	vbroadcast v9, $0x0;
	v10 =	vadd.s32 $0x3, v10;
	[tilespmem:$0x10C00] =	vst v1;
	v11 =	vshll.u32 v11, v5  }
0x244: {  	v12 =	vshll.u32 v12, v5;
	v10 =	vbroadcast v10, $0x0;
	[tilespmem:$0x10C10] =	vst v1;
	v11 =	vadd.s32 $0x4, v11  }
0x245: {  	v12 =	vadd.s32 $0x5, v12;
	[tilespmem:$0x10C20] =	vst v1;
	v11 =	vbroadcast v11, $0x0;
	v6 =	vpop (erf)  }
0x246: {  	v12 =	vbroadcast v12, $0x0;
	[tilespmem:$0xC9F0] =	vst v6  }
0x247: {  	v7 =	vld.idx.msk [tilespmem:v7+s19+$0x0], $0xffff  }
0x248: {  	v8 =	vld.idx.msk [tilespmem:v8+s19+$0x0], $0xffff  }
0x249: {  	v9 =	vld.idx.msk [tilespmem:v9+s19+$0x0], $0xffff  }
0x24a: {  	v10 =	vld.idx.msk [tilespmem:v10+s19+$0x0], $0xffff  }
0x24b: {  	v11 =	vld.idx.msk [tilespmem:v11+s19+$0x0], $0xffff  }
0x24c: {  	s0 =	simm.s32 $0xEAB0;
	v14 =	vld.idx.msk [tilespmem:v12+s19+$0x0], $0xffff  }
0x24d: {  	s31 =	simm.s32 $0x16;
	v12 =	vld [tilespmem:s0+$0x70]  }
0x24e: {  	v13 =	vmov s31;
	v17 =	vld [tilespmem:s0+$0xFFFFFF80]  }
0x24f: {  	s20 =	simm.s32 $0x1B;
	v13 =	vshrl.u32 v13, $0x3;
	s2 =	simm.s32 $0x17;
	v21 =	vld [tilespmem:s0+$0xFFFFFF90]  }
0x250: {  	v19 =	vmov s20;
	s20 =	simm.s32 $0x1E;
	v6 =	vshll.u32 v13, v5;
	v13 =	vmov s2;
	v24 =	vld [tilespmem:s0+$0xFFFFFFA0]  }
0x251: {  	v23 =	vmov s20;
	v13 =	vshrl.u32 v13, $0x3;
	v25 =	vld [tilespmem:s0+$0xFFFFFFB0]  }
0x252: {  	v23 =	vshrl.u32 v23, $0x3;
	v26 =	vld [tilespmem:s0+$0xFFFFFFC0];
	v13 =	vshll.u32 v13, v5  }
0x253: {  	v19 =	vshrl.u32 v19, $0x3;
	v23 =	vshll.u32 v23, v5;
	s31 =	simm.s32 $0x1C;
	v27 =	vld [tilespmem:s0+$0xFFFFFFD0];
	v13 =	vadd.s32 $0x7, v13  }
0x254: {  	v20 =	vmov s31;
	s7 =	simm.s32 $0x18;
	s8 =	simm.s32 $0x19;
	v6 =	vadd.s32 $0x6, v6;
	v50 =	vld [tilespmem:s0+$0xFFFFFFE0];
	v13 =	vbroadcast v13, $0x0  }
0x255: {  	v15 =	vmov s7;
	v16 =	vmov s8;
	v53 =	vld [tilespmem:s0+$0xFFFFFFF0];
	v6 =	vbroadcast v6, $0x0  }
0x256: {  	v15 =	vshrl.u32 v15, $0x3;
	v55 =	vld [tilespmem:s0+$0x10];
	v17 =	vmul.f32 v17, v7;
	v7 =	vmul.f32 v21, v7  }
0x257: {  	v20 =	vshrl.u32 v20, $0x3;
	v16 =	vshrl.u32 v16, $0x3;
	v15 =	vshll.u32 v15, v5;
	v57 =	vld [tilespmem:s0+$0x30]  }
0x258: {  	v16 =	vshll.u32 v16, v5;
	s16 =	simm.s32 $0x1A;
	v52 =	vmul.f32 v24, v8;
	[tilespmem:s0+$0xFFFFFF90] =	vst v7;
	v7 =	vmul.f32 v25, v8;
	v8 =	vld [tilespmem:s0+$0x0]  }
0x259: {  	v15 =	vbroadcast v15, $0x0;
	v16 =	vadd.s32 $0x1, v16;
	v18 =	vmov s16;
	v59 =	vld [tilespmem:s0+$0x40]  }
0x25a: {  	v16 =	vbroadcast v16, $0x0;
	s16 =	simm.s32 $0x1D;
	v18 =	vshrl.u32 v18, $0x3;
	v13 =	vld.idx.msk [tilespmem:v13+s19+$0x0], $0xffff;
	[tilespmem:s0+$0xFFFFFFB0] =	vst v7;
	v7 =	vmul.f32 v27, v9  }
0x25b: {  	v22 =	vmov s16;
	v18 =	vshll.u32 v18, v5;
	v54 =	vmul.f32 v26, v9;
	v9 =	vld [tilespmem:s0+$0x20]  }
0x25c: {  	v22 =	vshrl.u32 v22, $0x3;
	v18 =	vadd.s32 $0x2, v18;
	v6 =	vld.idx.msk [tilespmem:v6+s19+$0x0], $0xffff;
	[tilespmem:s0+$0xFFFFFFD0] =	vst v7;
	v7 =	vmul.f32 v53, v10  }
0x25d: {  	v22 =	vshll.u32 v22, v5;
	v18 =	vbroadcast v18, $0x0;
	v8 =	vmul.f32 v8, v11  }
0x25e: {  	v56 =	vmul.f32 v50, v10;
	v10 =	vadd.s32 $0x5, v22;
	[tilespmem:s0+$0xFFFFFFF0] =	vst v7;
	v7 =	vmul.f32 v55, v11  }
0x25f: {  	s31 =	simm.s32 $0x1F;
	v51 =	vshll.u32 v20, v5;
	v63 =	vld [tilespmem:s0+$0x60];
	v62 =	vbroadcast v10, $0x0;
	v12 =	vmul.f32 v12, v13;
	[tilespmem:s0+$0x0] =	vst v8  }
0x260: {  	v8 =	vmul.f32 v9, v14;
	v9 =	vmov s31;
	[tilespmem:s0+$0x10] =	vst v7;
	v7 =	vmul.f32 v57, v14  }
0x261: {  	v14 =	vmul.f32 v59, v6;
	[tilespmem:s0+$0x70] =	vst v12;
	v12 =	vshll.u32 v19, v5;
	v19 =	vadd.s32 $0x4, v51  }
0x262: {  	v60 =	vld [tilespmem:s0+$0x50];
	[tilespmem:s0+$0x20] =	vst v8;
	v8 =	vshrl.u32 v9, $0x3;
	v12 =	vadd.s32 $0x3, v12;
	v19 =	vbroadcast v19, $0x0  }
0x263: {  	v61 =	vadd.s32 $0x6, v23;
	[tilespmem:s0+$0x30] =	vst v7;
	v7 =	vshll.u32 v8, v5;
	v58 =	vbroadcast v12, $0x0  }
0x264: {  	[tilespmem:s0+$0x40] =	vst v14;
	v14 =	vmul.f32 v63, v13;
	v12 =	vld.idx.msk [tilespmem:v15+s19+$0x0], $0xffff;
	v15 =	vbroadcast v61, $0x0;
	v13 =	vadd.s32 $0x7, v7  }
0x265: {  	[tilespmem:s0+$0xFFFFFF80] =	vst v17;
	v10 =	vld.idx.msk [tilespmem:v18+s19+$0x0], $0xffff;
	v13 =	vbroadcast v13, $0x0  }
0x266: {  	[tilespmem:s0+$0xFFFFFFA0] =	vst v52;
	v11 =	vld.idx.msk [tilespmem:v16+s19+$0x0], $0xffff  }
0x267: {  	[tilespmem:s0+$0xFFFFFFC0] =	vst v54;
	v6 =	vmul.f32 v60, v6;
	v7 =	vld.idx.msk [tilespmem:v62+s19+$0x0], $0xffff  }
0x268: {  	[tilespmem:s0+$0xFFFFFFE0] =	vst v56;
	v8 =	vld.idx.msk [tilespmem:v19+s19+$0x0], $0xffff  }
0x269: {  	[tilespmem:s0+$0x50] =	vst v6;
	v9 =	vld.idx.msk [tilespmem:v58+s19+$0x0], $0xffff  }
0x26a: {  	s7 =	simm.s32 $0x8;
	[tilespmem:s0+$0x60] =	vst v14;
	v6 =	vld.idx.msk [tilespmem:v15+s19+$0x0], $0xffff  }
.LBB2_7:
0x26b: {  	s2 =	sadd.s32 $0x18, s7;
	s8 =	sadd.s32 $0x19, s7;
	v14 =	vld.idx.msk [tilespmem:v13+s19+$0x0], $0xffff;
	s0 =	sadd.s32 $0x100, s0  }
0x26c: {  	s16 =	sadd.s32 $0x1C, s7;
	v13 =	vmov s2;
	v15 =	vmov s8;
	s2 =	sadd.s32 $0x1A, s7;
	s8 =	sadd.s32 $0x1B, s7;
	v16 =	vld [tilespmem:s0+$0x70]  }
0x26d: {  	v19 =	vmov s16;
	v17 =	vmov s2;
	v18 =	vmov s8;
	s2 =	sadd.s32 $0x1D, s7;
	s8 =	sadd.s32 $0x1E, s7;
	v20 =	vld [tilespmem:s0+$0xFFFFFF80]  }
0x26e: {  	v13 =	vshrl.u32 v13, $0x3;
	v21 =	vmov s2;
	v22 =	vmov s8;
	v23 =	vld [tilespmem:s0+$0xFFFFFF90]  }
0x26f: {  	v15 =	vshrl.u32 v15, $0x3;
	v17 =	vshrl.u32 v17, $0x3;
	v18 =	vshrl.u32 v18, $0x3;
	v24 =	vld [tilespmem:s0+$0xFFFFFFA0]  }
0x270: {  	v19 =	vshrl.u32 v19, $0x3;
	v21 =	vshrl.u32 v21, $0x3;
	v22 =	vshrl.u32 v22, $0x3;
	v25 =	vld [tilespmem:s0+$0xFFFFFFB0]  }
0x271: {  	v13 =	vshll.u32 v13, v5;
	v15 =	vshll.u32 v15, v5;
	v26 =	vld [tilespmem:s0+$0xFFFFFFC0];
	v16 =	vmul.f32 v16, v14  }
0x272: {  	v17 =	vshll.u32 v17, v5;
	v18 =	vshll.u32 v18, v5;
	v20 =	vmul.f32 v20, v12;
	v27 =	vld [tilespmem:s0+$0xFFFFFFD0]  }
0x273: {  	v19 =	vshll.u32 v19, v5;
	v21 =	vshll.u32 v21, v5;
	v12 =	vmul.f32 v23, v12;
	v23 =	vld [tilespmem:s0+$0xFFFFFFE0];
	[tilespmem:s0+$0x70] =	vst v16  }
0x274: {  	v13 =	vbroadcast v13, $0x0;
	v16 =	vshll.u32 v22, v5;
	[tilespmem:s0+$0xFFFFFF80] =	vst v20;
	v20 =	vmul.f32 v24, v11;
	v22 =	vld [tilespmem:s0+$0xFFFFFFF0]  }
0x275: {  	v15 =	vadd.s32 $0x1, v15;
	v17 =	vadd.s32 $0x2, v17;
	[tilespmem:s0+$0xFFFFFF90] =	vst v12;
	v11 =	vmul.f32 v25, v11;
	v12 =	vld [tilespmem:s0+$0x0]  }
0x276: {  	v19 =	vadd.s32 $0x4, v19;
	v18 =	vadd.s32 $0x3, v18;
	[tilespmem:s0+$0xFFFFFFA0] =	vst v20;
	v20 =	vmul.f32 v26, v10;
	v24 =	vld [tilespmem:s0+$0x10]  }
0x277: {  	v15 =	vbroadcast v15, $0x0;
	v21 =	vadd.s32 $0x5, v21;
	[tilespmem:s0+$0xFFFFFFB0] =	vst v11;
	v10 =	vmul.f32 v27, v10;
	v11 =	vld [tilespmem:s0+$0x20]  }
0x278: {  	s2 =	sadd.s32 $0x1F, s7;
	s7 =	sadd.s32 $0x8, s7;
	v17 =	vbroadcast v17, $0x0;
	v16 =	vadd.s32 $0x6, v16;
	[tilespmem:s0+$0xFFFFFFC0] =	vst v20;
	v20 =	vmul.f32 v23, v9;
	v23 =	vld [tilespmem:s0+$0x30]  }
0x279: {  	p0 =	slt.u32 s7, $0xC0;
	v18 =	vbroadcast v18, $0x0;
	v25 =	vmov s2;
	[tilespmem:s0+$0xFFFFFFD0] =	vst v10;
	v9 =	vmul.f32 v22, v9;
	v22 =	vld [tilespmem:s0+$0x40]  }
0x27a: {  	v19 =	vbroadcast v19, $0x0;
	v10 =	vshrl.u32 v25, $0x3;
	[tilespmem:s0+$0xFFFFFFE0] =	vst v20;
	v20 =	vmul.f32 v12, v8;
	v25 =	vld [tilespmem:s0+$0x50]  }
0x27b: {  	v21 =	vbroadcast v21, $0x0;
	v10 =	vshll.u32 v10, v5;
	[tilespmem:s0+$0xFFFFFFF0] =	vst v9;
	v8 =	vmul.f32 v24, v8;
	v24 =	vld [tilespmem:s0+$0x60]  }
0x27c: {  	v16 =	vbroadcast v16, $0x0;
	v9 =	vadd.s32 $0x7, v10;
	v12 =	vld.idx.msk [tilespmem:v13+s19+$0x0], $0xffff;
	[tilespmem:s0+$0x0] =	vst v20;
	v20 =	vmul.f32 v11, v7  }
0x27d: {  	v13 =	vbroadcast v9, $0x0;
	v11 =	vld.idx.msk [tilespmem:v15+s19+$0x0], $0xffff;
	[tilespmem:s0+$0x10] =	vst v8;
	v7 =	vmul.f32 v23, v7  }
.Ltmp2:
0x27e: {  	v10 =	vld.idx.msk [tilespmem:v17+s19+$0x0], $0xffff;
	[tilespmem:s0+$0x20] =	vst v20;
	v15 =	vmul.f32 v22, v6;
	(pc) =	sbr.rel @p0 .LBB2_7-.Ltmp2, $4  }
0x27f: {  	v9 =	vld.idx.msk [tilespmem:v18+s19+$0x0], $0xffff;
	[tilespmem:s0+$0x30] =	vst v7;
	v6 =	vmul.f32 v25, v6  }
0x280: {  	v8 =	vld.idx.msk [tilespmem:v19+s19+$0x0], $0xffff;
	[tilespmem:s0+$0x40] =	vst v15;
	v14 =	vmul.f32 v24, v14  }
0x281: {  	v7 =	vld.idx.msk [tilespmem:v21+s19+$0x0], $0xffff;
	[tilespmem:s0+$0x50] =	vst v6  }
0x282: {  	v6 =	vld.idx.msk [tilespmem:v16+s19+$0x0], $0xffff;
	[tilespmem:s0+$0x60] =	vst v14  }
0x283: {  	_ =	sdelay $0x3  }
0x284: {  	v13 =	vld.idx.msk [tilespmem:v13+s19+$0x0], $0xffff;
	s0 =	sadd.s32 $0x100, s0  }
0x285: {  	v14 =	vld [tilespmem:s0+$0x70]  }
0x286: {  	v15 =	vld [tilespmem:s0+$0xFFFFFF80]  }
0x287: {  	v16 =	vld [tilespmem:s0+$0xFFFFFF90]  }
0x288: {  	v17 =	vld [tilespmem:s0+$0xFFFFFFA0]  }
0x289: {  	v18 =	vld [tilespmem:s0+$0xFFFFFFB0]  }
0x28a: {  	v19 =	vld [tilespmem:s0+$0xFFFFFFC0];
	v14 =	vmul.f32 v14, v13  }
0x28b: {  	v20 =	vld [tilespmem:s0+$0xFFFFFFD0];
	v15 =	vmul.f32 v15, v12  }
0x28c: {  	v55 =	vld [tilespmem:s0+$0xFFFFFFE0];
	v54 =	vmul.f32 v16, v12;
	[tilespmem:s0+$0x70] =	vst v14  }
0x28d: {  	v57 =	vld [tilespmem:s0+$0xFFFFFFF0];
	v56 =	vmul.f32 v17, v11;
	[tilespmem:s0+$0xFFFFFF80] =	vst v15  }
0x28e: {  	v58 =	vld [tilespmem:s0+$0x0];
	v11 =	vmul.f32 v18, v11;
	[tilespmem:s0+$0xFFFFFF90] =	vst v54  }
0x28f: {  	v60 =	vld [tilespmem:s0+$0x10];
	v59 =	vmul.f32 v19, v10;
	[tilespmem:s0+$0xFFFFFFA0] =	vst v56  }
0x290: {  	v10 =	vmul.f32 v20, v10;
	[tilespmem:s0+$0xFFFFFFB0] =	vst v11;
	v11 =	vld [tilespmem:s0+$0x20]  }
0x291: {  	v62 =	vld [tilespmem:s0+$0x30];
	v61 =	vmul.f32 v55, v9;
	[tilespmem:s0+$0xFFFFFFC0] =	vst v59  }
0x292: {  	v9 =	vmul.f32 v57, v9;
	[tilespmem:s0+$0xFFFFFFD0] =	vst v10;
	v10 =	vld [tilespmem:s0+$0x40]  }
0x293: {  	v63 =	vld [tilespmem:s0+$0x50];
	v12 =	vmul.f32 v58, v8;
	[tilespmem:s0+$0xFFFFFFE0] =	vst v61  }
0x294: {  	v8 =	vmul.f32 v60, v8;
	[tilespmem:s0+$0xFFFFFFF0] =	vst v9;
	v9 =	vld [tilespmem:s0+$0x60]  }
0x295: {  	[tilespmem:s0+$0x0] =	vst v12;
	v11 =	vmul.f32 v11, v7  }
0x296: {  	[tilespmem:s0+$0x10] =	vst v8;
	v7 =	vmul.f32 v62, v7  }
0x297: {  	v8 =	vmul.f32 v10, v6;
	[tilespmem:s0+$0x20] =	vst v11  }
0x298: {  	v6 =	vmul.f32 v63, v6;
	[tilespmem:s0+$0x30] =	vst v7  }
0x299: {  	[tilespmem:s0+$0x40] =	vst v8;
	v7 =	vmul.f32 v9, v13  }
0x29a: {  	[tilespmem:s0+$0x50] =	vst v6  }
0x29b: {  	s2 =	simm.s32 $0x10B30;
	[tilespmem:s0+$0x60] =	vst v7  }
0x29c: {  	[spmem:s3] =	stream.indirect.scatter.add.f32 [tilespmem:s30], [sflag:$0x3], $0x20, s2, s15, $0xb8;
	[tilespmem:$0x11190] =	vst v63  }
0x29d: {  	_ =	swait.ge [sflag:s26], $0x1000  }
0x29e: {  	[sflag:s26] =	ssyncset.done $0x0  }
0x29f: {  	s7 =	simm.s32 $0x10BB0;
	[sflag:s26] =	ssyncadd.s32 $0xFFFFF000  }
0x2a0: {  	[spmem:s3] =	stream.indirect.scatter.add.f32 [tilespmem:s1], [sflag:$0x3], $0x20, s7, s15, $0xb8;
	[tilespmem:$0x11190] =	vst v63  }
0x2a1: {  	_ =	swait.ge [sflag:s26], $0x1000  }
0x2a2: {  	[sflag:s26] =	ssyncset.done $0x0  }
0x2a3: {  	s8 =	simm.s32 $0x0;
	[sflag:s26] =	ssyncadd.s32 $0xFFFFF000  }
0x2a4: {  	v6 =	vmov s8;
	[tilespmem:s11], [sflag:$0x6] =	stream.linear.gather [spmem:s9], $0x140, $0x38;
	[tilespmem:$0x11190] =	vst v63  }
0x2a5: {  	v6 =	vadd.s32 $0x1, v6;
	_ =	swait.ge [sflag:s12], $0x140  }
0x2a6: {  	v6 =	vbroadcast v6, $0x0;
	[sflag:s12] =	ssyncset.done $0x0  }
0x2a7: {  	s16 =	simm.s32 $0x1;
	[sflag:s12] =	ssyncadd.s32 $0xFFFFFEC0  }
0x2a8: {  	v7 =	vmov s16;
	[spmem:s9] =	stream.linear.scatter [tilespmem:s14], [sflag:$0x6], $0x160, $0x38;
	[tilespmem:$0x11190] =	vst v63  }
0x2a9: {  	v7 =	vadd.s32 $0x1, v7;
	_ =	swait.ge [sflag:s12], $0x160  }
0x2aa: {  	v7 =	vbroadcast v7, $0x0;
	[sflag:s12] =	ssyncset.done $0x0  }
0x2ab: {  	[sflag:s12] =	ssyncadd.s32 $0xFFFFFEA0  }
0x2ac: {  	v6 =	vld.idx.msk [tilespmem:v6+s21+$0x0], $0xffff;
	_ =	sdelay $0x1  }
0x2ad: {  	s20 =	simm.s32 $0x2  }
0x2ae: {  	v8 =	vmov s20  }
0x2af: {  	v8 =	vadd.s32 $0x1, v8;
	v7 =	vld.idx.msk [tilespmem:v7+s21+$0x0], $0xffff  }
0x2b0: {  	v8 =	vbroadcast v8, $0x0;
	v6 =	vadd.f32 $9.999999970e-07, v6;
	_ =	sdelay $0x1  }
0x2b1: {  	(erf) = vrcp.f32 v6  }
0x2b2: {  	s31 =	simm.s32 $0x3  }
0x2b3: {  	v9 =	vmov s31;
	v7 =	vadd.f32 $9.999999970e-07, v7  }
0x2b4: {  	v9 =	vadd.s32 $0x1, v9  }
0x2b5: {  	v9 =	vbroadcast v9, $0x0;
	s7 =	simm.s32 $0x10D80;
	v8 =	vld.idx.msk [tilespmem:v8+s21+$0x0], $0xffff;
	(erf) = vrcp.f32 v7  }
0x2b6: {  	v6 =	vld [tilespmem:s7+$0x0]  }
0x2b7: {  	v7 =	vld [tilespmem:s7+$0xFFFFFFF0]  }
0x2b8: {  	s8 =	simm.s32 $0x4;
	s0 =	simm.s32 $0x10D80  }
.LBB2_9:
0x2b9: {  	v10 =	vmov s8;
	p0 =	sne.s32 s8, $0x9;
	s8 =	sadd.s32 $0x1, s8  }
.Ltmp3:
0x2ba: {  	v10 =	vadd.s32 $0x1, v10;
	v11 =	vpop (erf);
	(pc) =	sbr.rel @p0 .LBB2_9-.Ltmp3, $4  }
0x2bb: {  	s7 =	sadd.s32 $0x20, s7;
	v12 =	vadd.f32 $9.999999970e-07, v8;
	v8 =	vld.idx.msk [tilespmem:v9+s21+$0x0], $0xffff;
	v9 =	vbroadcast v10, $0x0;
	v10 =	vmul.f32 v6, v11  }
0x2bc: {  	v6 =	vld [tilespmem:s7+$0x0];
	v11 =	vmul.f32 v11, v7  }
0x2bd: {  	(erf) = vrcp.f32 v12;
	v7 =	vld [tilespmem:s7+$0xFFFFFFF0];
	[tilespmem:s0+$0x0] =	vst v10  }
0x2be: {  	[tilespmem:s0+$0xFFFFFFF0] =	vst v11;
	s0 =	smov.u32 s7  }
0x2bf: {  	_ =	sdelay $0x3  }
0x2c0: {  	v9 =	vld.idx.msk [tilespmem:v9+s21+$0x0], $0xffff;
	_ =	sdelay $0x2  }
0x2c1: {  	v8 =	vadd.f32 $9.999999970e-07, v8;
	_ =	sdelay $0x1  }
0x2c2: {  	(erf) = vrcp.f32 v8;
	v57 =	vadd.f32 $9.999999970e-07, v9;
	_ =	sdelay $0x1  }
0x2c3: {  	s2 =	sadd.s32 $0x20, s7;
	(erf) = vrcp.f32 v57  }
0x2c4: {  	v58 =	vld [tilespmem:s2+$0x0]  }
0x2c5: {  	v59 =	vld [tilespmem:s2+$0xFFFFFFF0];
	s7 =	sadd.s32 $0x20, s2  }
0x2c6: {  	v10 =	vpop (erf);
	v11 =	vld [tilespmem:s7+$0x0]  }
0x2c7: {  	v6 =	vmul.f32 v6, v10;
	v12 =	vld [tilespmem:s7+$0xFFFFFFF0];
	s8 =	sadd.s32 $0x20, s7  }
0x2c8: {  	v7 =	vmul.f32 v10, v7;
	v60 =	vld [tilespmem:s8+$0x0];
	v13 =	vpop (erf)  }
0x2c9: {  	v61 =	vld [tilespmem:s8+$0xFFFFFFF0];
	[tilespmem:s0+$0x0] =	vst v6;
	v6 =	vmul.f32 v58, v13  }
0x2ca: {  	[tilespmem:s0+$0xFFFFFFF0] =	vst v7;
	v7 =	vmul.f32 v13, v59;
	v62 =	vpop (erf)  }
0x2cb: {  	s25 =	sadd.s32 $0x1, s25;
	[tilespmem:s2+$0x0] =	vst v6;
	v6 =	vmul.f32 v11, v62  }
0x2cc: {  	p0 =	sne.s32 s25, $0x40;
	[tilespmem:s2+$0xFFFFFFF0] =	vst v7;
	v7 =	vmul.f32 v62, v12;
	v63 =	vpop (erf)  }
.Ltmp4:
0x2cd: {  	s31 =	sadd.s32 s10, s28;
	[tilespmem:s7+$0x0] =	vst v6;
	v6 =	vmul.f32 v60, v63;
	(pc) =	sbr.rel @p0 .LBB2_2-.Ltmp4, $4  }
0x2ce: {  	s0 =	smul.u32 $0x28, s31;
	[tilespmem:s7+$0xFFFFFFF0] =	vst v7;
	v7 =	vmul.f32 v63, v61  }
0x2cf: {  	[tilespmem:s8+$0x0] =	vst v6  }
0x2d0: {  	s0 =	sadd.s32 s13, s0;
	[tilespmem:s8+$0xFFFFFFF0] =	vst v7  }
0x2d1: {  	[hbm4b:s0+s4] =	stream.linear.scatter [tilespmem:s11], [sflag:$0x5], $0x140, $0x38;
	[tilespmem:$0x11190] =	vst v63  }
0x2d2: {  	s0 =	simm.s32 $0x4  }
0x2d3: {  	_ =	swait.ge [sflag:s0], $0x140  }
0x2d4: {  	[sflag:s0] =	ssyncset.done $0x0  }
0x2d5: {  	s2 =	simm.s32 $0x5;
	[sflag:s0] =	ssyncadd.s32 $0xFFFFFEC0  }
0x2d6: {  	_ =	swait.ge [sflag:s2], $0x140  }
0x2d7: {  	s7 =	rddreg [dreg:$0x7]  }
0x2d8: {  	s31 =	rddreg [dreg:$0x6];
	s7 =	sadd.s32 $0x1, s7  }
0x2d9: {  	p0 =	sne.s32 s7, s31  }
.Ltmp5:
0x2da: {  	_ = 	snop;
	(pc) =	sbr.rel @p0 .LBB2_1-.Ltmp5, $3  }
0x2db: {  	_ =	sdelay $0x1  }
0x2dc: {  	[sflag:s2] =	ssyncset.done $0x0  }
0x2dd: {  	[sflag:s2] =	ssyncadd.s32 $0xFFFFFEC0  }
0x2de: {  	_ =	sfence.sel $0x180000  }
0x2df: {  	[bflag:$0x0] =	sbarrier.arrive $0xFFFF  }
0x2e0: {  	_ =	strace $0x90000047  }
0x2e1: {  	s0 =	stileid.u32;
	[bflag:$0x2] =	sbarrier.arrive $0xFFFF  }
0x2e2: {  	p0 =	sne.s32 s0, $0x0;
	s0 =	rddreg [dreg:$0x3]  }
0x2e3: {  	s0 =	sadd.s32 @!p0 $0x100000, s0  }
0x2e4: {  	[sflag:s0] =	ssyncadd.tile.s32 @!p0 $0x1;
	_ =	shalt  }
.Lfunc_end2:
_tile_overlayer_lowered:
.L_overlay_start_2:
0x2e5: {  	(tag) =	ssettag $0x2  }
0x2e6: {  	s0 =	rddreg [dreg:$0x0];
	s2 =	stileid.u32  }
0x2e7: {  	s1 =	rddreg [dreg:$0x1];
	p0 =	sne.s32 s2, $0x0  }
0x2e8: {  	s3 =	rddreg [dreg:$0x2];
	[bflag:$0x3] =	sbarrier.arrive $0xFFFF;
	s2 =	simm.s32 @!p0 $0x1C06  }
0x2e9: {  	[timem:s3], [sflag:s2] =	dma.local @!p0 [hbm:s0], s1  }
0x2ea: {  	s0 =	simm.s32 @!p0 $0x6  }
0x2eb: {  	_ =	swait.ge @!p0 [sflag:s0], s1  }
0x2ec: {  	s1 =	ssub.s32 @!p0 $0x0, s1;
	[sflag:s0] =	ssyncset.done @!p0 $0x0  }
0x2ed: {  	[sflag:s0] =	ssyncadd.s32 @!p0 s1  }
0x2ee: {  	[bflag:$0x3] =	sbarrier.arrive $0xFFFF  }
0x2ef: {  	_ =	shalt  }

</sc_bundles>
